<compile_context>
chip_gen: v7x
topology: tpu7x:2x2x1
jax: 0.10.2.dev20260603
libtpu: 0.0.44.dev20260713+nightly
codegen_flags: <defaults>
</compile_context>

<pallas_src>
import functools

import jax
import jax.numpy as jnp
from jax import lax
from jax.experimental import pallas as pl
from jax.experimental.pallas import tpu as pltpu
from jax.experimental.pallas import tpu_sc as plsc

_NC = 2
_NS = 16
_NW = _NC * _NS
_GB = 8
_NB = 4
_L = 3
_HP = 56
_DP = 128


def _embed_lookup(x, table):
    b, h = x.shape
    d = table.shape[1]
    per_w = b // _NW
    groups = per_w // _GB
    mesh = plsc.VectorSubcoreMesh(core_axis_name="c", subcore_axis_name="s")

    @functools.partial(
        pl.kernel,
        mesh=mesh,
        compiler_params=pltpu.CompilerParams(use_tc_tiling_on_sc=False),
        out_type=jax.ShapeDtypeStruct((b, _HP, _DP), jnp.float32),
        scratch_types=[
            pltpu.VMEM((per_w, h), jnp.int32),
            pltpu.VMEM((_NB, _GB, _HP, d), jnp.float32),
            pltpu.SemaphoreType.DMA((_NB,)),
            pltpu.SemaphoreType.DMA((_NB,)),
        ],
    )
    def run(x_hbm, table_hbm, out_hbm, idx_v, bufs, gsem, osem):
        wid = lax.axis_index("s") * _NC + lax.axis_index("c")
        batch0 = wid * per_w
        pltpu.sync_copy(x_hbm.at[pl.ds(batch0, per_w)], idx_v)

        def g_desc(g, rb, i):
            return pltpu.make_async_copy(
                table_hbm.at[idx_v.at[g * _GB + i]],
                bufs.at[rb, i, pl.ds(0, h), pl.ds(0, d)],
                gsem.at[rb],
            )

        def o_desc(g, rb):
            base = pl.multiple_of(batch0 + g * _GB, _GB)
            return pltpu.make_async_copy(
                bufs.at[rb],
                out_hbm.at[pl.ds(base, _GB), pl.ds(0, _HP), pl.ds(0, d)],
                osem.at[rb],
            )

        for g in range(_L):
            for i in range(_GB):
                g_desc(g, g % _NB, i).start()

        def outer(o, carry):
            for p in range(_NB):
                j = o * _NB + p
                gf = j + _L
                bf = (p + _L) % _NB

                @pl.when(gf < groups)
                def _fire():
                    @pl.when(gf >= _NB)
                    def _reuse():
                        o_desc(gf - _NB, bf).wait()

                    for i in range(_GB):
                        g_desc(gf, bf, i).start()

                for i in range(_GB):
                    g_desc(j, p, i).wait()
                o_desc(j, p).start()
            return carry

        lax.fori_loop(0, groups // _NB, outer, 0)

        for rb in range(_NB):
            o_desc(groups - _NB + rb, rb).wait()

    return run(x, table)


def kernel(x, table):
    h = x.shape[1]
    d = table.shape[1]
    outp = _embed_lookup(x.astype(jnp.int32), table)
    return outp[:, :h, :d]

# --- scband reference (transcript-rebuilt; emitter-appended) ---
"""Pipeline reference for scband-tokenizer-11312943858274 (READ-ONLY COPY).

The authoritative reference and input builder live on the scoring server;
editing this copy changes nothing except your own understanding.
"""

import jax, jax.numpy as jnp
import numpy as np

VOCAB = 100000
EMBED_DIM = 64
BATCH = 4096
HIST = 50

def setup_inputs(seed: int = 0) -> dict:
    key = jax.random.key(seed)
    k_idx, k_tab = jax.random.split(key)
    x = jax.random.randint(k_idx, (BATCH, HIST), 0, VOCAB, dtype=jnp.int64 if jax.config.read('jax_enable_x64') else jnp.int32)
    table = jax.random.normal(k_tab, (VOCAB, EMBED_DIM), dtype=jnp.float32)
    return {"x": x, "table": table}

def reference(x, table):
    # nn.Embedding forward: row gather from the embedding table
    return jnp.take(table, x, axis=0)

if __name__ == "__main__":
    import jax
    _d = setup_inputs()
    print(jax.jit(kernel)(*tuple(_d.values())))

</pallas_src>

<mosaic_0001>
#map = affine_map<(d0, d1) -> (0, 0)>
#map1 = affine_map<(d0, d1) -> (0, 0, 0)>
module attributes {stable_mosaic.version = 14 : i64} {
  func.func @run(%arg0: i32, %arg1: i32, %arg2: memref<4096x50xi32, #tpu.memory_space<hbm>>, %arg3: memref<100000x64xf32, #tpu.memory_space<hbm>>, %arg4: memref<4096x56x128xf32, #tpu.memory_space<hbm>>, %arg5: memref<128x50xi32, #tpu.memory_space<vmem>>, %arg6: memref<4x8x56x64xf32, #tpu.memory_space<vmem>>, %arg7: memref<4x!tpu.dma_semaphore, #tpu.memory_space<semaphore_mem>>, %arg8: memref<4x!tpu.dma_semaphore, #tpu.memory_space<semaphore_mem>>) attributes {dimension_semantics = [#tpu.dimension_semantics<core_parallel>, #tpu.dimension_semantics<subcore_parallel>], iteration_bounds = array<i64: 2, 16>, scalar_prefetch = 0 : i64, scratch_operands = 4 : i64, tpu.core_type = #tpu.core_type<sc_vector_subcore>, window_params = [{transform_indices = #map}, {transform_indices = #map}, {transform_indices = #map1}]} {
    %mul3A = arith.constant 2 : i32
    %mul3A_0 = arith.muli %arg1, %mul3A : i32
    %add3A = arith.addi %mul3A_0, %arg0 : i32
    %mul3A_1 = arith.constant 128 : i32
    %mul3A_2 = arith.muli %add3A, %mul3A_1 : i32
    "tpu.region"() ({
      %run_scoped3A = tpu.sem_alloc : memref<!tpu.dma_semaphore, #tpu.memory_space<semaphore_mem>>
      %dma_start3A_481 = arith.constant 0 : i32
      %dma_start3A_482 = tpu.memref_slice %arg2[%mul3A_2, %dma_start3A_481] : memref<4096x50xi32, #tpu.memory_space<hbm>> -> memref<128x50xi32, #tpu.memory_space<hbm>>
      %dma_start3A_483 = arith.constant 0 : i32
      %dma_start3A_484 = tpu.memref_slice %arg2[%mul3A_2, %dma_start3A_483] : memref<4096x50xi32, #tpu.memory_space<hbm>> -> memref<128x50xi32, #tpu.memory_space<hbm>>
      tpu.enqueue_dma source(%dma_start3A_484 : memref<128x50xi32, #tpu.memory_space<hbm>>) target(%arg5 : memref<128x50xi32, #tpu.memory_space<vmem>>) target_semaphore(%run_scoped3A : memref<!tpu.dma_semaphore, #tpu.memory_space<semaphore_mem>>)
      %dma_wait3A_485 = arith.constant 0 : i32
      %dma_wait3A_486 = tpu.memref_slice %arg2[%mul3A_2, %dma_wait3A_485] : memref<4096x50xi32, #tpu.memory_space<hbm>> -> memref<128x50xi32, #tpu.memory_space<hbm>>
      %dma_wait3A_487 = arith.constant 0 : i32
      %dma_wait3A_488 = tpu.memref_slice %arg2[%mul3A_2, %dma_wait3A_487] : memref<4096x50xi32, #tpu.memory_space<hbm>> -> memref<128x50xi32, #tpu.memory_space<hbm>>
      tpu.wait_dma2 semaphore(%run_scoped3A : memref<!tpu.dma_semaphore, #tpu.memory_space<semaphore_mem>>) src(%dma_wait3A_488 : memref<128x50xi32, #tpu.memory_space<hbm>>) dst(%arg5 : memref<128x50xi32, #tpu.memory_space<vmem>>)
      tpu.yield
    }) : () -> ()
    %dma_start3A = arith.constant 0 : i32
    %dma_start3A_3 = arith.constant 0 : i32
    %dma_start3A_4 = arith.constant 0 : i32
    %dma_start3A_5 = arith.constant 0 : i32
    %dma_start3A_6 = arith.constant 0 : i32
    %dma_start3A_7 = arith.constant 0 : i32
    %dma_start3A_8 = tpu.memref_slice %arg6[%dma_start3A_3, %dma_start3A_4, %dma_start3A_6, %dma_start3A_7] : memref<4x8x56x64xf32, #tpu.memory_space<vmem>> -> memref<1x1x50x64xf32, #tpu.memory_space<vmem>>
    %dma_start3A_9 = tpu.memref_squeeze %dma_start3A_8 : memref<1x1x50x64xf32, #tpu.memory_space<vmem>> -> memref<50x64xf32, #tpu.memory_space<vmem>>
    %dma_start3A_10 = arith.constant 0 : i32
    %dma_start3A_11 = tpu.memref_slice %arg5[%dma_start3A, %dma_start3A_10] : memref<128x50xi32, #tpu.memory_space<vmem>> -> memref<1x50xi32, #tpu.memory_space<vmem>>
    %dma_start3A_12 = tpu.memref_squeeze %dma_start3A_11 : memref<1x50xi32, #tpu.memory_space<vmem>> -> memref<50xi32, #tpu.memory_space<vmem>>
    %dma_start3A_13 = arith.constant 0 : i32
    %dma_start3A_14 = arith.constant 0 : i32
    %dma_start3A_15 = tpu.memref_slice %arg3[%dma_start3A_13, %dma_start3A_14] : memref<100000x64xf32, #tpu.memory_space<hbm>> -> memref<100000x64xf32, #tpu.memory_space<hbm>>
    %dma_start3A_16 = tpu.memref_slice %arg7[%dma_start3A_5] : memref<4x!tpu.dma_semaphore, #tpu.memory_space<semaphore_mem>> -> memref<1x!tpu.dma_semaphore, #tpu.memory_space<semaphore_mem>>
    %dma_start3A_17 = tpu.memref_squeeze %dma_start3A_16 : memref<1x!tpu.dma_semaphore, #tpu.memory_space<semaphore_mem>> -> memref<!tpu.dma_semaphore, #tpu.memory_space<semaphore_mem>>
    tpu.enqueue_indirect_dma source(%dma_start3A_15 : memref<100000x64xf32, #tpu.memory_space<hbm>>) target(%dma_start3A_9 : memref<50x64xf32, #tpu.memory_space<vmem>>) offsets(%dma_start3A_12 : memref<50xi32, #tpu.memory_space<vmem>>) semaphore(%dma_start3A_17 : memref<!tpu.dma_semaphore, #tpu.memory_space<semaphore_mem>>)
    %dma_start3A_18 = arith.constant 1 : i32
    %dma_start3A_19 = arith.constant 0 : i32
    %dma_start3A_20 = arith.constant 1 : i32
    %dma_start3A_21 = arith.constant 0 : i32
    %dma_start3A_22 = arith.constant 0 : i32
    %dma_start3A_23 = arith.constant 0 : i32
    %dma_start3A_24 = tpu.memref_slice %arg6[%dma_start3A_19, %dma_start3A_20, %dma_start3A_22, %dma_start3A_23] : memref<4x8x56x64xf32, #tpu.memory_space<vmem>> -> memref<1x1x50x64xf32, #tpu.memory_space<vmem>>
    %dma_start3A_25 = tpu.memref_squeeze %dma_start3A_24 : memref<1x1x50x64xf32, #tpu.memory_space<vmem>> -> memref<50x64xf32, #tpu.memory_space<vmem>>
    %dma_start3A_26 = arith.constant 0 : i32
    %dma_start3A_27 = tpu.memref_slice %arg5[%dma_start3A_18, %dma_start3A_26] : memref<128x50xi32, #tpu.memory_space<vmem>> -> memref<1x50xi32, #tpu.memory_space<vmem>>
    %dma_start3A_28 = tpu.memref_squeeze %dma_start3A_27 : memref<1x50xi32, #tpu.memory_space<vmem>> -> memref<50xi32, #tpu.memory_space<vmem>>
    %dma_start3A_29 = arith.constant 0 : i32
    %dma_start3A_30 = arith.constant 0 : i32
    %dma_start3A_31 = tpu.memref_slice %arg3[%dma_start3A_29, %dma_start3A_30] : memref<100000x64xf32, #tpu.memory_space<hbm>> -> memref<100000x64xf32, #tpu.memory_space<hbm>>
    %dma_start3A_32 = tpu.memref_slice %arg7[%dma_start3A_21] : memref<4x!tpu.dma_semaphore, #tpu.memory_space<semaphore_mem>> -> memref<1x!tpu.dma_semaphore, #tpu.memory_space<semaphore_mem>>
    %dma_start3A_33 = tpu.memref_squeeze %dma_start3A_32 : memref<1x!tpu.dma_semaphore, #tpu.memory_space<semaphore_mem>> -> memref<!tpu.dma_semaphore, #tpu.memory_space<semaphore_mem>>
    tpu.enqueue_indirect_dma source(%dma_start3A_31 : memref<100000x64xf32, #tpu.memory_space<hbm>>) target(%dma_start3A_25 : memref<50x64xf32, #tpu.memory_space<vmem>>) offsets(%dma_start3A_28 : memref<50xi32, #tpu.memory_space<vmem>>) semaphore(%dma_start3A_33 : memref<!tpu.dma_semaphore, #tpu.memory_space<semaphore_mem>>)
    %dma_start3A_34 = arith.constant 2 : i32
    %dma_start3A_35 = arith.constant 0 : i32
    %dma_start3A_36 = arith.constant 2 : i32
    %dma_start3A_37 = arith.constant 0 : i32
    %dma_start3A_38 = arith.constant 0 : i32
    %dma_start3A_39 = arith.constant 0 : i32
    %dma_start3A_40 = tpu.memref_slice %arg6[%dma_start3A_35, %dma_start3A_36, %dma_start3A_38, %dma_start3A_39] : memref<4x8x56x64xf32, #tpu.memory_space<vmem>> -> memref<1x1x50x64xf32, #tpu.memory_space<vmem>>
    %dma_start3A_41 = tpu.memref_squeeze %dma_start3A_40 : memref<1x1x50x64xf32, #tpu.memory_space<vmem>> -> memref<50x64xf32, #tpu.memory_space<vmem>>
    %dma_start3A_42 = arith.constant 0 : i32
    %dma_start3A_43 = tpu.memref_slice %arg5[%dma_start3A_34, %dma_start3A_42] : memref<128x50xi32, #tpu.memory_space<vmem>> -> memref<1x50xi32, #tpu.memory_space<vmem>>
    %dma_start3A_44 = tpu.memref_squeeze %dma_start3A_43 : memref<1x50xi32, #tpu.memory_space<vmem>> -> memref<50xi32, #tpu.memory_space<vmem>>
    %dma_start3A_45 = arith.constant 0 : i32
    %dma_start3A_46 = arith.constant 0 : i32
    %dma_start3A_47 = tpu.memref_slice %arg3[%dma_start3A_45, %dma_start3A_46] : memref<100000x64xf32, #tpu.memory_space<hbm>> -> memref<100000x64xf32, #tpu.memory_space<hbm>>
    %dma_start3A_48 = tpu.memref_slice %arg7[%dma_start3A_37] : memref<4x!tpu.dma_semaphore, #tpu.memory_space<semaphore_mem>> -> memref<1x!tpu.dma_semaphore, #tpu.memory_space<semaphore_mem>>
    %dma_start3A_49 = tpu.memref_squeeze %dma_start3A_48 : memref<1x!tpu.dma_semaphore, #tpu.memory_space<semaphore_mem>> -> memref<!tpu.dma_semaphore, #tpu.memory_space<semaphore_mem>>
    tpu.enqueue_indirect_dma source(%dma_start3A_47 : memref<100000x64xf32, #tpu.memory_space<hbm>>) target(%dma_start3A_41 : memref<50x64xf32, #tpu.memory_space<vmem>>) offsets(%dma_start3A_44 : memref<50xi32, #tpu.memory_space<vmem>>) semaphore(%dma_start3A_49 : memref<!tpu.dma_semaphore, #tpu.memory_space<semaphore_mem>>)
    %dma_start3A_50 = arith.constant 3 : i32
    %dma_start3A_51 = arith.constant 0 : i32
    %dma_start3A_52 = arith.constant 3 : i32
    %dma_start3A_53 = arith.constant 0 : i32
    %dma_start3A_54 = arith.constant 0 : i32
    %dma_start3A_55 = arith.constant 0 : i32
    %dma_start3A_56 = tpu.memref_slice %arg6[%dma_start3A_51, %dma_start3A_52, %dma_start3A_54, %dma_start3A_55] : memref<4x8x56x64xf32, #tpu.memory_space<vmem>> -> memref<1x1x50x64xf32, #tpu.memory_space<vmem>>
    %dma_start3A_57 = tpu.memref_squeeze %dma_start3A_56 : memref<1x1x50x64xf32, #tpu.memory_space<vmem>> -> memref<50x64xf32, #tpu.memory_space<vmem>>
    %dma_start3A_58 = arith.constant 0 : i32
    %dma_start3A_59 = tpu.memref_slice %arg5[%dma_start3A_50, %dma_start3A_58] : memref<128x50xi32, #tpu.memory_space<vmem>> -> memref<1x50xi32, #tpu.memory_space<vmem>>
    %dma_start3A_60 = tpu.memref_squeeze %dma_start3A_59 : memref<1x50xi32, #tpu.memory_space<vmem>> -> memref<50xi32, #tpu.memory_space<vmem>>
    %dma_start3A_61 = arith.constant 0 : i32
    %dma_start3A_62 = arith.constant 0 : i32
    %dma_start3A_63 = tpu.memref_slice %arg3[%dma_start3A_61, %dma_start3A_62] : memref<100000x64xf32, #tpu.memory_space<hbm>> -> memref<100000x64xf32, #tpu.memory_space<hbm>>
    %dma_start3A_64 = tpu.memref_slice %arg7[%dma_start3A_53] : memref<4x!tpu.dma_semaphore, #tpu.memory_space<semaphore_mem>> -> memref<1x!tpu.dma_semaphore, #tpu.memory_space<semaphore_mem>>
    %dma_start3A_65 = tpu.memref_squeeze %dma_start3A_64 : memref<1x!tpu.dma_semaphore, #tpu.memory_space<semaphore_mem>> -> memref<!tpu.dma_semaphore, #tpu.memory_space<semaphore_mem>>
    tpu.enqueue_indirect_dma source(%dma_start3A_63 : memref<100000x64xf32, #tpu.memory_space<hbm>>) target(%dma_start3A_57 : memref<50x64xf32, #tpu.memory_space<vmem>>) offsets(%dma_start3A_60 : memref<50xi32, #tpu.memory_space<vmem>>) semaphore(%dma_start3A_65 : memref<!tpu.dma_semaphore, #tpu.memory_space<semaphore_mem>>)
    %dma_start3A_66 = arith.constant 4 : i32
    %dma_start3A_67 = arith.constant 0 : i32
    %dma_start3A_68 = arith.constant 4 : i32
    %dma_start3A_69 = arith.constant 0 : i32
    %dma_start3A_70 = arith.constant 0 : i32
    %dma_start3A_71 = arith.constant 0 : i32
    %dma_start3A_72 = tpu.memref_slice %arg6[%dma_start3A_67, %dma_start3A_68, %dma_start3A_70, %dma_start3A_71] : memref<4x8x56x64xf32, #tpu.memory_space<vmem>> -> memref<1x1x50x64xf32, #tpu.memory_space<vmem>>
    %dma_start3A_73 = tpu.memref_squeeze %dma_start3A_72 : memref<1x1x50x64xf32, #tpu.memory_space<vmem>> -> memref<50x64xf32, #tpu.memory_space<vmem>>
    %dma_start3A_74 = arith.constant 0 : i32
    %dma_start3A_75 = tpu.memref_slice %arg5[%dma_start3A_66, %dma_start3A_74] : memref<128x50xi32, #tpu.memory_space<vmem>> -> memref<1x50xi32, #tpu.memory_space<vmem>>
    %dma_start3A_76 = tpu.memref_squeeze %dma_start3A_75 : memref<1x50xi32, #tpu.memory_space<vmem>> -> memref<50xi32, #tpu.memory_space<vmem>>
    %dma_start3A_77 = arith.constant 0 : i32
    %dma_start3A_78 = arith.constant 0 : i32
    %dma_start3A_79 = tpu.memref_slice %arg3[%dma_start3A_77, %dma_start3A_78] : memref<100000x64xf32, #tpu.memory_space<hbm>> -> memref<100000x64xf32, #tpu.memory_space<hbm>>
    %dma_start3A_80 = tpu.memref_slice %arg7[%dma_start3A_69] : memref<4x!tpu.dma_semaphore, #tpu.memory_space<semaphore_mem>> -> memref<1x!tpu.dma_semaphore, #tpu.memory_space<semaphore_mem>>
    %dma_start3A_81 = tpu.memref_squeeze %dma_start3A_80 : memref<1x!tpu.dma_semaphore, #tpu.memory_space<semaphore_mem>> -> memref<!tpu.dma_semaphore, #tpu.memory_space<semaphore_mem>>
    tpu.enqueue_indirect_dma source(%dma_start3A_79 : memref<100000x64xf32, #tpu.memory_space<hbm>>) target(%dma_start3A_73 : memref<50x64xf32, #tpu.memory_space<vmem>>) offsets(%dma_start3A_76 : memref<50xi32, #tpu.memory_space<vmem>>) semaphore(%dma_start3A_81 : memref<!tpu.dma_semaphore, #tpu.memory_space<semaphore_mem>>)
    %dma_start3A_82 = arith.constant 5 : i32
    %dma_start3A_83 = arith.constant 0 : i32
    %dma_start3A_84 = arith.constant 5 : i32
    %dma_start3A_85 = arith.constant 0 : i32
    %dma_start3A_86 = arith.constant 0 : i32
    %dma_start3A_87 = arith.constant 0 : i32
    %dma_start3A_88 = tpu.memref_slice %arg6[%dma_start3A_83, %dma_start3A_84, %dma_start3A_86, %dma_start3A_87] : memref<4x8x56x64xf32, #tpu.memory_space<vmem>> -> memref<1x1x50x64xf32, #tpu.memory_space<vmem>>
    %dma_start3A_89 = tpu.memref_squeeze %dma_start3A_88 : memref<1x1x50x64xf32, #tpu.memory_space<vmem>> -> memref<50x64xf32, #tpu.memory_space<vmem>>
    %dma_start3A_90 = arith.constant 0 : i32
    %dma_start3A_91 = tpu.memref_slice %arg5[%dma_start3A_82, %dma_start3A_90] : memref<128x50xi32, #tpu.memory_space<vmem>> -> memref<1x50xi32, #tpu.memory_space<vmem>>
    %dma_start3A_92 = tpu.memref_squeeze %dma_start3A_91 : memref<1x50xi32, #tpu.memory_space<vmem>> -> memref<50xi32, #tpu.memory_space<vmem>>
    %dma_start3A_93 = arith.constant 0 : i32
    %dma_start3A_94 = arith.constant 0 : i32
    %dma_start3A_95 = tpu.memref_slice %arg3[%dma_start3A_93, %dma_start3A_94] : memref<100000x64xf32, #tpu.memory_space<hbm>> -> memref<100000x64xf32, #tpu.memory_space<hbm>>
    %dma_start3A_96 = tpu.memref_slice %arg7[%dma_start3A_85] : memref<4x!tpu.dma_semaphore, #tpu.memory_space<semaphore_mem>> -> memref<1x!tpu.dma_semaphore, #tpu.memory_space<semaphore_mem>>
    %dma_start3A_97 = tpu.memref_squeeze %dma_start3A_96 : memref<1x!tpu.dma_semaphore, #tpu.memory_space<semaphore_mem>> -> memref<!tpu.dma_semaphore, #tpu.memory_space<semaphore_mem>>
    tpu.enqueue_indirect_dma source(%dma_start3A_95 : memref<100000x64xf32, #tpu.memory_space<hbm>>) target(%dma_start3A_89 : memref<50x64xf32, #tpu.memory_space<vmem>>) offsets(%dma_start3A_92 : memref<50xi32, #tpu.memory_space<vmem>>) semaphore(%dma_start3A_97 : memref<!tpu.dma_semaphore, #tpu.memory_space<semaphore_mem>>)
    %dma_start3A_98 = arith.constant 6 : i32
    %dma_start3A_99 = arith.constant 0 : i32
    %dma_start3A_100 = arith.constant 6 : i32
    %dma_start3A_101 = arith.constant 0 : i32
    %dma_start3A_102 = arith.constant 0 : i32
    %dma_start3A_103 = arith.constant 0 : i32
    %dma_start3A_104 = tpu.memref_slice %arg6[%dma_start3A_99, %dma_start3A_100, %dma_start3A_102, %dma_start3A_103] : memref<4x8x56x64xf32, #tpu.memory_space<vmem>> -> memref<1x1x50x64xf32, #tpu.memory_space<vmem>>
    %dma_start3A_105 = tpu.memref_squeeze %dma_start3A_104 : memref<1x1x50x64xf32, #tpu.memory_space<vmem>> -> memref<50x64xf32, #tpu.memory_space<vmem>>
    %dma_start3A_106 = arith.constant 0 : i32
    %dma_start3A_107 = tpu.memref_slice %arg5[%dma_start3A_98, %dma_start3A_106] : memref<128x50xi32, #tpu.memory_space<vmem>> -> memref<1x50xi32, #tpu.memory_space<vmem>>
    %dma_start3A_108 = tpu.memref_squeeze %dma_start3A_107 : memref<1x50xi32, #tpu.memory_space<vmem>> -> memref<50xi32, #tpu.memory_space<vmem>>
    %dma_start3A_109 = arith.constant 0 : i32
    %dma_start3A_110 = arith.constant 0 : i32
    %dma_start3A_111 = tpu.memref_slice %arg3[%dma_start3A_109, %dma_start3A_110] : memref<100000x64xf32, #tpu.memory_space<hbm>> -> memref<100000x64xf32, #tpu.memory_space<hbm>>
    %dma_start3A_112 = tpu.memref_slice %arg7[%dma_start3A_101] : memref<4x!tpu.dma_semaphore, #tpu.memory_space<semaphore_mem>> -> memref<1x!tpu.dma_semaphore, #tpu.memory_space<semaphore_mem>>
    %dma_start3A_113 = tpu.memref_squeeze %dma_start3A_112 : memref<1x!tpu.dma_semaphore, #tpu.memory_space<semaphore_mem>> -> memref<!tpu.dma_semaphore, #tpu.memory_space<semaphore_mem>>
    tpu.enqueue_indirect_dma source(%dma_start3A_111 : memref<100000x64xf32, #tpu.memory_space<hbm>>) target(%dma_start3A_105 : memref<50x64xf32, #tpu.memory_space<vmem>>) offsets(%dma_start3A_108 : memref<50xi32, #tpu.memory_space<vmem>>) semaphore(%dma_start3A_113 : memref<!tpu.dma_semaphore, #tpu.memory_space<semaphore_mem>>)
    %dma_start3A_114 = arith.constant 7 : i32
    %dma_start3A_115 = arith.constant 0 : i32
    %dma_start3A_116 = arith.constant 7 : i32
    %dma_start3A_117 = arith.constant 0 : i32
    %dma_start3A_118 = arith.constant 0 : i32
    %dma_start3A_119 = arith.constant 0 : i32
    %dma_start3A_120 = tpu.memref_slice %arg6[%dma_start3A_115, %dma_start3A_116, %dma_start3A_118, %dma_start3A_119] : memref<4x8x56x64xf32, #tpu.memory_space<vmem>> -> memref<1x1x50x64xf32, #tpu.memory_space<vmem>>
    %dma_start3A_121 = tpu.memref_squeeze %dma_start3A_120 : memref<1x1x50x64xf32, #tpu.memory_space<vmem>> -> memref<50x64xf32, #tpu.memory_space<vmem>>
    %dma_start3A_122 = arith.constant 0 : i32
    %dma_start3A_123 = tpu.memref_slice %arg5[%dma_start3A_114, %dma_start3A_122] : memref<128x50xi32, #tpu.memory_space<vmem>> -> memref<1x50xi32, #tpu.memory_space<vmem>>
    %dma_start3A_124 = tpu.memref_squeeze %dma_start3A_123 : memref<1x50xi32, #tpu.memory_space<vmem>> -> memref<50xi32, #tpu.memory_space<vmem>>
    %dma_start3A_125 = arith.constant 0 : i32
    %dma_start3A_126 = arith.constant 0 : i32
    %dma_start3A_127 = tpu.memref_slice %arg3[%dma_start3A_125, %dma_start3A_126] : memref<100000x64xf32, #tpu.memory_space<hbm>> -> memref<100000x64xf32, #tpu.memory_space<hbm>>
    %dma_start3A_128 = tpu.memref_slice %arg7[%dma_start3A_117] : memref<4x!tpu.dma_semaphore, #tpu.memory_space<semaphore_mem>> -> memref<1x!tpu.dma_semaphore, #tpu.memory_space<semaphore_mem>>
    %dma_start3A_129 = tpu.memref_squeeze %dma_start3A_128 : memref<1x!tpu.dma_semaphore, #tpu.memory_space<semaphore_mem>> -> memref<!tpu.dma_semaphore, #tpu.memory_space<semaphore_mem>>
    tpu.enqueue_indirect_dma source(%dma_start3A_127 : memref<100000x64xf32, #tpu.memory_space<hbm>>) target(%dma_start3A_121 : memref<50x64xf32, #tpu.memory_space<vmem>>) offsets(%dma_start3A_124 : memref<50xi32, #tpu.memory_space<vmem>>) semaphore(%dma_start3A_129 : memref<!tpu.dma_semaphore, #tpu.memory_space<semaphore_mem>>)
    %dma_start3A_130 = arith.constant 8 : i32
    %dma_start3A_131 = arith.constant 1 : i32
    %dma_start3A_132 = arith.constant 0 : i32
    %dma_start3A_133 = arith.constant 1 : i32
    %dma_start3A_134 = arith.constant 0 : i32
    %dma_start3A_135 = arith.constant 0 : i32
    %dma_start3A_136 = tpu.memref_slice %arg6[%dma_start3A_131, %dma_start3A_132, %dma_start3A_134, %dma_start3A_135] : memref<4x8x56x64xf32, #tpu.memory_space<vmem>> -> memref<1x1x50x64xf32, #tpu.memory_space<vmem>>
    %dma_start3A_137 = tpu.memref_squeeze %dma_start3A_136 : memref<1x1x50x64xf32, #tpu.memory_space<vmem>> -> memref<50x64xf32, #tpu.memory_space<vmem>>
    %dma_start3A_138 = arith.constant 0 : i32
    %dma_start3A_139 = tpu.memref_slice %arg5[%dma_start3A_130, %dma_start3A_138] : memref<128x50xi32, #tpu.memory_space<vmem>> -> memref<1x50xi32, #tpu.memory_space<vmem>>
    %dma_start3A_140 = tpu.memref_squeeze %dma_start3A_139 : memref<1x50xi32, #tpu.memory_space<vmem>> -> memref<50xi32, #tpu.memory_space<vmem>>
    %dma_start3A_141 = arith.constant 0 : i32
    %dma_start3A_142 = arith.constant 0 : i32
    %dma_start3A_143 = tpu.memref_slice %arg3[%dma_start3A_141, %dma_start3A_142] : memref<100000x64xf32, #tpu.memory_space<hbm>> -> memref<100000x64xf32, #tpu.memory_space<hbm>>
    %dma_start3A_144 = tpu.memref_slice %arg7[%dma_start3A_133] : memref<4x!tpu.dma_semaphore, #tpu.memory_space<semaphore_mem>> -> memref<1x!tpu.dma_semaphore, #tpu.memory_space<semaphore_mem>>
    %dma_start3A_145 = tpu.memref_squeeze %dma_start3A_144 : memref<1x!tpu.dma_semaphore, #tpu.memory_space<semaphore_mem>> -> memref<!tpu.dma_semaphore, #tpu.memory_space<semaphore_mem>>
    tpu.enqueue_indirect_dma source(%dma_start3A_143 : memref<100000x64xf32, #tpu.memory_space<hbm>>) target(%dma_start3A_137 : memref<50x64xf32, #tpu.memory_space<vmem>>) offsets(%dma_start3A_140 : memref<50xi32, #tpu.memory_space<vmem>>) semaphore(%dma_start3A_145 : memref<!tpu.dma_semaphore, #tpu.memory_space<semaphore_mem>>)
    %dma_start3A_146 = arith.constant 9 : i32
    %dma_start3A_147 = arith.constant 1 : i32
    %dma_start3A_148 = arith.constant 1 : i32
    %dma_start3A_149 = arith.constant 1 : i32
    %dma_start3A_150 = arith.constant 0 : i32
    %dma_start3A_151 = arith.constant 0 : i32
    %dma_start3A_152 = tpu.memref_slice %arg6[%dma_start3A_147, %dma_start3A_148, %dma_start3A_150, %dma_start3A_151] : memref<4x8x56x64xf32, #tpu.memory_space<vmem>> -> memref<1x1x50x64xf32, #tpu.memory_space<vmem>>
    %dma_start3A_153 = tpu.memref_squeeze %dma_start3A_152 : memref<1x1x50x64xf32, #tpu.memory_space<vmem>> -> memref<50x64xf32, #tpu.memory_space<vmem>>
    %dma_start3A_154 = arith.constant 0 : i32
    %dma_start3A_155 = tpu.memref_slice %arg5[%dma_start3A_146, %dma_start3A_154] : memref<128x50xi32, #tpu.memory_space<vmem>> -> memref<1x50xi32, #tpu.memory_space<vmem>>
    %dma_start3A_156 = tpu.memref_squeeze %dma_start3A_155 : memref<1x50xi32, #tpu.memory_space<vmem>> -> memref<50xi32, #tpu.memory_space<vmem>>
    %dma_start3A_157 = arith.constant 0 : i32
    %dma_start3A_158 = arith.constant 0 : i32
    %dma_start3A_159 = tpu.memref_slice %arg3[%dma_start3A_157, %dma_start3A_158] : memref<100000x64xf32, #tpu.memory_space<hbm>> -> memref<100000x64xf32, #tpu.memory_space<hbm>>
    %dma_start3A_160 = tpu.memref_slice %arg7[%dma_start3A_149] : memref<4x!tpu.dma_semaphore, #tpu.memory_space<semaphore_mem>> -> memref<1x!tpu.dma_semaphore, #tpu.memory_space<semaphore_mem>>
    %dma_start3A_161 = tpu.memref_squeeze %dma_start3A_160 : memref<1x!tpu.dma_semaphore, #tpu.memory_space<semaphore_mem>> -> memref<!tpu.dma_semaphore, #tpu.memory_space<semaphore_mem>>
    tpu.enqueue_indirect_dma source(%dma_start3A_159 : memref<100000x64xf32, #tpu.memory_space<hbm>>) target(%dma_start3A_153 : memref<50x64xf32, #tpu.memory_space<vmem>>) offsets(%dma_start3A_156 : memref<50xi32, #tpu.memory_space<vmem>>) semaphore(%dma_start3A_161 : memref<!tpu.dma_semaphore, #tpu.memory_space<semaphore_mem>>)
    %dma_start3A_162 = arith.constant 10 : i32
    %dma_start3A_163 = arith.constant 1 : i32
    %dma_start3A_164 = arith.constant 2 : i32
    %dma_start3A_165 = arith.constant 1 : i32
    %dma_start3A_166 = arith.constant 0 : i32
    %dma_start3A_167 = arith.constant 0 : i32
    %dma_start3A_168 = tpu.memref_slice %arg6[%dma_start3A_163, %dma_start3A_164, %dma_start3A_166, %dma_start3A_167] : memref<4x8x56x64xf32, #tpu.memory_space<vmem>> -> memref<1x1x50x64xf32, #tpu.memory_space<vmem>>
    %dma_start3A_169 = tpu.memref_squeeze %dma_start3A_168 : memref<1x1x50x64xf32, #tpu.memory_space<vmem>> -> memref<50x64xf32, #tpu.memory_space<vmem>>
    %dma_start3A_170 = arith.constant 0 : i32
    %dma_start3A_171 = tpu.memref_slice %arg5[%dma_start3A_162, %dma_start3A_170] : memref<128x50xi32, #tpu.memory_space<vmem>> -> memref<1x50xi32, #tpu.memory_space<vmem>>
    %dma_start3A_172 = tpu.memref_squeeze %dma_start3A_171 : memref<1x50xi32, #tpu.memory_space<vmem>> -> memref<50xi32, #tpu.memory_space<vmem>>
    %dma_start3A_173 = arith.constant 0 : i32
    %dma_start3A_174 = arith.constant 0 : i32
    %dma_start3A_175 = tpu.memref_slice %arg3[%dma_start3A_173, %dma_start3A_174] : memref<100000x64xf32, #tpu.memory_space<hbm>> -> memref<100000x64xf32, #tpu.memory_space<hbm>>
    %dma_start3A_176 = tpu.memref_slice %arg7[%dma_start3A_165] : memref<4x!tpu.dma_semaphore, #tpu.memory_space<semaphore_mem>> -> memref<1x!tpu.dma_semaphore, #tpu.memory_space<semaphore_mem>>
    %dma_start3A_177 = tpu.memref_squeeze %dma_start3A_176 : memref<1x!tpu.dma_semaphore, #tpu.memory_space<semaphore_mem>> -> memref<!tpu.dma_semaphore, #tpu.memory_space<semaphore_mem>>
    tpu.enqueue_indirect_dma source(%dma_start3A_175 : memref<100000x64xf32, #tpu.memory_space<hbm>>) target(%dma_start3A_169 : memref<50x64xf32, #tpu.memory_space<vmem>>) offsets(%dma_start3A_172 : memref<50xi32, #tpu.memory_space<vmem>>) semaphore(%dma_start3A_177 : memref<!tpu.dma_semaphore, #tpu.memory_space<semaphore_mem>>)
    %dma_start3A_178 = arith.constant 11 : i32
    %dma_start3A_179 = arith.constant 1 : i32
    %dma_start3A_180 = arith.constant 3 : i32
    %dma_start3A_181 = arith.constant 1 : i32
    %dma_start3A_182 = arith.constant 0 : i32
    %dma_start3A_183 = arith.constant 0 : i32
    %dma_start3A_184 = tpu.memref_slice %arg6[%dma_start3A_179, %dma_start3A_180, %dma_start3A_182, %dma_start3A_183] : memref<4x8x56x64xf32, #tpu.memory_space<vmem>> -> memref<1x1x50x64xf32, #tpu.memory_space<vmem>>
    %dma_start3A_185 = tpu.memref_squeeze %dma_start3A_184 : memref<1x1x50x64xf32, #tpu.memory_space<vmem>> -> memref<50x64xf32, #tpu.memory_space<vmem>>
    %dma_start3A_186 = arith.constant 0 : i32
    %dma_start3A_187 = tpu.memref_slice %arg5[%dma_start3A_178, %dma_start3A_186] : memref<128x50xi32, #tpu.memory_space<vmem>> -> memref<1x50xi32, #tpu.memory_space<vmem>>
    %dma_start3A_188 = tpu.memref_squeeze %dma_start3A_187 : memref<1x50xi32, #tpu.memory_space<vmem>> -> memref<50xi32, #tpu.memory_space<vmem>>
    %dma_start3A_189 = arith.constant 0 : i32
    %dma_start3A_190 = arith.constant 0 : i32
    %dma_start3A_191 = tpu.memref_slice %arg3[%dma_start3A_189, %dma_start3A_190] : memref<100000x64xf32, #tpu.memory_space<hbm>> -> memref<100000x64xf32, #tpu.memory_space<hbm>>
    %dma_start3A_192 = tpu.memref_slice %arg7[%dma_start3A_181] : memref<4x!tpu.dma_semaphore, #tpu.memory_space<semaphore_mem>> -> memref<1x!tpu.dma_semaphore, #tpu.memory_space<semaphore_mem>>
    %dma_start3A_193 = tpu.memref_squeeze %dma_start3A_192 : memref<1x!tpu.dma_semaphore, #tpu.memory_space<semaphore_mem>> -> memref<!tpu.dma_semaphore, #tpu.memory_space<semaphore_mem>>
    tpu.enqueue_indirect_dma source(%dma_start3A_191 : memref<100000x64xf32, #tpu.memory_space<hbm>>) target(%dma_start3A_185 : memref<50x64xf32, #tpu.memory_space<vmem>>) offsets(%dma_start3A_188 : memref<50xi32, #tpu.memory_space<vmem>>) semaphore(%dma_start3A_193 : memref<!tpu.dma_semaphore, #tpu.memory_space<semaphore_mem>>)
    %dma_start3A_194 = arith.constant 12 : i32
    %dma_start3A_195 = arith.constant 1 : i32
    %dma_start3A_196 = arith.constant 4 : i32
    %dma_start3A_197 = arith.constant 1 : i32
    %dma_start3A_198 = arith.constant 0 : i32
    %dma_start3A_199 = arith.constant 0 : i32
    %dma_start3A_200 = tpu.memref_slice %arg6[%dma_start3A_195, %dma_start3A_196, %dma_start3A_198, %dma_start3A_199] : memref<4x8x56x64xf32, #tpu.memory_space<vmem>> -> memref<1x1x50x64xf32, #tpu.memory_space<vmem>>
    %dma_start3A_201 = tpu.memref_squeeze %dma_start3A_200 : memref<1x1x50x64xf32, #tpu.memory_space<vmem>> -> memref<50x64xf32, #tpu.memory_space<vmem>>
    %dma_start3A_202 = arith.constant 0 : i32
    %dma_start3A_203 = tpu.memref_slice %arg5[%dma_start3A_194, %dma_start3A_202] : memref<128x50xi32, #tpu.memory_space<vmem>> -> memref<1x50xi32, #tpu.memory_space<vmem>>
    %dma_start3A_204 = tpu.memref_squeeze %dma_start3A_203 : memref<1x50xi32, #tpu.memory_space<vmem>> -> memref<50xi32, #tpu.memory_space<vmem>>
    %dma_start3A_205 = arith.constant 0 : i32
    %dma_start3A_206 = arith.constant 0 : i32
    %dma_start3A_207 = tpu.memref_slice %arg3[%dma_start3A_205, %dma_start3A_206] : memref<100000x64xf32, #tpu.memory_space<hbm>> -> memref<100000x64xf32, #tpu.memory_space<hbm>>
    %dma_start3A_208 = tpu.memref_slice %arg7[%dma_start3A_197] : memref<4x!tpu.dma_semaphore, #tpu.memory_space<semaphore_mem>> -> memref<1x!tpu.dma_semaphore, #tpu.memory_space<semaphore_mem>>
    %dma_start3A_209 = tpu.memref_squeeze %dma_start3A_208 : memref<1x!tpu.dma_semaphore, #tpu.memory_space<semaphore_mem>> -> memref<!tpu.dma_semaphore, #tpu.memory_space<semaphore_mem>>
    tpu.enqueue_indirect_dma source(%dma_start3A_207 : memref<100000x64xf32, #tpu.memory_space<hbm>>) target(%dma_start3A_201 : memref<50x64xf32, #tpu.memory_space<vmem>>) offsets(%dma_start3A_204 : memref<50xi32, #tpu.memory_space<vmem>>) semaphore(%dma_start3A_209 : memref<!tpu.dma_semaphore, #tpu.memory_space<semaphore_mem>>)
    %dma_start3A_210 = arith.constant 13 : i32
    %dma_start3A_211 = arith.constant 1 : i32
    %dma_start3A_212 = arith.constant 5 : i32
    %dma_start3A_213 = arith.constant 1 : i32
    %dma_start3A_214 = arith.constant 0 : i32
    %dma_start3A_215 = arith.constant 0 : i32
    %dma_start3A_216 = tpu.memref_slice %arg6[%dma_start3A_211, %dma_start3A_212, %dma_start3A_214, %dma_start3A_215] : memref<4x8x56x64xf32, #tpu.memory_space<vmem>> -> memref<1x1x50x64xf32, #tpu.memory_space<vmem>>
    %dma_start3A_217 = tpu.memref_squeeze %dma_start3A_216 : memref<1x1x50x64xf32, #tpu.memory_space<vmem>> -> memref<50x64xf32, #tpu.memory_space<vmem>>
    %dma_start3A_218 = arith.constant 0 : i32
    %dma_start3A_219 = tpu.memref_slice %arg5[%dma_start3A_210, %dma_start3A_218] : memref<128x50xi32, #tpu.memory_space<vmem>> -> memref<1x50xi32, #tpu.memory_space<vmem>>
    %dma_start3A_220 = tpu.memref_squeeze %dma_start3A_219 : memref<1x50xi32, #tpu.memory_space<vmem>> -> memref<50xi32, #tpu.memory_space<vmem>>
    %dma_start3A_221 = arith.constant 0 : i32
    %dma_start3A_222 = arith.constant 0 : i32
    %dma_start3A_223 = tpu.memref_slice %arg3[%dma_start3A_221, %dma_start3A_222] : memref<100000x64xf32, #tpu.memory_space<hbm>> -> memref<100000x64xf32, #tpu.memory_space<hbm>>
    %dma_start3A_224 = tpu.memref_slice %arg7[%dma_start3A_213] : memref<4x!tpu.dma_semaphore, #tpu.memory_space<semaphore_mem>> -> memref<1x!tpu.dma_semaphore, #tpu.memory_space<semaphore_mem>>
    %dma_start3A_225 = tpu.memref_squeeze %dma_start3A_224 : memref<1x!tpu.dma_semaphore, #tpu.memory_space<semaphore_mem>> -> memref<!tpu.dma_semaphore, #tpu.memory_space<semaphore_mem>>
    tpu.enqueue_indirect_dma source(%dma_start3A_223 : memref<100000x64xf32, #tpu.memory_space<hbm>>) target(%dma_start3A_217 : memref<50x64xf32, #tpu.memory_space<vmem>>) offsets(%dma_start3A_220 : memref<50xi32, #tpu.memory_space<vmem>>) semaphore(%dma_start3A_225 : memref<!tpu.dma_semaphore, #tpu.memory_space<semaphore_mem>>)
    %dma_start3A_226 = arith.constant 14 : i32
    %dma_start3A_227 = arith.constant 1 : i32
    %dma_start3A_228 = arith.constant 6 : i32
    %dma_start3A_229 = arith.constant 1 : i32
    %dma_start3A_230 = arith.constant 0 : i32
    %dma_start3A_231 = arith.constant 0 : i32
    %dma_start3A_232 = tpu.memref_slice %arg6[%dma_start3A_227, %dma_start3A_228, %dma_start3A_230, %dma_start3A_231] : memref<4x8x56x64xf32, #tpu.memory_space<vmem>> -> memref<1x1x50x64xf32, #tpu.memory_space<vmem>>
    %dma_start3A_233 = tpu.memref_squeeze %dma_start3A_232 : memref<1x1x50x64xf32, #tpu.memory_space<vmem>> -> memref<50x64xf32, #tpu.memory_space<vmem>>
    %dma_start3A_234 = arith.constant 0 : i32
    %dma_start3A_235 = tpu.memref_slice %arg5[%dma_start3A_226, %dma_start3A_234] : memref<128x50xi32, #tpu.memory_space<vmem>> -> memref<1x50xi32, #tpu.memory_space<vmem>>
    %dma_start3A_236 = tpu.memref_squeeze %dma_start3A_235 : memref<1x50xi32, #tpu.memory_space<vmem>> -> memref<50xi32, #tpu.memory_space<vmem>>
    %dma_start3A_237 = arith.constant 0 : i32
    %dma_start3A_238 = arith.constant 0 : i32
    %dma_start3A_239 = tpu.memref_slice %arg3[%dma_start3A_237, %dma_start3A_238] : memref<100000x64xf32, #tpu.memory_space<hbm>> -> memref<100000x64xf32, #tpu.memory_space<hbm>>
    %dma_start3A_240 = tpu.memref_slice %arg7[%dma_start3A_229] : memref<4x!tpu.dma_semaphore, #tpu.memory_space<semaphore_mem>> -> memref<1x!tpu.dma_semaphore, #tpu.memory_space<semaphore_mem>>
    %dma_start3A_241 = tpu.memref_squeeze %dma_start3A_240 : memref<1x!tpu.dma_semaphore, #tpu.memory_space<semaphore_mem>> -> memref<!tpu.dma_semaphore, #tpu.memory_space<semaphore_mem>>
    tpu.enqueue_indirect_dma source(%dma_start3A_239 : memref<100000x64xf32, #tpu.memory_space<hbm>>) target(%dma_start3A_233 : memref<50x64xf32, #tpu.memory_space<vmem>>) offsets(%dma_start3A_236 : memref<50xi32, #tpu.memory_space<vmem>>) semaphore(%dma_start3A_241 : memref<!tpu.dma_semaphore, #tpu.memory_space<semaphore_mem>>)
    %dma_start3A_242 = arith.constant 15 : i32
    %dma_start3A_243 = arith.constant 1 : i32
    %dma_start3A_244 = arith.constant 7 : i32
    %dma_start3A_245 = arith.constant 1 : i32
    %dma_start3A_246 = arith.constant 0 : i32
    %dma_start3A_247 = arith.constant 0 : i32
    %dma_start3A_248 = tpu.memref_slice %arg6[%dma_start3A_243, %dma_start3A_244, %dma_start3A_246, %dma_start3A_247] : memref<4x8x56x64xf32, #tpu.memory_space<vmem>> -> memref<1x1x50x64xf32, #tpu.memory_space<vmem>>
    %dma_start3A_249 = tpu.memref_squeeze %dma_start3A_248 : memref<1x1x50x64xf32, #tpu.memory_space<vmem>> -> memref<50x64xf32, #tpu.memory_space<vmem>>
    %dma_start3A_250 = arith.constant 0 : i32
    %dma_start3A_251 = tpu.memref_slice %arg5[%dma_start3A_242, %dma_start3A_250] : memref<128x50xi32, #tpu.memory_space<vmem>> -> memref<1x50xi32, #tpu.memory_space<vmem>>
    %dma_start3A_252 = tpu.memref_squeeze %dma_start3A_251 : memref<1x50xi32, #tpu.memory_space<vmem>> -> memref<50xi32, #tpu.memory_space<vmem>>
    %dma_start3A_253 = arith.constant 0 : i32
    %dma_start3A_254 = arith.constant 0 : i32
    %dma_start3A_255 = tpu.memref_slice %arg3[%dma_start3A_253, %dma_start3A_254] : memref<100000x64xf32, #tpu.memory_space<hbm>> -> memref<100000x64xf32, #tpu.memory_space<hbm>>
    %dma_start3A_256 = tpu.memref_slice %arg7[%dma_start3A_245] : memref<4x!tpu.dma_semaphore, #tpu.memory_space<semaphore_mem>> -> memref<1x!tpu.dma_semaphore, #tpu.memory_space<semaphore_mem>>
    %dma_start3A_257 = tpu.memref_squeeze %dma_start3A_256 : memref<1x!tpu.dma_semaphore, #tpu.memory_space<semaphore_mem>> -> memref<!tpu.dma_semaphore, #tpu.memory_space<semaphore_mem>>
    tpu.enqueue_indirect_dma source(%dma_start3A_255 : memref<100000x64xf32, #tpu.memory_space<hbm>>) target(%dma_start3A_249 : memref<50x64xf32, #tpu.memory_space<vmem>>) offsets(%dma_start3A_252 : memref<50xi32, #tpu.memory_space<vmem>>) semaphore(%dma_start3A_257 : memref<!tpu.dma_semaphore, #tpu.memory_space<semaphore_mem>>)
    %dma_start3A_258 = arith.constant 16 : i32
    %dma_start3A_259 = arith.constant 2 : i32
    %dma_start3A_260 = arith.constant 0 : i32
    %dma_start3A_261 = arith.constant 2 : i32
    %dma_start3A_262 = arith.constant 0 : i32
    %dma_start3A_263 = arith.constant 0 : i32
    %dma_start3A_264 = tpu.memref_slice %arg6[%dma_start3A_259, %dma_start3A_260, %dma_start3A_262, %dma_start3A_263] : memref<4x8x56x64xf32, #tpu.memory_space<vmem>> -> memref<1x1x50x64xf32, #tpu.memory_space<vmem>>
    %dma_start3A_265 = tpu.memref_squeeze %dma_start3A_264 : memref<1x1x50x64xf32, #tpu.memory_space<vmem>> -> memref<50x64xf32, #tpu.memory_space<vmem>>
    %dma_start3A_266 = arith.constant 0 : i32
    %dma_start3A_267 = tpu.memref_slice %arg5[%dma_start3A_258, %dma_start3A_266] : memref<128x50xi32, #tpu.memory_space<vmem>> -> memref<1x50xi32, #tpu.memory_space<vmem>>
    %dma_start3A_268 = tpu.memref_squeeze %dma_start3A_267 : memref<1x50xi32, #tpu.memory_space<vmem>> -> memref<50xi32, #tpu.memory_space<vmem>>
    %dma_start3A_269 = arith.constant 0 : i32
    %dma_start3A_270 = arith.constant 0 : i32
    %dma_start3A_271 = tpu.memref_slice %arg3[%dma_start3A_269, %dma_start3A_270] : memref<100000x64xf32, #tpu.memory_space<hbm>> -> memref<100000x64xf32, #tpu.memory_space<hbm>>
    %dma_start3A_272 = tpu.memref_slice %arg7[%dma_start3A_261] : memref<4x!tpu.dma_semaphore, #tpu.memory_space<semaphore_mem>> -> memref<1x!tpu.dma_semaphore, #tpu.memory_space<semaphore_mem>>
    %dma_start3A_273 = tpu.memref_squeeze %dma_start3A_272 : memref<1x!tpu.dma_semaphore, #tpu.memory_space<semaphore_mem>> -> memref<!tpu.dma_semaphore, #tpu.memory_space<semaphore_mem>>
    tpu.enqueue_indirect_dma source(%dma_start3A_271 : memref<100000x64xf32, #tpu.memory_space<hbm>>) target(%dma_start3A_265 : memref<50x64xf32, #tpu.memory_space<vmem>>) offsets(%dma_start3A_268 : memref<50xi32, #tpu.memory_space<vmem>>) semaphore(%dma_start3A_273 : memref<!tpu.dma_semaphore, #tpu.memory_space<semaphore_mem>>)
    %dma_start3A_274 = arith.constant 17 : i32
    %dma_start3A_275 = arith.constant 2 : i32
    %dma_start3A_276 = arith.constant 1 : i32
    %dma_start3A_277 = arith.constant 2 : i32
    %dma_start3A_278 = arith.constant 0 : i32
    %dma_start3A_279 = arith.constant 0 : i32
    %dma_start3A_280 = tpu.memref_slice %arg6[%dma_start3A_275, %dma_start3A_276, %dma_start3A_278, %dma_start3A_279] : memref<4x8x56x64xf32, #tpu.memory_space<vmem>> -> memref<1x1x50x64xf32, #tpu.memory_space<vmem>>
    %dma_start3A_281 = tpu.memref_squeeze %dma_start3A_280 : memref<1x1x50x64xf32, #tpu.memory_space<vmem>> -> memref<50x64xf32, #tpu.memory_space<vmem>>
    %dma_start3A_282 = arith.constant 0 : i32
    %dma_start3A_283 = tpu.memref_slice %arg5[%dma_start3A_274, %dma_start3A_282] : memref<128x50xi32, #tpu.memory_space<vmem>> -> memref<1x50xi32, #tpu.memory_space<vmem>>
    %dma_start3A_284 = tpu.memref_squeeze %dma_start3A_283 : memref<1x50xi32, #tpu.memory_space<vmem>> -> memref<50xi32, #tpu.memory_space<vmem>>
    %dma_start3A_285 = arith.constant 0 : i32
    %dma_start3A_286 = arith.constant 0 : i32
    %dma_start3A_287 = tpu.memref_slice %arg3[%dma_start3A_285, %dma_start3A_286] : memref<100000x64xf32, #tpu.memory_space<hbm>> -> memref<100000x64xf32, #tpu.memory_space<hbm>>
    %dma_start3A_288 = tpu.memref_slice %arg7[%dma_start3A_277] : memref<4x!tpu.dma_semaphore, #tpu.memory_space<semaphore_mem>> -> memref<1x!tpu.dma_semaphore, #tpu.memory_space<semaphore_mem>>
    %dma_start3A_289 = tpu.memref_squeeze %dma_start3A_288 : memref<1x!tpu.dma_semaphore, #tpu.memory_space<semaphore_mem>> -> memref<!tpu.dma_semaphore, #tpu.memory_space<semaphore_mem>>
    tpu.enqueue_indirect_dma source(%dma_start3A_287 : memref<100000x64xf32, #tpu.memory_space<hbm>>) target(%dma_start3A_281 : memref<50x64xf32, #tpu.memory_space<vmem>>) offsets(%dma_start3A_284 : memref<50xi32, #tpu.memory_space<vmem>>) semaphore(%dma_start3A_289 : memref<!tpu.dma_semaphore, #tpu.memory_space<semaphore_mem>>)
    %dma_start3A_290 = arith.constant 18 : i32
    %dma_start3A_291 = arith.constant 2 : i32
    %dma_start3A_292 = arith.constant 2 : i32
    %dma_start3A_293 = arith.constant 2 : i32
    %dma_start3A_294 = arith.constant 0 : i32
    %dma_start3A_295 = arith.constant 0 : i32
    %dma_start3A_296 = tpu.memref_slice %arg6[%dma_start3A_291, %dma_start3A_292, %dma_start3A_294, %dma_start3A_295] : memref<4x8x56x64xf32, #tpu.memory_space<vmem>> -> memref<1x1x50x64xf32, #tpu.memory_space<vmem>>
    %dma_start3A_297 = tpu.memref_squeeze %dma_start3A_296 : memref<1x1x50x64xf32, #tpu.memory_space<vmem>> -> memref<50x64xf32, #tpu.memory_space<vmem>>
    %dma_start3A_298 = arith.constant 0 : i32
    %dma_start3A_299 = tpu.memref_slice %arg5[%dma_start3A_290, %dma_start3A_298] : memref<128x50xi32, #tpu.memory_space<vmem>> -> memref<1x50xi32, #tpu.memory_space<vmem>>
    %dma_start3A_300 = tpu.memref_squeeze %dma_start3A_299 : memref<1x50xi32, #tpu.memory_space<vmem>> -> memref<50xi32, #tpu.memory_space<vmem>>
    %dma_start3A_301 = arith.constant 0 : i32
    %dma_start3A_302 = arith.constant 0 : i32
    %dma_start3A_303 = tpu.memref_slice %arg3[%dma_start3A_301, %dma_start3A_302] : memref<100000x64xf32, #tpu.memory_space<hbm>> -> memref<100000x64xf32, #tpu.memory_space<hbm>>
    %dma_start3A_304 = tpu.memref_slice %arg7[%dma_start3A_293] : memref<4x!tpu.dma_semaphore, #tpu.memory_space<semaphore_mem>> -> memref<1x!tpu.dma_semaphore, #tpu.memory_space<semaphore_mem>>
    %dma_start3A_305 = tpu.memref_squeeze %dma_start3A_304 : memref<1x!tpu.dma_semaphore, #tpu.memory_space<semaphore_mem>> -> memref<!tpu.dma_semaphore, #tpu.memory_space<semaphore_mem>>
    tpu.enqueue_indirect_dma source(%dma_start3A_303 : memref<100000x64xf32, #tpu.memory_space<hbm>>) target(%dma_start3A_297 : memref<50x64xf32, #tpu.memory_space<vmem>>) offsets(%dma_start3A_300 : memref<50xi32, #tpu.memory_space<vmem>>) semaphore(%dma_start3A_305 : memref<!tpu.dma_semaphore, #tpu.memory_space<semaphore_mem>>)
    %dma_start3A_306 = arith.constant 19 : i32
    %dma_start3A_307 = arith.constant 2 : i32
    %dma_start3A_308 = arith.constant 3 : i32
    %dma_start3A_309 = arith.constant 2 : i32
    %dma_start3A_310 = arith.constant 0 : i32
    %dma_start3A_311 = arith.constant 0 : i32
    %dma_start3A_312 = tpu.memref_slice %arg6[%dma_start3A_307, %dma_start3A_308, %dma_start3A_310, %dma_start3A_311] : memref<4x8x56x64xf32, #tpu.memory_space<vmem>> -> memref<1x1x50x64xf32, #tpu.memory_space<vmem>>
    %dma_start3A_313 = tpu.memref_squeeze %dma_start3A_312 : memref<1x1x50x64xf32, #tpu.memory_space<vmem>> -> memref<50x64xf32, #tpu.memory_space<vmem>>
    %dma_start3A_314 = arith.constant 0 : i32
    %dma_start3A_315 = tpu.memref_slice %arg5[%dma_start3A_306, %dma_start3A_314] : memref<128x50xi32, #tpu.memory_space<vmem>> -> memref<1x50xi32, #tpu.memory_space<vmem>>
    %dma_start3A_316 = tpu.memref_squeeze %dma_start3A_315 : memref<1x50xi32, #tpu.memory_space<vmem>> -> memref<50xi32, #tpu.memory_space<vmem>>
    %dma_start3A_317 = arith.constant 0 : i32
    %dma_start3A_318 = arith.constant 0 : i32
    %dma_start3A_319 = tpu.memref_slice %arg3[%dma_start3A_317, %dma_start3A_318] : memref<100000x64xf32, #tpu.memory_space<hbm>> -> memref<100000x64xf32, #tpu.memory_space<hbm>>
    %dma_start3A_320 = tpu.memref_slice %arg7[%dma_start3A_309] : memref<4x!tpu.dma_semaphore, #tpu.memory_space<semaphore_mem>> -> memref<1x!tpu.dma_semaphore, #tpu.memory_space<semaphore_mem>>
    %dma_start3A_321 = tpu.memref_squeeze %dma_start3A_320 : memref<1x!tpu.dma_semaphore, #tpu.memory_space<semaphore_mem>> -> memref<!tpu.dma_semaphore, #tpu.memory_space<semaphore_mem>>
    tpu.enqueue_indirect_dma source(%dma_start3A_319 : memref<100000x64xf32, #tpu.memory_space<hbm>>) target(%dma_start3A_313 : memref<50x64xf32, #tpu.memory_space<vmem>>) offsets(%dma_start3A_316 : memref<50xi32, #tpu.memory_space<vmem>>) semaphore(%dma_start3A_321 : memref<!tpu.dma_semaphore, #tpu.memory_space<semaphore_mem>>)
    %dma_start3A_322 = arith.constant 20 : i32
    %dma_start3A_323 = arith.constant 2 : i32
    %dma_start3A_324 = arith.constant 4 : i32
    %dma_start3A_325 = arith.constant 2 : i32
    %dma_start3A_326 = arith.constant 0 : i32
    %dma_start3A_327 = arith.constant 0 : i32
    %dma_start3A_328 = tpu.memref_slice %arg6[%dma_start3A_323, %dma_start3A_324, %dma_start3A_326, %dma_start3A_327] : memref<4x8x56x64xf32, #tpu.memory_space<vmem>> -> memref<1x1x50x64xf32, #tpu.memory_space<vmem>>
    %dma_start3A_329 = tpu.memref_squeeze %dma_start3A_328 : memref<1x1x50x64xf32, #tpu.memory_space<vmem>> -> memref<50x64xf32, #tpu.memory_space<vmem>>
    %dma_start3A_330 = arith.constant 0 : i32
    %dma_start3A_331 = tpu.memref_slice %arg5[%dma_start3A_322, %dma_start3A_330] : memref<128x50xi32, #tpu.memory_space<vmem>> -> memref<1x50xi32, #tpu.memory_space<vmem>>
    %dma_start3A_332 = tpu.memref_squeeze %dma_start3A_331 : memref<1x50xi32, #tpu.memory_space<vmem>> -> memref<50xi32, #tpu.memory_space<vmem>>
    %dma_start3A_333 = arith.constant 0 : i32
    %dma_start3A_334 = arith.constant 0 : i32
    %dma_start3A_335 = tpu.memref_slice %arg3[%dma_start3A_333, %dma_start3A_334] : memref<100000x64xf32, #tpu.memory_space<hbm>> -> memref<100000x64xf32, #tpu.memory_space<hbm>>
    %dma_start3A_336 = tpu.memref_slice %arg7[%dma_start3A_325] : memref<4x!tpu.dma_semaphore, #tpu.memory_space<semaphore_mem>> -> memref<1x!tpu.dma_semaphore, #tpu.memory_space<semaphore_mem>>
    %dma_start3A_337 = tpu.memref_squeeze %dma_start3A_336 : memref<1x!tpu.dma_semaphore, #tpu.memory_space<semaphore_mem>> -> memref<!tpu.dma_semaphore, #tpu.memory_space<semaphore_mem>>
    tpu.enqueue_indirect_dma source(%dma_start3A_335 : memref<100000x64xf32, #tpu.memory_space<hbm>>) target(%dma_start3A_329 : memref<50x64xf32, #tpu.memory_space<vmem>>) offsets(%dma_start3A_332 : memref<50xi32, #tpu.memory_space<vmem>>) semaphore(%dma_start3A_337 : memref<!tpu.dma_semaphore, #tpu.memory_space<semaphore_mem>>)
    %dma_start3A_338 = arith.constant 21 : i32
    %dma_start3A_339 = arith.constant 2 : i32
    %dma_start3A_340 = arith.constant 5 : i32
    %dma_start3A_341 = arith.constant 2 : i32
    %dma_start3A_342 = arith.constant 0 : i32
    %dma_start3A_343 = arith.constant 0 : i32
    %dma_start3A_344 = tpu.memref_slice %arg6[%dma_start3A_339, %dma_start3A_340, %dma_start3A_342, %dma_start3A_343] : memref<4x8x56x64xf32, #tpu.memory_space<vmem>> -> memref<1x1x50x64xf32, #tpu.memory_space<vmem>>
    %dma_start3A_345 = tpu.memref_squeeze %dma_start3A_344 : memref<1x1x50x64xf32, #tpu.memory_space<vmem>> -> memref<50x64xf32, #tpu.memory_space<vmem>>
    %dma_start3A_346 = arith.constant 0 : i32
    %dma_start3A_347 = tpu.memref_slice %arg5[%dma_start3A_338, %dma_start3A_346] : memref<128x50xi32, #tpu.memory_space<vmem>> -> memref<1x50xi32, #tpu.memory_space<vmem>>
    %dma_start3A_348 = tpu.memref_squeeze %dma_start3A_347 : memref<1x50xi32, #tpu.memory_space<vmem>> -> memref<50xi32, #tpu.memory_space<vmem>>
    %dma_start3A_349 = arith.constant 0 : i32
    %dma_start3A_350 = arith.constant 0 : i32
    %dma_start3A_351 = tpu.memref_slice %arg3[%dma_start3A_349, %dma_start3A_350] : memref<100000x64xf32, #tpu.memory_space<hbm>> -> memref<100000x64xf32, #tpu.memory_space<hbm>>
    %dma_start3A_352 = tpu.memref_slice %arg7[%dma_start3A_341] : memref<4x!tpu.dma_semaphore, #tpu.memory_space<semaphore_mem>> -> memref<1x!tpu.dma_semaphore, #tpu.memory_space<semaphore_mem>>
    %dma_start3A_353 = tpu.memref_squeeze %dma_start3A_352 : memref<1x!tpu.dma_semaphore, #tpu.memory_space<semaphore_mem>> -> memref<!tpu.dma_semaphore, #tpu.memory_space<semaphore_mem>>
    tpu.enqueue_indirect_dma source(%dma_start3A_351 : memref<100000x64xf32, #tpu.memory_space<hbm>>) target(%dma_start3A_345 : memref<50x64xf32, #tpu.memory_space<vmem>>) offsets(%dma_start3A_348 : memref<50xi32, #tpu.memory_space<vmem>>) semaphore(%dma_start3A_353 : memref<!tpu.dma_semaphore, #tpu.memory_space<semaphore_mem>>)
    %dma_start3A_354 = arith.constant 22 : i32
    %dma_start3A_355 = arith.constant 2 : i32
    %dma_start3A_356 = arith.constant 6 : i32
    %dma_start3A_357 = arith.constant 2 : i32
    %dma_start3A_358 = arith.constant 0 : i32
    %dma_start3A_359 = arith.constant 0 : i32
    %dma_start3A_360 = tpu.memref_slice %arg6[%dma_start3A_355, %dma_start3A_356, %dma_start3A_358, %dma_start3A_359] : memref<4x8x56x64xf32, #tpu.memory_space<vmem>> -> memref<1x1x50x64xf32, #tpu.memory_space<vmem>>
    %dma_start3A_361 = tpu.memref_squeeze %dma_start3A_360 : memref<1x1x50x64xf32, #tpu.memory_space<vmem>> -> memref<50x64xf32, #tpu.memory_space<vmem>>
    %dma_start3A_362 = arith.constant 0 : i32
    %dma_start3A_363 = tpu.memref_slice %arg5[%dma_start3A_354, %dma_start3A_362] : memref<128x50xi32, #tpu.memory_space<vmem>> -> memref<1x50xi32, #tpu.memory_space<vmem>>
    %dma_start3A_364 = tpu.memref_squeeze %dma_start3A_363 : memref<1x50xi32, #tpu.memory_space<vmem>> -> memref<50xi32, #tpu.memory_space<vmem>>
    %dma_start3A_365 = arith.constant 0 : i32
    %dma_start3A_366 = arith.constant 0 : i32
    %dma_start3A_367 = tpu.memref_slice %arg3[%dma_start3A_365, %dma_start3A_366] : memref<100000x64xf32, #tpu.memory_space<hbm>> -> memref<100000x64xf32, #tpu.memory_space<hbm>>
    %dma_start3A_368 = tpu.memref_slice %arg7[%dma_start3A_357] : memref<4x!tpu.dma_semaphore, #tpu.memory_space<semaphore_mem>> -> memref<1x!tpu.dma_semaphore, #tpu.memory_space<semaphore_mem>>
    %dma_start3A_369 = tpu.memref_squeeze %dma_start3A_368 : memref<1x!tpu.dma_semaphore, #tpu.memory_space<semaphore_mem>> -> memref<!tpu.dma_semaphore, #tpu.memory_space<semaphore_mem>>
    tpu.enqueue_indirect_dma source(%dma_start3A_367 : memref<100000x64xf32, #tpu.memory_space<hbm>>) target(%dma_start3A_361 : memref<50x64xf32, #tpu.memory_space<vmem>>) offsets(%dma_start3A_364 : memref<50xi32, #tpu.memory_space<vmem>>) semaphore(%dma_start3A_369 : memref<!tpu.dma_semaphore, #tpu.memory_space<semaphore_mem>>)
    %dma_start3A_370 = arith.constant 23 : i32
    %dma_start3A_371 = arith.constant 2 : i32
    %dma_start3A_372 = arith.constant 7 : i32
    %dma_start3A_373 = arith.constant 2 : i32
    %dma_start3A_374 = arith.constant 0 : i32
    %dma_start3A_375 = arith.constant 0 : i32
    %dma_start3A_376 = tpu.memref_slice %arg6[%dma_start3A_371, %dma_start3A_372, %dma_start3A_374, %dma_start3A_375] : memref<4x8x56x64xf32, #tpu.memory_space<vmem>> -> memref<1x1x50x64xf32, #tpu.memory_space<vmem>>
    %dma_start3A_377 = tpu.memref_squeeze %dma_start3A_376 : memref<1x1x50x64xf32, #tpu.memory_space<vmem>> -> memref<50x64xf32, #tpu.memory_space<vmem>>
    %dma_start3A_378 = arith.constant 0 : i32
    %dma_start3A_379 = tpu.memref_slice %arg5[%dma_start3A_370, %dma_start3A_378] : memref<128x50xi32, #tpu.memory_space<vmem>> -> memref<1x50xi32, #tpu.memory_space<vmem>>
    %dma_start3A_380 = tpu.memref_squeeze %dma_start3A_379 : memref<1x50xi32, #tpu.memory_space<vmem>> -> memref<50xi32, #tpu.memory_space<vmem>>
    %dma_start3A_381 = arith.constant 0 : i32
    %dma_start3A_382 = arith.constant 0 : i32
    %dma_start3A_383 = tpu.memref_slice %arg3[%dma_start3A_381, %dma_start3A_382] : memref<100000x64xf32, #tpu.memory_space<hbm>> -> memref<100000x64xf32, #tpu.memory_space<hbm>>
    %dma_start3A_384 = tpu.memref_slice %arg7[%dma_start3A_373] : memref<4x!tpu.dma_semaphore, #tpu.memory_space<semaphore_mem>> -> memref<1x!tpu.dma_semaphore, #tpu.memory_space<semaphore_mem>>
    %dma_start3A_385 = tpu.memref_squeeze %dma_start3A_384 : memref<1x!tpu.dma_semaphore, #tpu.memory_space<semaphore_mem>> -> memref<!tpu.dma_semaphore, #tpu.memory_space<semaphore_mem>>
    tpu.enqueue_indirect_dma source(%dma_start3A_383 : memref<100000x64xf32, #tpu.memory_space<hbm>>) target(%dma_start3A_377 : memref<50x64xf32, #tpu.memory_space<vmem>>) offsets(%dma_start3A_380 : memref<50xi32, #tpu.memory_space<vmem>>) semaphore(%dma_start3A_385 : memref<!tpu.dma_semaphore, #tpu.memory_space<semaphore_mem>>)
    %scan3A = arith.constant 0 : i32
    %scan3A_386 = arith.constant 0 : i32
    %scan3A_387 = arith.constant 4 : i32
    %scan3A_388 = arith.addi %scan3A_386, %scan3A_387 : i32
    %scan3A_389 = arith.constant 1 : i32
    scf.for %scan3A_481 = %scan3A_386 to %scan3A_388 step %scan3A_389  : i32 {
      %mul3A_482 = arith.constant 4 : i32
      %mul3A_483 = arith.muli %scan3A_481, %mul3A_482 : i32
      %add3A_484 = arith.constant 0 : i32
      %add3A_485 = arith.addi %mul3A_483, %add3A_484 : i32
      %add3A_486 = arith.constant 3 : i32
      %add3A_487 = arith.addi %add3A_485, %add3A_486 : i32
      %lt3A = arith.constant 16 : i32
      %lt3A_488 = arith.cmpi slt, %add3A_487, %lt3A : i32
      %convert_element_type3A = arith.extui %lt3A_488 : i1 to i32
      %cond3A = arith.constant 0 : i32
      %cond3A_489 = arith.cmpi ne, %convert_element_type3A, %cond3A : i32
      scf.if %cond3A_489 {
        %ge3A = arith.constant 4 : i32
        %ge3A_1227 = arith.cmpi sge, %add3A_487, %ge3A : i32
        %convert_element_type3A_1228 = arith.extui %ge3A_1227 : i1 to i32
        %cond3A_1229 = arith.constant 0 : i32
        %cond3A_1230 = arith.cmpi ne, %convert_element_type3A_1228, %cond3A_1229 : i32
        scf.if %cond3A_1230 {
          %sub3A = arith.constant 4 : i32
          %sub3A_1383 = arith.subi %add3A_487, %sub3A : i32
          %mul3A_1384 = arith.constant 8 : i32
          %mul3A_1385 = arith.muli %sub3A_1383, %mul3A_1384 : i32
          %add3A_1386 = arith.addi %mul3A_2, %mul3A_1385 : i32
          %multiple_of3A_1387 = tpu.assume_multiple %add3A_1386, 8 : i32
          %dma_wait3A_1388 = arith.constant 3 : i32
          %dma_wait3A_1389 = arith.constant 3 : i32
          %dma_wait3A_1390 = arith.constant 0 : i32
          %dma_wait3A_1391 = arith.constant 0 : i32
          %dma_wait3A_1392 = arith.constant 0 : i32
          %dma_wait3A_1393 = tpu.memref_slice %arg6[%dma_wait3A_1388, %dma_wait3A_1390, %dma_wait3A_1391, %dma_wait3A_1392] : memref<4x8x56x64xf32, #tpu.memory_space<vmem>> -> memref<1x8x56x64xf32, #tpu.memory_space<vmem>>
          %dma_wait3A_1394 = tpu.memref_squeeze %dma_wait3A_1393 : memref<1x8x56x64xf32, #tpu.memory_space<vmem>> -> memref<8x56x64xf32, #tpu.memory_space<vmem>>
          %dma_wait3A_1395 = arith.constant 0 : i32
          %dma_wait3A_1396 = arith.constant 0 : i32
          %dma_wait3A_1397 = tpu.memref_slice %arg4[%multiple_of3A_1387, %dma_wait3A_1395, %dma_wait3A_1396] : memref<4096x56x128xf32, #tpu.memory_space<hbm>> -> memref<8x56x64xf32, #tpu.memory_space<hbm>>
          %dma_wait3A_1398 = tpu.memref_slice %arg8[%dma_wait3A_1389] : memref<4x!tpu.dma_semaphore, #tpu.memory_space<semaphore_mem>> -> memref<1x!tpu.dma_semaphore, #tpu.memory_space<semaphore_mem>>
          %dma_wait3A_1399 = tpu.memref_squeeze %dma_wait3A_1398 : memref<1x!tpu.dma_semaphore, #tpu.memory_space<semaphore_mem>> -> memref<!tpu.dma_semaphore, #tpu.memory_space<semaphore_mem>>
          %dma_wait3A_1400 = arith.constant 0 : i32
          %dma_wait3A_1401 = arith.constant 0 : i32
          %dma_wait3A_1402 = tpu.memref_slice %arg4[%multiple_of3A_1387, %dma_wait3A_1400, %dma_wait3A_1401] : memref<4096x56x128xf32, #tpu.memory_space<hbm>> -> memref<8x56x64xf32, #tpu.memory_space<hbm>>
          %dma_wait3A_1403 = arith.constant 0 : i32
          %dma_wait3A_1404 = arith.constant 0 : i32
          %dma_wait3A_1405 = arith.constant 0 : i32
          %dma_wait3A_1406 = tpu.memref_slice %arg6[%dma_wait3A_1388, %dma_wait3A_1403, %dma_wait3A_1404, %dma_wait3A_1405] : memref<4x8x56x64xf32, #tpu.memory_space<vmem>> -> memref<1x8x56x64xf32, #tpu.memory_space<vmem>>
          %dma_wait3A_1407 = tpu.memref_squeeze %dma_wait3A_1406 : memref<1x8x56x64xf32, #tpu.memory_space<vmem>> -> memref<8x56x64xf32, #tpu.memory_space<vmem>>
          tpu.wait_dma2 semaphore(%dma_wait3A_1399 : memref<!tpu.dma_semaphore, #tpu.memory_space<semaphore_mem>>) src(%dma_wait3A_1407 : memref<8x56x64xf32, #tpu.memory_space<vmem>>) dst(%dma_wait3A_1402 : memref<8x56x64xf32, #tpu.memory_space<hbm>>)
        } else {
        }
        %mul3A_1231 = arith.constant 8 : i32
        %mul3A_1232 = arith.muli %add3A_487, %mul3A_1231 : i32
        %add3A_1233 = arith.constant 0 : i32
        %add3A_1234 = arith.addi %mul3A_1232, %add3A_1233 : i32
        %dma_start3A_1235 = arith.constant 3 : i32
        %dma_start3A_1236 = arith.constant 0 : i32
        %dma_start3A_1237 = arith.constant 3 : i32
        %dma_start3A_1238 = arith.constant 0 : i32
        %dma_start3A_1239 = arith.constant 0 : i32
        %dma_start3A_1240 = tpu.memref_slice %arg6[%dma_start3A_1235, %dma_start3A_1236, %dma_start3A_1238, %dma_start3A_1239] : memref<4x8x56x64xf32, #tpu.memory_space<vmem>> -> memref<1x1x50x64xf32, #tpu.memory_space<vmem>>
        %dma_start3A_1241 = tpu.memref_squeeze %dma_start3A_1240 : memref<1x1x50x64xf32, #tpu.memory_space<vmem>> -> memref<50x64xf32, #tpu.memory_space<vmem>>
        %dma_start3A_1242 = arith.constant 0 : i32
        %dma_start3A_1243 = tpu.memref_slice %arg5[%add3A_1234, %dma_start3A_1242] : memref<128x50xi32, #tpu.memory_space<vmem>> -> memref<1x50xi32, #tpu.memory_space<vmem>>
        %dma_start3A_1244 = tpu.memref_squeeze %dma_start3A_1243 : memref<1x50xi32, #tpu.memory_space<vmem>> -> memref<50xi32, #tpu.memory_space<vmem>>
        %dma_start3A_1245 = arith.constant 0 : i32
        %dma_start3A_1246 = arith.constant 0 : i32
        %dma_start3A_1247 = tpu.memref_slice %arg3[%dma_start3A_1245, %dma_start3A_1246] : memref<100000x64xf32, #tpu.memory_space<hbm>> -> memref<100000x64xf32, #tpu.memory_space<hbm>>
        %dma_start3A_1248 = tpu.memref_slice %arg7[%dma_start3A_1237] : memref<4x!tpu.dma_semaphore, #tpu.memory_space<semaphore_mem>> -> memref<1x!tpu.dma_semaphore, #tpu.memory_space<semaphore_mem>>
        %dma_start3A_1249 = tpu.memref_squeeze %dma_start3A_1248 : memref<1x!tpu.dma_semaphore, #tpu.memory_space<semaphore_mem>> -> memref<!tpu.dma_semaphore, #tpu.memory_space<semaphore_mem>>
        tpu.enqueue_indirect_dma source(%dma_start3A_1247 : memref<100000x64xf32, #tpu.memory_space<hbm>>) target(%dma_start3A_1241 : memref<50x64xf32, #tpu.memory_space<vmem>>) offsets(%dma_start3A_1244 : memref<50xi32, #tpu.memory_space<vmem>>) semaphore(%dma_start3A_1249 : memref<!tpu.dma_semaphore, #tpu.memory_space<semaphore_mem>>)
        %mul3A_1250 = arith.constant 8 : i32
        %mul3A_1251 = arith.muli %add3A_487, %mul3A_1250 : i32
        %add3A_1252 = arith.constant 1 : i32
        %add3A_1253 = arith.addi %mul3A_1251, %add3A_1252 : i32
        %dma_start3A_1254 = arith.constant 3 : i32
        %dma_start3A_1255 = arith.constant 1 : i32
        %dma_start3A_1256 = arith.constant 3 : i32
        %dma_start3A_1257 = arith.constant 0 : i32
        %dma_start3A_1258 = arith.constant 0 : i32
        %dma_start3A_1259 = tpu.memref_slice %arg6[%dma_start3A_1254, %dma_start3A_1255, %dma_start3A_1257, %dma_start3A_1258] : memref<4x8x56x64xf32, #tpu.memory_space<vmem>> -> memref<1x1x50x64xf32, #tpu.memory_space<vmem>>
        %dma_start3A_1260 = tpu.memref_squeeze %dma_start3A_1259 : memref<1x1x50x64xf32, #tpu.memory_space<vmem>> -> memref<50x64xf32, #tpu.memory_space<vmem>>
        %dma_start3A_1261 = arith.constant 0 : i32
        %dma_start3A_1262 = tpu.memref_slice %arg5[%add3A_1253, %dma_start3A_1261] : memref<128x50xi32, #tpu.memory_space<vmem>> -> memref<1x50xi32, #tpu.memory_space<vmem>>
        %dma_start3A_1263 = tpu.memref_squeeze %dma_start3A_1262 : memref<1x50xi32, #tpu.memory_space<vmem>> -> memref<50xi32, #tpu.memory_space<vmem>>
        %dma_start3A_1264 = arith.constant 0 : i32
        %dma_start3A_1265 = arith.constant 0 : i32
        %dma_start3A_1266 = tpu.memref_slice %arg3[%dma_start3A_1264, %dma_start3A_1265] : memref<100000x64xf32, #tpu.memory_space<hbm>> -> memref<100000x64xf32, #tpu.memory_space<hbm>>
        %dma_start3A_1267 = tpu.memref_slice %arg7[%dma_start3A_1256] : memref<4x!tpu.dma_semaphore, #tpu.memory_space<semaphore_mem>> -> memref<1x!tpu.dma_semaphore, #tpu.memory_space<semaphore_mem>>
        %dma_start3A_1268 = tpu.memref_squeeze %dma_start3A_1267 : memref<1x!tpu.dma_semaphore, #tpu.memory_space<semaphore_mem>> -> memref<!tpu.dma_semaphore, #tpu.memory_space<semaphore_mem>>
        tpu.enqueue_indirect_dma source(%dma_start3A_1266 : memref<100000x64xf32, #tpu.memory_space<hbm>>) target(%dma_start3A_1260 : memref<50x64xf32, #tpu.memory_space<vmem>>) offsets(%dma_start3A_1263 : memref<50xi32, #tpu.memory_space<vmem>>) semaphore(%dma_start3A_1268 : memref<!tpu.dma_semaphore, #tpu.memory_space<semaphore_mem>>)
        %mul3A_1269 = arith.constant 8 : i32
        %mul3A_1270 = arith.muli %add3A_487, %mul3A_1269 : i32
        %add3A_1271 = arith.constant 2 : i32
        %add3A_1272 = arith.addi %mul3A_1270, %add3A_1271 : i32
        %dma_start3A_1273 = arith.constant 3 : i32
        %dma_start3A_1274 = arith.constant 2 : i32
        %dma_start3A_1275 = arith.constant 3 : i32
        %dma_start3A_1276 = arith.constant 0 : i32
        %dma_start3A_1277 = arith.constant 0 : i32
        %dma_start3A_1278 = tpu.memref_slice %arg6[%dma_start3A_1273, %dma_start3A_1274, %dma_start3A_1276, %dma_start3A_1277] : memref<4x8x56x64xf32, #tpu.memory_space<vmem>> -> memref<1x1x50x64xf32, #tpu.memory_space<vmem>>
        %dma_start3A_1279 = tpu.memref_squeeze %dma_start3A_1278 : memref<1x1x50x64xf32, #tpu.memory_space<vmem>> -> memref<50x64xf32, #tpu.memory_space<vmem>>
        %dma_start3A_1280 = arith.constant 0 : i32
        %dma_start3A_1281 = tpu.memref_slice %arg5[%add3A_1272, %dma_start3A_1280] : memref<128x50xi32, #tpu.memory_space<vmem>> -> memref<1x50xi32, #tpu.memory_space<vmem>>
        %dma_start3A_1282 = tpu.memref_squeeze %dma_start3A_1281 : memref<1x50xi32, #tpu.memory_space<vmem>> -> memref<50xi32, #tpu.memory_space<vmem>>
        %dma_start3A_1283 = arith.constant 0 : i32
        %dma_start3A_1284 = arith.constant 0 : i32
        %dma_start3A_1285 = tpu.memref_slice %arg3[%dma_start3A_1283, %dma_start3A_1284] : memref<100000x64xf32, #tpu.memory_space<hbm>> -> memref<100000x64xf32, #tpu.memory_space<hbm>>
        %dma_start3A_1286 = tpu.memref_slice %arg7[%dma_start3A_1275] : memref<4x!tpu.dma_semaphore, #tpu.memory_space<semaphore_mem>> -> memref<1x!tpu.dma_semaphore, #tpu.memory_space<semaphore_mem>>
        %dma_start3A_1287 = tpu.memref_squeeze %dma_start3A_1286 : memref<1x!tpu.dma_semaphore, #tpu.memory_space<semaphore_mem>> -> memref<!tpu.dma_semaphore, #tpu.memory_space<semaphore_mem>>
        tpu.enqueue_indirect_dma source(%dma_start3A_1285 : memref<100000x64xf32, #tpu.memory_space<hbm>>) target(%dma_start3A_1279 : memref<50x64xf32, #tpu.memory_space<vmem>>) offsets(%dma_start3A_1282 : memref<50xi32, #tpu.memory_space<vmem>>) semaphore(%dma_start3A_1287 : memref<!tpu.dma_semaphore, #tpu.memory_space<semaphore_mem>>)
        %mul3A_1288 = arith.constant 8 : i32
        %mul3A_1289 = arith.muli %add3A_487, %mul3A_1288 : i32
        %add3A_1290 = arith.constant 3 : i32
        %add3A_1291 = arith.addi %mul3A_1289, %add3A_1290 : i32
        %dma_start3A_1292 = arith.constant 3 : i32
        %dma_start3A_1293 = arith.constant 3 : i32
        %dma_start3A_1294 = arith.constant 3 : i32
        %dma_start3A_1295 = arith.constant 0 : i32
        %dma_start3A_1296 = arith.constant 0 : i32
        %dma_start3A_1297 = tpu.memref_slice %arg6[%dma_start3A_1292, %dma_start3A_1293, %dma_start3A_1295, %dma_start3A_1296] : memref<4x8x56x64xf32, #tpu.memory_space<vmem>> -> memref<1x1x50x64xf32, #tpu.memory_space<vmem>>
        %dma_start3A_1298 = tpu.memref_squeeze %dma_start3A_1297 : memref<1x1x50x64xf32, #tpu.memory_space<vmem>> -> memref<50x64xf32, #tpu.memory_space<vmem>>
        %dma_start3A_1299 = arith.constant 0 : i32
        %dma_start3A_1300 = tpu.memref_slice %arg5[%add3A_1291, %dma_start3A_1299] : memref<128x50xi32, #tpu.memory_space<vmem>> -> memref<1x50xi32, #tpu.memory_space<vmem>>
        %dma_start3A_1301 = tpu.memref_squeeze %dma_start3A_1300 : memref<1x50xi32, #tpu.memory_space<vmem>> -> memref<50xi32, #tpu.memory_space<vmem>>
        %dma_start3A_1302 = arith.constant 0 : i32
        %dma_start3A_1303 = arith.constant 0 : i32
        %dma_start3A_1304 = tpu.memref_slice %arg3[%dma_start3A_1302, %dma_start3A_1303] : memref<100000x64xf32, #tpu.memory_space<hbm>> -> memref<100000x64xf32, #tpu.memory_space<hbm>>
        %dma_start3A_1305 = tpu.memref_slice %arg7[%dma_start3A_1294] : memref<4x!tpu.dma_semaphore, #tpu.memory_space<semaphore_mem>> -> memref<1x!tpu.dma_semaphore, #tpu.memory_space<semaphore_mem>>
        %dma_start3A_1306 = tpu.memref_squeeze %dma_start3A_1305 : memref<1x!tpu.dma_semaphore, #tpu.memory_space<semaphore_mem>> -> memref<!tpu.dma_semaphore, #tpu.memory_space<semaphore_mem>>
        tpu.enqueue_indirect_dma source(%dma_start3A_1304 : memref<100000x64xf32, #tpu.memory_space<hbm>>) target(%dma_start3A_1298 : memref<50x64xf32, #tpu.memory_space<vmem>>) offsets(%dma_start3A_1301 : memref<50xi32, #tpu.memory_space<vmem>>) semaphore(%dma_start3A_1306 : memref<!tpu.dma_semaphore, #tpu.memory_space<semaphore_mem>>)
        %mul3A_1307 = arith.constant 8 : i32
        %mul3A_1308 = arith.muli %add3A_487, %mul3A_1307 : i32
        %add3A_1309 = arith.constant 4 : i32
        %add3A_1310 = arith.addi %mul3A_1308, %add3A_1309 : i32
        %dma_start3A_1311 = arith.constant 3 : i32
        %dma_start3A_1312 = arith.constant 4 : i32
        %dma_start3A_1313 = arith.constant 3 : i32
        %dma_start3A_1314 = arith.constant 0 : i32
        %dma_start3A_1315 = arith.constant 0 : i32
        %dma_start3A_1316 = tpu.memref_slice %arg6[%dma_start3A_1311, %dma_start3A_1312, %dma_start3A_1314, %dma_start3A_1315] : memref<4x8x56x64xf32, #tpu.memory_space<vmem>> -> memref<1x1x50x64xf32, #tpu.memory_space<vmem>>
        %dma_start3A_1317 = tpu.memref_squeeze %dma_start3A_1316 : memref<1x1x50x64xf32, #tpu.memory_space<vmem>> -> memref<50x64xf32, #tpu.memory_space<vmem>>
        %dma_start3A_1318 = arith.constant 0 : i32
        %dma_start3A_1319 = tpu.memref_slice %arg5[%add3A_1310, %dma_start3A_1318] : memref<128x50xi32, #tpu.memory_space<vmem>> -> memref<1x50xi32, #tpu.memory_space<vmem>>
        %dma_start3A_1320 = tpu.memref_squeeze %dma_start3A_1319 : memref<1x50xi32, #tpu.memory_space<vmem>> -> memref<50xi32, #tpu.memory_space<vmem>>
        %dma_start3A_1321 = arith.constant 0 : i32
        %dma_start3A_1322 = arith.constant 0 : i32
        %dma_start3A_1323 = tpu.memref_slice %arg3[%dma_start3A_1321, %dma_start3A_1322] : memref<100000x64xf32, #tpu.memory_space<hbm>> -> memref<100000x64xf32, #tpu.memory_space<hbm>>
        %dma_start3A_1324 = tpu.memref_slice %arg7[%dma_start3A_1313] : memref<4x!tpu.dma_semaphore, #tpu.memory_space<semaphore_mem>> -> memref<1x!tpu.dma_semaphore, #tpu.memory_space<semaphore_mem>>
        %dma_start3A_1325 = tpu.memref_squeeze %dma_start3A_1324 : memref<1x!tpu.dma_semaphore, #tpu.memory_space<semaphore_mem>> -> memref<!tpu.dma_semaphore, #tpu.memory_space<semaphore_mem>>
        tpu.enqueue_indirect_dma source(%dma_start3A_1323 : memref<100000x64xf32, #tpu.memory_space<hbm>>) target(%dma_start3A_1317 : memref<50x64xf32, #tpu.memory_space<vmem>>) offsets(%dma_start3A_1320 : memref<50xi32, #tpu.memory_space<vmem>>) semaphore(%dma_start3A_1325 : memref<!tpu.dma_semaphore, #tpu.memory_space<semaphore_mem>>)
        %mul3A_1326 = arith.constant 8 : i32
        %mul3A_1327 = arith.muli %add3A_487, %mul3A_1326 : i32
        %add3A_1328 = arith.constant 5 : i32
        %add3A_1329 = arith.addi %mul3A_1327, %add3A_1328 : i32
        %dma_start3A_1330 = arith.constant 3 : i32
        %dma_start3A_1331 = arith.constant 5 : i32
        %dma_start3A_1332 = arith.constant 3 : i32
        %dma_start3A_1333 = arith.constant 0 : i32
        %dma_start3A_1334 = arith.constant 0 : i32
        %dma_start3A_1335 = tpu.memref_slice %arg6[%dma_start3A_1330, %dma_start3A_1331, %dma_start3A_1333, %dma_start3A_1334] : memref<4x8x56x64xf32, #tpu.memory_space<vmem>> -> memref<1x1x50x64xf32, #tpu.memory_space<vmem>>
        %dma_start3A_1336 = tpu.memref_squeeze %dma_start3A_1335 : memref<1x1x50x64xf32, #tpu.memory_space<vmem>> -> memref<50x64xf32, #tpu.memory_space<vmem>>
        %dma_start3A_1337 = arith.constant 0 : i32
        %dma_start3A_1338 = tpu.memref_slice %arg5[%add3A_1329, %dma_start3A_1337] : memref<128x50xi32, #tpu.memory_space<vmem>> -> memref<1x50xi32, #tpu.memory_space<vmem>>
        %dma_start3A_1339 = tpu.memref_squeeze %dma_start3A_1338 : memref<1x50xi32, #tpu.memory_space<vmem>> -> memref<50xi32, #tpu.memory_space<vmem>>
        %dma_start3A_1340 = arith.constant 0 : i32
        %dma_start3A_1341 = arith.constant 0 : i32
        %dma_start3A_1342 = tpu.memref_slice %arg3[%dma_start3A_1340, %dma_start3A_1341] : memref<100000x64xf32, #tpu.memory_space<hbm>> -> memref<100000x64xf32, #tpu.memory_space<hbm>>
        %dma_start3A_1343 = tpu.memref_slice %arg7[%dma_start3A_1332] : memref<4x!tpu.dma_semaphore, #tpu.memory_space<semaphore_mem>> -> memref<1x!tpu.dma_semaphore, #tpu.memory_space<semaphore_mem>>
        %dma_start3A_1344 = tpu.memref_squeeze %dma_start3A_1343 : memref<1x!tpu.dma_semaphore, #tpu.memory_space<semaphore_mem>> -> memref<!tpu.dma_semaphore, #tpu.memory_space<semaphore_mem>>
        tpu.enqueue_indirect_dma source(%dma_start3A_1342 : memref<100000x64xf32, #tpu.memory_space<hbm>>) target(%dma_start3A_1336 : memref<50x64xf32, #tpu.memory_space<vmem>>) offsets(%dma_start3A_1339 : memref<50xi32, #tpu.memory_space<vmem>>) semaphore(%dma_start3A_1344 : memref<!tpu.dma_semaphore, #tpu.memory_space<semaphore_mem>>)
        %mul3A_1345 = arith.constant 8 : i32
        %mul3A_1346 = arith.muli %add3A_487, %mul3A_1345 : i32
        %add3A_1347 = arith.constant 6 : i32
        %add3A_1348 = arith.addi %mul3A_1346, %add3A_1347 : i32
        %dma_start3A_1349 = arith.constant 3 : i32
        %dma_start3A_1350 = arith.constant 6 : i32
        %dma_start3A_1351 = arith.constant 3 : i32
        %dma_start3A_1352 = arith.constant 0 : i32
        %dma_start3A_1353 = arith.constant 0 : i32
        %dma_start3A_1354 = tpu.memref_slice %arg6[%dma_start3A_1349, %dma_start3A_1350, %dma_start3A_1352, %dma_start3A_1353] : memref<4x8x56x64xf32, #tpu.memory_space<vmem>> -> memref<1x1x50x64xf32, #tpu.memory_space<vmem>>
        %dma_start3A_1355 = tpu.memref_squeeze %dma_start3A_1354 : memref<1x1x50x64xf32, #tpu.memory_space<vmem>> -> memref<50x64xf32, #tpu.memory_space<vmem>>
        %dma_start3A_1356 = arith.constant 0 : i32
        %dma_start3A_1357 = tpu.memref_slice %arg5[%add3A_1348, %dma_start3A_1356] : memref<128x50xi32, #tpu.memory_space<vmem>> -> memref<1x50xi32, #tpu.memory_space<vmem>>
        %dma_start3A_1358 = tpu.memref_squeeze %dma_start3A_1357 : memref<1x50xi32, #tpu.memory_space<vmem>> -> memref<50xi32, #tpu.memory_space<vmem>>
        %dma_start3A_1359 = arith.constant 0 : i32
        %dma_start3A_1360 = arith.constant 0 : i32
        %dma_start3A_1361 = tpu.memref_slice %arg3[%dma_start3A_1359, %dma_start3A_1360] : memref<100000x64xf32, #tpu.memory_space<hbm>> -> memref<100000x64xf32, #tpu.memory_space<hbm>>
        %dma_start3A_1362 = tpu.memref_slice %arg7[%dma_start3A_1351] : memref<4x!tpu.dma_semaphore, #tpu.memory_space<semaphore_mem>> -> memref<1x!tpu.dma_semaphore, #tpu.memory_space<semaphore_mem>>
        %dma_start3A_1363 = tpu.memref_squeeze %dma_start3A_1362 : memref<1x!tpu.dma_semaphore, #tpu.memory_space<semaphore_mem>> -> memref<!tpu.dma_semaphore, #tpu.memory_space<semaphore_mem>>
        tpu.enqueue_indirect_dma source(%dma_start3A_1361 : memref<100000x64xf32, #tpu.memory_space<hbm>>) target(%dma_start3A_1355 : memref<50x64xf32, #tpu.memory_space<vmem>>) offsets(%dma_start3A_1358 : memref<50xi32, #tpu.memory_space<vmem>>) semaphore(%dma_start3A_1363 : memref<!tpu.dma_semaphore, #tpu.memory_space<semaphore_mem>>)
        %mul3A_1364 = arith.constant 8 : i32
        %mul3A_1365 = arith.muli %add3A_487, %mul3A_1364 : i32
        %add3A_1366 = arith.constant 7 : i32
        %add3A_1367 = arith.addi %mul3A_1365, %add3A_1366 : i32
        %dma_start3A_1368 = arith.constant 3 : i32
        %dma_start3A_1369 = arith.constant 7 : i32
        %dma_start3A_1370 = arith.constant 3 : i32
        %dma_start3A_1371 = arith.constant 0 : i32
        %dma_start3A_1372 = arith.constant 0 : i32
        %dma_start3A_1373 = tpu.memref_slice %arg6[%dma_start3A_1368, %dma_start3A_1369, %dma_start3A_1371, %dma_start3A_1372] : memref<4x8x56x64xf32, #tpu.memory_space<vmem>> -> memref<1x1x50x64xf32, #tpu.memory_space<vmem>>
        %dma_start3A_1374 = tpu.memref_squeeze %dma_start3A_1373 : memref<1x1x50x64xf32, #tpu.memory_space<vmem>> -> memref<50x64xf32, #tpu.memory_space<vmem>>
        %dma_start3A_1375 = arith.constant 0 : i32
        %dma_start3A_1376 = tpu.memref_slice %arg5[%add3A_1367, %dma_start3A_1375] : memref<128x50xi32, #tpu.memory_space<vmem>> -> memref<1x50xi32, #tpu.memory_space<vmem>>
        %dma_start3A_1377 = tpu.memref_squeeze %dma_start3A_1376 : memref<1x50xi32, #tpu.memory_space<vmem>> -> memref<50xi32, #tpu.memory_space<vmem>>
        %dma_start3A_1378 = arith.constant 0 : i32
        %dma_start3A_1379 = arith.constant 0 : i32
        %dma_start3A_1380 = tpu.memref_slice %arg3[%dma_start3A_1378, %dma_start3A_1379] : memref<100000x64xf32, #tpu.memory_space<hbm>> -> memref<100000x64xf32, #tpu.memory_space<hbm>>
        %dma_start3A_1381 = tpu.memref_slice %arg7[%dma_start3A_1370] : memref<4x!tpu.dma_semaphore, #tpu.memory_space<semaphore_mem>> -> memref<1x!tpu.dma_semaphore, #tpu.memory_space<semaphore_mem>>
        %dma_start3A_1382 = tpu.memref_squeeze %dma_start3A_1381 : memref<1x!tpu.dma_semaphore, #tpu.memory_space<semaphore_mem>> -> memref<!tpu.dma_semaphore, #tpu.memory_space<semaphore_mem>>
        tpu.enqueue_indirect_dma source(%dma_start3A_1380 : memref<100000x64xf32, #tpu.memory_space<hbm>>) target(%dma_start3A_1374 : memref<50x64xf32, #tpu.memory_space<vmem>>) offsets(%dma_start3A_1377 : memref<50xi32, #tpu.memory_space<vmem>>) semaphore(%dma_start3A_1382 : memref<!tpu.dma_semaphore, #tpu.memory_space<semaphore_mem>>)
      } else {
      }
      %mul3A_490 = arith.constant 8 : i32
      %mul3A_491 = arith.muli %add3A_485, %mul3A_490 : i32
      %add3A_492 = arith.constant 0 : i32
      %add3A_493 = arith.addi %mul3A_491, %add3A_492 : i32
      %dma_wait3A_494 = arith.constant 0 : i32
      %dma_wait3A_495 = arith.constant 0 : i32
      %dma_wait3A_496 = arith.constant 0 : i32
      %dma_wait3A_497 = arith.constant 0 : i32
      %dma_wait3A_498 = arith.constant 0 : i32
      %dma_wait3A_499 = tpu.memref_slice %arg6[%dma_wait3A_494, %dma_wait3A_495, %dma_wait3A_497, %dma_wait3A_498] : memref<4x8x56x64xf32, #tpu.memory_space<vmem>> -> memref<1x1x50x64xf32, #tpu.memory_space<vmem>>
      %dma_wait3A_500 = tpu.memref_squeeze %dma_wait3A_499 : memref<1x1x50x64xf32, #tpu.memory_space<vmem>> -> memref<50x64xf32, #tpu.memory_space<vmem>>
      %dma_wait3A_501 = arith.constant 0 : i32
      %dma_wait3A_502 = tpu.memref_slice %arg5[%add3A_493, %dma_wait3A_501] : memref<128x50xi32, #tpu.memory_space<vmem>> -> memref<1x50xi32, #tpu.memory_space<vmem>>
      %dma_wait3A_503 = tpu.memref_squeeze %dma_wait3A_502 : memref<1x50xi32, #tpu.memory_space<vmem>> -> memref<50xi32, #tpu.memory_space<vmem>>
      %dma_wait3A_504 = arith.constant 0 : i32
      %dma_wait3A_505 = arith.constant 0 : i32
      %dma_wait3A_506 = tpu.memref_slice %arg3[%dma_wait3A_504, %dma_wait3A_505] : memref<100000x64xf32, #tpu.memory_space<hbm>> -> memref<100000x64xf32, #tpu.memory_space<hbm>>
      %dma_wait3A_507 = tpu.memref_slice %arg7[%dma_wait3A_496] : memref<4x!tpu.dma_semaphore, #tpu.memory_space<semaphore_mem>> -> memref<1x!tpu.dma_semaphore, #tpu.memory_space<semaphore_mem>>
      %dma_wait3A_508 = tpu.memref_squeeze %dma_wait3A_507 : memref<1x!tpu.dma_semaphore, #tpu.memory_space<semaphore_mem>> -> memref<!tpu.dma_semaphore, #tpu.memory_space<semaphore_mem>>
      tpu.wait_indirect_dma semaphore(%dma_wait3A_508 : memref<!tpu.dma_semaphore, #tpu.memory_space<semaphore_mem>>) src(%dma_wait3A_506 : memref<100000x64xf32, #tpu.memory_space<hbm>>) dst(%dma_wait3A_500 : memref<50x64xf32, #tpu.memory_space<vmem>>)
      %mul3A_509 = arith.constant 8 : i32
      %mul3A_510 = arith.muli %add3A_485, %mul3A_509 : i32
      %add3A_511 = arith.constant 1 : i32
      %add3A_512 = arith.addi %mul3A_510, %add3A_511 : i32
      %dma_wait3A_513 = arith.constant 0 : i32
      %dma_wait3A_514 = arith.constant 1 : i32
      %dma_wait3A_515 = arith.constant 0 : i32
      %dma_wait3A_516 = arith.constant 0 : i32
      %dma_wait3A_517 = arith.constant 0 : i32
      %dma_wait3A_518 = tpu.memref_slice %arg6[%dma_wait3A_513, %dma_wait3A_514, %dma_wait3A_516, %dma_wait3A_517] : memref<4x8x56x64xf32, #tpu.memory_space<vmem>> -> memref<1x1x50x64xf32, #tpu.memory_space<vmem>>
      %dma_wait3A_519 = tpu.memref_squeeze %dma_wait3A_518 : memref<1x1x50x64xf32, #tpu.memory_space<vmem>> -> memref<50x64xf32, #tpu.memory_space<vmem>>
      %dma_wait3A_520 = arith.constant 0 : i32
      %dma_wait3A_521 = tpu.memref_slice %arg5[%add3A_512, %dma_wait3A_520] : memref<128x50xi32, #tpu.memory_space<vmem>> -> memref<1x50xi32, #tpu.memory_space<vmem>>
      %dma_wait3A_522 = tpu.memref_squeeze %dma_wait3A_521 : memref<1x50xi32, #tpu.memory_space<vmem>> -> memref<50xi32, #tpu.memory_space<vmem>>
      %dma_wait3A_523 = arith.constant 0 : i32
      %dma_wait3A_524 = arith.constant 0 : i32
      %dma_wait3A_525 = tpu.memref_slice %arg3[%dma_wait3A_523, %dma_wait3A_524] : memref<100000x64xf32, #tpu.memory_space<hbm>> -> memref<100000x64xf32, #tpu.memory_space<hbm>>
      %dma_wait3A_526 = tpu.memref_slice %arg7[%dma_wait3A_515] : memref<4x!tpu.dma_semaphore, #tpu.memory_space<semaphore_mem>> -> memref<1x!tpu.dma_semaphore, #tpu.memory_space<semaphore_mem>>
      %dma_wait3A_527 = tpu.memref_squeeze %dma_wait3A_526 : memref<1x!tpu.dma_semaphore, #tpu.memory_space<semaphore_mem>> -> memref<!tpu.dma_semaphore, #tpu.memory_space<semaphore_mem>>
      tpu.wait_indirect_dma semaphore(%dma_wait3A_527 : memref<!tpu.dma_semaphore, #tpu.memory_space<semaphore_mem>>) src(%dma_wait3A_525 : memref<100000x64xf32, #tpu.memory_space<hbm>>) dst(%dma_wait3A_519 : memref<50x64xf32, #tpu.memory_space<vmem>>)
      %mul3A_528 = arith.constant 8 : i32
      %mul3A_529 = arith.muli %add3A_485, %mul3A_528 : i32
      %add3A_530 = arith.constant 2 : i32
      %add3A_531 = arith.addi %mul3A_529, %add3A_530 : i32
      %dma_wait3A_532 = arith.constant 0 : i32
      %dma_wait3A_533 = arith.constant 2 : i32
      %dma_wait3A_534 = arith.constant 0 : i32
      %dma_wait3A_535 = arith.constant 0 : i32
      %dma_wait3A_536 = arith.constant 0 : i32
      %dma_wait3A_537 = tpu.memref_slice %arg6[%dma_wait3A_532, %dma_wait3A_533, %dma_wait3A_535, %dma_wait3A_536] : memref<4x8x56x64xf32, #tpu.memory_space<vmem>> -> memref<1x1x50x64xf32, #tpu.memory_space<vmem>>
      %dma_wait3A_538 = tpu.memref_squeeze %dma_wait3A_537 : memref<1x1x50x64xf32, #tpu.memory_space<vmem>> -> memref<50x64xf32, #tpu.memory_space<vmem>>
      %dma_wait3A_539 = arith.constant 0 : i32
      %dma_wait3A_540 = tpu.memref_slice %arg5[%add3A_531, %dma_wait3A_539] : memref<128x50xi32, #tpu.memory_space<vmem>> -> memref<1x50xi32, #tpu.memory_space<vmem>>
      %dma_wait3A_541 = tpu.memref_squeeze %dma_wait3A_540 : memref<1x50xi32, #tpu.memory_space<vmem>> -> memref<50xi32, #tpu.memory_space<vmem>>
      %dma_wait3A_542 = arith.constant 0 : i32
      %dma_wait3A_543 = arith.constant 0 : i32
      %dma_wait3A_544 = tpu.memref_slice %arg3[%dma_wait3A_542, %dma_wait3A_543] : memref<100000x64xf32, #tpu.memory_space<hbm>> -> memref<100000x64xf32, #tpu.memory_space<hbm>>
      %dma_wait3A_545 = tpu.memref_slice %arg7[%dma_wait3A_534] : memref<4x!tpu.dma_semaphore, #tpu.memory_space<semaphore_mem>> -> memref<1x!tpu.dma_semaphore, #tpu.memory_space<semaphore_mem>>
      %dma_wait3A_546 = tpu.memref_squeeze %dma_wait3A_545 : memref<1x!tpu.dma_semaphore, #tpu.memory_space<semaphore_mem>> -> memref<!tpu.dma_semaphore, #tpu.memory_space<semaphore_mem>>
      tpu.wait_indirect_dma semaphore(%dma_wait3A_546 : memref<!tpu.dma_semaphore, #tpu.memory_space<semaphore_mem>>) src(%dma_wait3A_544 : memref<100000x64xf32, #tpu.memory_space<hbm>>) dst(%dma_wait3A_538 : memref<50x64xf32, #tpu.memory_space<vmem>>)
      %mul3A_547 = arith.constant 8 : i32
      %mul3A_548 = arith.muli %add3A_485, %mul3A_547 : i32
      %add3A_549 = arith.constant 3 : i32
      %add3A_550 = arith.addi %mul3A_548, %add3A_549 : i32
      %dma_wait3A_551 = arith.constant 0 : i32
      %dma_wait3A_552 = arith.constant 3 : i32
      %dma_wait3A_553 = arith.constant 0 : i32
      %dma_wait3A_554 = arith.constant 0 : i32
      %dma_wait3A_555 = arith.constant 0 : i32
      %dma_wait3A_556 = tpu.memref_slice %arg6[%dma_wait3A_551, %dma_wait3A_552, %dma_wait3A_554, %dma_wait3A_555] : memref<4x8x56x64xf32, #tpu.memory_space<vmem>> -> memref<1x1x50x64xf32, #tpu.memory_space<vmem>>
      %dma_wait3A_557 = tpu.memref_squeeze %dma_wait3A_556 : memref<1x1x50x64xf32, #tpu.memory_space<vmem>> -> memref<50x64xf32, #tpu.memory_space<vmem>>
      %dma_wait3A_558 = arith.constant 0 : i32
      %dma_wait3A_559 = tpu.memref_slice %arg5[%add3A_550, %dma_wait3A_558] : memref<128x50xi32, #tpu.memory_space<vmem>> -> memref<1x50xi32, #tpu.memory_space<vmem>>
      %dma_wait3A_560 = tpu.memref_squeeze %dma_wait3A_559 : memref<1x50xi32, #tpu.memory_space<vmem>> -> memref<50xi32, #tpu.memory_space<vmem>>
      %dma_wait3A_561 = arith.constant 0 : i32
      %dma_wait3A_562 = arith.constant 0 : i32
      %dma_wait3A_563 = tpu.memref_slice %arg3[%dma_wait3A_561, %dma_wait3A_562] : memref<100000x64xf32, #tpu.memory_space<hbm>> -> memref<100000x64xf32, #tpu.memory_space<hbm>>
      %dma_wait3A_564 = tpu.memref_slice %arg7[%dma_wait3A_553] : memref<4x!tpu.dma_semaphore, #tpu.memory_space<semaphore_mem>> -> memref<1x!tpu.dma_semaphore, #tpu.memory_space<semaphore_mem>>
      %dma_wait3A_565 = tpu.memref_squeeze %dma_wait3A_564 : memref<1x!tpu.dma_semaphore, #tpu.memory_space<semaphore_mem>> -> memref<!tpu.dma_semaphore, #tpu.memory_space<semaphore_mem>>
      tpu.wait_indirect_dma semaphore(%dma_wait3A_565 : memref<!tpu.dma_semaphore, #tpu.memory_space<semaphore_mem>>) src(%dma_wait3A_563 : memref<100000x64xf32, #tpu.memory_space<hbm>>) dst(%dma_wait3A_557 : memref<50x64xf32, #tpu.memory_space<vmem>>)
      %mul3A_566 = arith.constant 8 : i32
      %mul3A_567 = arith.muli %add3A_485, %mul3A_566 : i32
      %add3A_568 = arith.constant 4 : i32
      %add3A_569 = arith.addi %mul3A_567, %add3A_568 : i32
      %dma_wait3A_570 = arith.constant 0 : i32
      %dma_wait3A_571 = arith.constant 4 : i32
      %dma_wait3A_572 = arith.constant 0 : i32
      %dma_wait3A_573 = arith.constant 0 : i32
      %dma_wait3A_574 = arith.constant 0 : i32
      %dma_wait3A_575 = tpu.memref_slice %arg6[%dma_wait3A_570, %dma_wait3A_571, %dma_wait3A_573, %dma_wait3A_574] : memref<4x8x56x64xf32, #tpu.memory_space<vmem>> -> memref<1x1x50x64xf32, #tpu.memory_space<vmem>>
      %dma_wait3A_576 = tpu.memref_squeeze %dma_wait3A_575 : memref<1x1x50x64xf32, #tpu.memory_space<vmem>> -> memref<50x64xf32, #tpu.memory_space<vmem>>
      %dma_wait3A_577 = arith.constant 0 : i32
      %dma_wait3A_578 = tpu.memref_slice %arg5[%add3A_569, %dma_wait3A_577] : memref<128x50xi32, #tpu.memory_space<vmem>> -> memref<1x50xi32, #tpu.memory_space<vmem>>
      %dma_wait3A_579 = tpu.memref_squeeze %dma_wait3A_578 : memref<1x50xi32, #tpu.memory_space<vmem>> -> memref<50xi32, #tpu.memory_space<vmem>>
      %dma_wait3A_580 = arith.constant 0 : i32
      %dma_wait3A_581 = arith.constant 0 : i32
      %dma_wait3A_582 = tpu.memref_slice %arg3[%dma_wait3A_580, %dma_wait3A_581] : memref<100000x64xf32, #tpu.memory_space<hbm>> -> memref<100000x64xf32, #tpu.memory_space<hbm>>
      %dma_wait3A_583 = tpu.memref_slice %arg7[%dma_wait3A_572] : memref<4x!tpu.dma_semaphore, #tpu.memory_space<semaphore_mem>> -> memref<1x!tpu.dma_semaphore, #tpu.memory_space<semaphore_mem>>
      %dma_wait3A_584 = tpu.memref_squeeze %dma_wait3A_583 : memref<1x!tpu.dma_semaphore, #tpu.memory_space<semaphore_mem>> -> memref<!tpu.dma_semaphore, #tpu.memory_space<semaphore_mem>>
      tpu.wait_indirect_dma semaphore(%dma_wait3A_584 : memref<!tpu.dma_semaphore, #tpu.memory_space<semaphore_mem>>) src(%dma_wait3A_582 : memref<100000x64xf32, #tpu.memory_space<hbm>>) dst(%dma_wait3A_576 : memref<50x64xf32, #tpu.memory_space<vmem>>)
      %mul3A_585 = arith.constant 8 : i32
      %mul3A_586 = arith.muli %add3A_485, %mul3A_585 : i32
      %add3A_587 = arith.constant 5 : i32
      %add3A_588 = arith.addi %mul3A_586, %add3A_587 : i32
      %dma_wait3A_589 = arith.constant 0 : i32
      %dma_wait3A_590 = arith.constant 5 : i32
      %dma_wait3A_591 = arith.constant 0 : i32
      %dma_wait3A_592 = arith.constant 0 : i32
      %dma_wait3A_593 = arith.constant 0 : i32
      %dma_wait3A_594 = tpu.memref_slice %arg6[%dma_wait3A_589, %dma_wait3A_590, %dma_wait3A_592, %dma_wait3A_593] : memref<4x8x56x64xf32, #tpu.memory_space<vmem>> -> memref<1x1x50x64xf32, #tpu.memory_space<vmem>>
      %dma_wait3A_595 = tpu.memref_squeeze %dma_wait3A_594 : memref<1x1x50x64xf32, #tpu.memory_space<vmem>> -> memref<50x64xf32, #tpu.memory_space<vmem>>
      %dma_wait3A_596 = arith.constant 0 : i32
      %dma_wait3A_597 = tpu.memref_slice %arg5[%add3A_588, %dma_wait3A_596] : memref<128x50xi32, #tpu.memory_space<vmem>> -> memref<1x50xi32, #tpu.memory_space<vmem>>
      %dma_wait3A_598 = tpu.memref_squeeze %dma_wait3A_597 : memref<1x50xi32, #tpu.memory_space<vmem>> -> memref<50xi32, #tpu.memory_space<vmem>>
      %dma_wait3A_599 = arith.constant 0 : i32
      %dma_wait3A_600 = arith.constant 0 : i32
      %dma_wait3A_601 = tpu.memref_slice %arg3[%dma_wait3A_599, %dma_wait3A_600] : memref<100000x64xf32, #tpu.memory_space<hbm>> -> memref<100000x64xf32, #tpu.memory_space<hbm>>
      %dma_wait3A_602 = tpu.memref_slice %arg7[%dma_wait3A_591] : memref<4x!tpu.dma_semaphore, #tpu.memory_space<semaphore_mem>> -> memref<1x!tpu.dma_semaphore, #tpu.memory_space<semaphore_mem>>
      %dma_wait3A_603 = tpu.memref_squeeze %dma_wait3A_602 : memref<1x!tpu.dma_semaphore, #tpu.memory_space<semaphore_mem>> -> memref<!tpu.dma_semaphore, #tpu.memory_space<semaphore_mem>>
      tpu.wait_indirect_dma semaphore(%dma_wait3A_603 : memref<!tpu.dma_semaphore, #tpu.memory_space<semaphore_mem>>) src(%dma_wait3A_601 : memref<100000x64xf32, #tpu.memory_space<hbm>>) dst(%dma_wait3A_595 : memref<50x64xf32, #tpu.memory_space<vmem>>)
      %mul3A_604 = arith.constant 8 : i32
      %mul3A_605 = arith.muli %add3A_485, %mul3A_604 : i32
      %add3A_606 = arith.constant 6 : i32
      %add3A_607 = arith.addi %mul3A_605, %add3A_606 : i32
      %dma_wait3A_608 = arith.constant 0 : i32
      %dma_wait3A_609 = arith.constant 6 : i32
      %dma_wait3A_610 = arith.constant 0 : i32
      %dma_wait3A_611 = arith.constant 0 : i32
      %dma_wait3A_612 = arith.constant 0 : i32
      %dma_wait3A_613 = tpu.memref_slice %arg6[%dma_wait3A_608, %dma_wait3A_609, %dma_wait3A_611, %dma_wait3A_612] : memref<4x8x56x64xf32, #tpu.memory_space<vmem>> -> memref<1x1x50x64xf32, #tpu.memory_space<vmem>>
      %dma_wait3A_614 = tpu.memref_squeeze %dma_wait3A_613 : memref<1x1x50x64xf32, #tpu.memory_space<vmem>> -> memref<50x64xf32, #tpu.memory_space<vmem>>
      %dma_wait3A_615 = arith.constant 0 : i32
      %dma_wait3A_616 = tpu.memref_slice %arg5[%add3A_607, %dma_wait3A_615] : memref<128x50xi32, #tpu.memory_space<vmem>> -> memref<1x50xi32, #tpu.memory_space<vmem>>
      %dma_wait3A_617 = tpu.memref_squeeze %dma_wait3A_616 : memref<1x50xi32, #tpu.memory_space<vmem>> -> memref<50xi32, #tpu.memory_space<vmem>>
      %dma_wait3A_618 = arith.constant 0 : i32
      %dma_wait3A_619 = arith.constant 0 : i32
      %dma_wait3A_620 = tpu.memref_slice %arg3[%dma_wait3A_618, %dma_wait3A_619] : memref<100000x64xf32, #tpu.memory_space<hbm>> -> memref<100000x64xf32, #tpu.memory_space<hbm>>
      %dma_wait3A_621 = tpu.memref_slice %arg7[%dma_wait3A_610] : memref<4x!tpu.dma_semaphore, #tpu.memory_space<semaphore_mem>> -> memref<1x!tpu.dma_semaphore, #tpu.memory_space<semaphore_mem>>
      %dma_wait3A_622 = tpu.memref_squeeze %dma_wait3A_621 : memref<1x!tpu.dma_semaphore, #tpu.memory_space<semaphore_mem>> -> memref<!tpu.dma_semaphore, #tpu.memory_space<semaphore_mem>>
      tpu.wait_indirect_dma semaphore(%dma_wait3A_622 : memref<!tpu.dma_semaphore, #tpu.memory_space<semaphore_mem>>) src(%dma_wait3A_620 : memref<100000x64xf32, #tpu.memory_space<hbm>>) dst(%dma_wait3A_614 : memref<50x64xf32, #tpu.memory_space<vmem>>)
      %mul3A_623 = arith.constant 8 : i32
      %mul3A_624 = arith.muli %add3A_485, %mul3A_623 : i32
      %add3A_625 = arith.constant 7 : i32
      %add3A_626 = arith.addi %mul3A_624, %add3A_625 : i32
      %dma_wait3A_627 = arith.constant 0 : i32
      %dma_wait3A_628 = arith.constant 7 : i32
      %dma_wait3A_629 = arith.constant 0 : i32
      %dma_wait3A_630 = arith.constant 0 : i32
      %dma_wait3A_631 = arith.constant 0 : i32
      %dma_wait3A_632 = tpu.memref_slice %arg6[%dma_wait3A_627, %dma_wait3A_628, %dma_wait3A_630, %dma_wait3A_631] : memref<4x8x56x64xf32, #tpu.memory_space<vmem>> -> memref<1x1x50x64xf32, #tpu.memory_space<vmem>>
      %dma_wait3A_633 = tpu.memref_squeeze %dma_wait3A_632 : memref<1x1x50x64xf32, #tpu.memory_space<vmem>> -> memref<50x64xf32, #tpu.memory_space<vmem>>
      %dma_wait3A_634 = arith.constant 0 : i32
      %dma_wait3A_635 = tpu.memref_slice %arg5[%add3A_626, %dma_wait3A_634] : memref<128x50xi32, #tpu.memory_space<vmem>> -> memref<1x50xi32, #tpu.memory_space<vmem>>
      %dma_wait3A_636 = tpu.memref_squeeze %dma_wait3A_635 : memref<1x50xi32, #tpu.memory_space<vmem>> -> memref<50xi32, #tpu.memory_space<vmem>>
      %dma_wait3A_637 = arith.constant 0 : i32
      %dma_wait3A_638 = arith.constant 0 : i32
      %dma_wait3A_639 = tpu.memref_slice %arg3[%dma_wait3A_637, %dma_wait3A_638] : memref<100000x64xf32, #tpu.memory_space<hbm>> -> memref<100000x64xf32, #tpu.memory_space<hbm>>
      %dma_wait3A_640 = tpu.memref_slice %arg7[%dma_wait3A_629] : memref<4x!tpu.dma_semaphore, #tpu.memory_space<semaphore_mem>> -> memref<1x!tpu.dma_semaphore, #tpu.memory_space<semaphore_mem>>
      %dma_wait3A_641 = tpu.memref_squeeze %dma_wait3A_640 : memref<1x!tpu.dma_semaphore, #tpu.memory_space<semaphore_mem>> -> memref<!tpu.dma_semaphore, #tpu.memory_space<semaphore_mem>>
      tpu.wait_indirect_dma semaphore(%dma_wait3A_641 : memref<!tpu.dma_semaphore, #tpu.memory_space<semaphore_mem>>) src(%dma_wait3A_639 : memref<100000x64xf32, #tpu.memory_space<hbm>>) dst(%dma_wait3A_633 : memref<50x64xf32, #tpu.memory_space<vmem>>)
      %mul3A_642 = arith.constant 8 : i32
      %mul3A_643 = arith.muli %add3A_485, %mul3A_642 : i32
      %add3A_644 = arith.addi %mul3A_2, %mul3A_643 : i32
      %multiple_of3A_645 = tpu.assume_multiple %add3A_644, 8 : i32
      %dma_start3A_646 = arith.constant 0 : i32
      %dma_start3A_647 = arith.constant 0 : i32
      %dma_start3A_648 = arith.constant 0 : i32
      %dma_start3A_649 = arith.constant 0 : i32
      %dma_start3A_650 = arith.constant 0 : i32
      %dma_start3A_651 = tpu.memref_slice %arg6[%dma_start3A_646, %dma_start3A_648, %dma_start3A_649, %dma_start3A_650] : memref<4x8x56x64xf32, #tpu.memory_space<vmem>> -> memref<1x8x56x64xf32, #tpu.memory_space<vmem>>
      %dma_start3A_652 = tpu.memref_squeeze %dma_start3A_651 : memref<1x8x56x64xf32, #tpu.memory_space<vmem>> -> memref<8x56x64xf32, #tpu.memory_space<vmem>>
      %dma_start3A_653 = arith.constant 0 : i32
      %dma_start3A_654 = arith.constant 0 : i32
      %dma_start3A_655 = tpu.memref_slice %arg4[%multiple_of3A_645, %dma_start3A_653, %dma_start3A_654] : memref<4096x56x128xf32, #tpu.memory_space<hbm>> -> memref<8x56x64xf32, #tpu.memory_space<hbm>>
      %dma_start3A_656 = tpu.memref_slice %arg8[%dma_start3A_647] : memref<4x!tpu.dma_semaphore, #tpu.memory_space<semaphore_mem>> -> memref<1x!tpu.dma_semaphore, #tpu.memory_space<semaphore_mem>>
      %dma_start3A_657 = tpu.memref_squeeze %dma_start3A_656 : memref<1x!tpu.dma_semaphore, #tpu.memory_space<semaphore_mem>> -> memref<!tpu.dma_semaphore, #tpu.memory_space<semaphore_mem>>
      %dma_start3A_658 = arith.constant 0 : i32
      %dma_start3A_659 = arith.constant 0 : i32
      %dma_start3A_660 = tpu.memref_slice %arg4[%multiple_of3A_645, %dma_start3A_658, %dma_start3A_659] : memref<4096x56x128xf32, #tpu.memory_space<hbm>> -> memref<8x56x64xf32, #tpu.memory_space<hbm>>
      %dma_start3A_661 = arith.constant 0 : i32
      %dma_start3A_662 = arith.constant 0 : i32
      %dma_start3A_663 = arith.constant 0 : i32
      %dma_start3A_664 = tpu.memref_slice %arg6[%dma_start3A_646, %dma_start3A_661, %dma_start3A_662, %dma_start3A_663] : memref<4x8x56x64xf32, #tpu.memory_space<vmem>> -> memref<1x8x56x64xf32, #tpu.memory_space<vmem>>
      %dma_start3A_665 = tpu.memref_squeeze %dma_start3A_664 : memref<1x8x56x64xf32, #tpu.memory_space<vmem>> -> memref<8x56x64xf32, #tpu.memory_space<vmem>>
      tpu.enqueue_dma source(%dma_start3A_665 : memref<8x56x64xf32, #tpu.memory_space<vmem>>) target(%dma_start3A_660 : memref<8x56x64xf32, #tpu.memory_space<hbm>>) target_semaphore(%dma_start3A_657 : memref<!tpu.dma_semaphore, #tpu.memory_space<semaphore_mem>>)
      %mul3A_666 = arith.constant 4 : i32
      %mul3A_667 = arith.muli %scan3A_481, %mul3A_666 : i32
      %add3A_668 = arith.constant 1 : i32
      %add3A_669 = arith.addi %mul3A_667, %add3A_668 : i32
      %add3A_670 = arith.constant 3 : i32
      %add3A_671 = arith.addi %add3A_669, %add3A_670 : i32
      %lt3A_672 = arith.constant 16 : i32
      %lt3A_673 = arith.cmpi slt, %add3A_671, %lt3A_672 : i32
      %convert_element_type3A_674 = arith.extui %lt3A_673 : i1 to i32
      %cond3A_675 = arith.constant 0 : i32
      %cond3A_676 = arith.cmpi ne, %convert_element_type3A_674, %cond3A_675 : i32
      scf.if %cond3A_676 {
        %ge3A = arith.constant 4 : i32
        %ge3A_1227 = arith.cmpi sge, %add3A_671, %ge3A : i32
        %convert_element_type3A_1228 = arith.extui %ge3A_1227 : i1 to i32
        %cond3A_1229 = arith.constant 0 : i32
        %cond3A_1230 = arith.cmpi ne, %convert_element_type3A_1228, %cond3A_1229 : i32
        scf.if %cond3A_1230 {
          %sub3A = arith.constant 4 : i32
          %sub3A_1383 = arith.subi %add3A_671, %sub3A : i32
          %mul3A_1384 = arith.constant 8 : i32
          %mul3A_1385 = arith.muli %sub3A_1383, %mul3A_1384 : i32
          %add3A_1386 = arith.addi %mul3A_2, %mul3A_1385 : i32
          %multiple_of3A_1387 = tpu.assume_multiple %add3A_1386, 8 : i32
          %dma_wait3A_1388 = arith.constant 0 : i32
          %dma_wait3A_1389 = arith.constant 0 : i32
          %dma_wait3A_1390 = arith.constant 0 : i32
          %dma_wait3A_1391 = arith.constant 0 : i32
          %dma_wait3A_1392 = arith.constant 0 : i32
          %dma_wait3A_1393 = tpu.memref_slice %arg6[%dma_wait3A_1388, %dma_wait3A_1390, %dma_wait3A_1391, %dma_wait3A_1392] : memref<4x8x56x64xf32, #tpu.memory_space<vmem>> -> memref<1x8x56x64xf32, #tpu.memory_space<vmem>>
          %dma_wait3A_1394 = tpu.memref_squeeze %dma_wait3A_1393 : memref<1x8x56x64xf32, #tpu.memory_space<vmem>> -> memref<8x56x64xf32, #tpu.memory_space<vmem>>
          %dma_wait3A_1395 = arith.constant 0 : i32
          %dma_wait3A_1396 = arith.constant 0 : i32
          %dma_wait3A_1397 = tpu.memref_slice %arg4[%multiple_of3A_1387, %dma_wait3A_1395, %dma_wait3A_1396] : memref<4096x56x128xf32, #tpu.memory_space<hbm>> -> memref<8x56x64xf32, #tpu.memory_space<hbm>>
          %dma_wait3A_1398 = tpu.memref_slice %arg8[%dma_wait3A_1389] : memref<4x!tpu.dma_semaphore, #tpu.memory_space<semaphore_mem>> -> memref<1x!tpu.dma_semaphore, #tpu.memory_space<semaphore_mem>>
          %dma_wait3A_1399 = tpu.memref_squeeze %dma_wait3A_1398 : memref<1x!tpu.dma_semaphore, #tpu.memory_space<semaphore_mem>> -> memref<!tpu.dma_semaphore, #tpu.memory_space<semaphore_mem>>
          %dma_wait3A_1400 = arith.constant 0 : i32
          %dma_wait3A_1401 = arith.constant 0 : i32
          %dma_wait3A_1402 = tpu.memref_slice %arg4[%multiple_of3A_1387, %dma_wait3A_1400, %dma_wait3A_1401] : memref<4096x56x128xf32, #tpu.memory_space<hbm>> -> memref<8x56x64xf32, #tpu.memory_space<hbm>>
          %dma_wait3A_1403 = arith.constant 0 : i32
          %dma_wait3A_1404 = arith.constant 0 : i32
          %dma_wait3A_1405 = arith.constant 0 : i32
          %dma_wait3A_1406 = tpu.memref_slice %arg6[%dma_wait3A_1388, %dma_wait3A_1403, %dma_wait3A_1404, %dma_wait3A_1405] : memref<4x8x56x64xf32, #tpu.memory_space<vmem>> -> memref<1x8x56x64xf32, #tpu.memory_space<vmem>>
          %dma_wait3A_1407 = tpu.memref_squeeze %dma_wait3A_1406 : memref<1x8x56x64xf32, #tpu.memory_space<vmem>> -> memref<8x56x64xf32, #tpu.memory_space<vmem>>
          tpu.wait_dma2 semaphore(%dma_wait3A_1399 : memref<!tpu.dma_semaphore, #tpu.memory_space<semaphore_mem>>) src(%dma_wait3A_1407 : memref<8x56x64xf32, #tpu.memory_space<vmem>>) dst(%dma_wait3A_1402 : memref<8x56x64xf32, #tpu.memory_space<hbm>>)
        } else {
        }
        %mul3A_1231 = arith.constant 8 : i32
        %mul3A_1232 = arith.muli %add3A_671, %mul3A_1231 : i32
        %add3A_1233 = arith.constant 0 : i32
        %add3A_1234 = arith.addi %mul3A_1232, %add3A_1233 : i32
        %dma_start3A_1235 = arith.constant 0 : i32
        %dma_start3A_1236 = arith.constant 0 : i32
        %dma_start3A_1237 = arith.constant 0 : i32
        %dma_start3A_1238 = arith.constant 0 : i32
        %dma_start3A_1239 = arith.constant 0 : i32
        %dma_start3A_1240 = tpu.memref_slice %arg6[%dma_start3A_1235, %dma_start3A_1236, %dma_start3A_1238, %dma_start3A_1239] : memref<4x8x56x64xf32, #tpu.memory_space<vmem>> -> memref<1x1x50x64xf32, #tpu.memory_space<vmem>>
        %dma_start3A_1241 = tpu.memref_squeeze %dma_start3A_1240 : memref<1x1x50x64xf32, #tpu.memory_space<vmem>> -> memref<50x64xf32, #tpu.memory_space<vmem>>
        %dma_start3A_1242 = arith.constant 0 : i32
        %dma_start3A_1243 = tpu.memref_slice %arg5[%add3A_1234, %dma_start3A_1242] : memref<128x50xi32, #tpu.memory_space<vmem>> -> memref<1x50xi32, #tpu.memory_space<vmem>>
        %dma_start3A_1244 = tpu.memref_squeeze %dma_start3A_1243 : memref<1x50xi32, #tpu.memory_space<vmem>> -> memref<50xi32, #tpu.memory_space<vmem>>
        %dma_start3A_1245 = arith.constant 0 : i32
        %dma_start3A_1246 = arith.constant 0 : i32
        %dma_start3A_1247 = tpu.memref_slice %arg3[%dma_start3A_1245, %dma_start3A_1246] : memref<100000x64xf32, #tpu.memory_space<hbm>> -> memref<100000x64xf32, #tpu.memory_space<hbm>>
        %dma_start3A_1248 = tpu.memref_slice %arg7[%dma_start3A_1237] : memref<4x!tpu.dma_semaphore, #tpu.memory_space<semaphore_mem>> -> memref<1x!tpu.dma_semaphore, #tpu.memory_space<semaphore_mem>>
        %dma_start3A_1249 = tpu.memref_squeeze %dma_start3A_1248 : memref<1x!tpu.dma_semaphore, #tpu.memory_space<semaphore_mem>> -> memref<!tpu.dma_semaphore, #tpu.memory_space<semaphore_mem>>
        tpu.enqueue_indirect_dma source(%dma_start3A_1247 : memref<100000x64xf32, #tpu.memory_space<hbm>>) target(%dma_start3A_1241 : memref<50x64xf32, #tpu.memory_space<vmem>>) offsets(%dma_start3A_1244 : memref<50xi32, #tpu.memory_space<vmem>>) semaphore(%dma_start3A_1249 : memref<!tpu.dma_semaphore, #tpu.memory_space<semaphore_mem>>)
        %mul3A_1250 = arith.constant 8 : i32
        %mul3A_1251 = arith.muli %add3A_671, %mul3A_1250 : i32
        %add3A_1252 = arith.constant 1 : i32
        %add3A_1253 = arith.addi %mul3A_1251, %add3A_1252 : i32
        %dma_start3A_1254 = arith.constant 0 : i32
        %dma_start3A_1255 = arith.constant 1 : i32
        %dma_start3A_1256 = arith.constant 0 : i32
        %dma_start3A_1257 = arith.constant 0 : i32
        %dma_start3A_1258 = arith.constant 0 : i32
        %dma_start3A_1259 = tpu.memref_slice %arg6[%dma_start3A_1254, %dma_start3A_1255, %dma_start3A_1257, %dma_start3A_1258] : memref<4x8x56x64xf32, #tpu.memory_space<vmem>> -> memref<1x1x50x64xf32, #tpu.memory_space<vmem>>
        %dma_start3A_1260 = tpu.memref_squeeze %dma_start3A_1259 : memref<1x1x50x64xf32, #tpu.memory_space<vmem>> -> memref<50x64xf32, #tpu.memory_space<vmem>>
        %dma_start3A_1261 = arith.constant 0 : i32
        %dma_start3A_1262 = tpu.memref_slice %arg5[%add3A_1253, %dma_start3A_1261] : memref<128x50xi32, #tpu.memory_space<vmem>> -> memref<1x50xi32, #tpu.memory_space<vmem>>
        %dma_start3A_1263 = tpu.memref_squeeze %dma_start3A_1262 : memref<1x50xi32, #tpu.memory_space<vmem>> -> memref<50xi32, #tpu.memory_space<vmem>>
        %dma_start3A_1264 = arith.constant 0 : i32
        %dma_start3A_1265 = arith.constant 0 : i32
        %dma_start3A_1266 = tpu.memref_slice %arg3[%dma_start3A_1264, %dma_start3A_1265] : memref<100000x64xf32, #tpu.memory_space<hbm>> -> memref<100000x64xf32, #tpu.memory_space<hbm>>
        %dma_start3A_1267 = tpu.memref_slice %arg7[%dma_start3A_1256] : memref<4x!tpu.dma_semaphore, #tpu.memory_space<semaphore_mem>> -> memref<1x!tpu.dma_semaphore, #tpu.memory_space<semaphore_mem>>
        %dma_start3A_1268 = tpu.memref_squeeze %dma_start3A_1267 : memref<1x!tpu.dma_semaphore, #tpu.memory_space<semaphore_mem>> -> memref<!tpu.dma_semaphore, #tpu.memory_space<semaphore_mem>>
        tpu.enqueue_indirect_dma source(%dma_start3A_1266 : memref<100000x64xf32, #tpu.memory_space<hbm>>) target(%dma_start3A_1260 : memref<50x64xf32, #tpu.memory_space<vmem>>) offsets(%dma_start3A_1263 : memref<50xi32, #tpu.memory_space<vmem>>) semaphore(%dma_start3A_1268 : memref<!tpu.dma_semaphore, #tpu.memory_space<semaphore_mem>>)
        %mul3A_1269 = arith.constant 8 : i32
        %mul3A_1270 = arith.muli %add3A_671, %mul3A_1269 : i32
        %add3A_1271 = arith.constant 2 : i32
        %add3A_1272 = arith.addi %mul3A_1270, %add3A_1271 : i32
        %dma_start3A_1273 = arith.constant 0 : i32
        %dma_start3A_1274 = arith.constant 2 : i32
        %dma_start3A_1275 = arith.constant 0 : i32
        %dma_start3A_1276 = arith.constant 0 : i32
        %dma_start3A_1277 = arith.constant 0 : i32
        %dma_start3A_1278 = tpu.memref_slice %arg6[%dma_start3A_1273, %dma_start3A_1274, %dma_start3A_1276, %dma_start3A_1277] : memref<4x8x56x64xf32, #tpu.memory_space<vmem>> -> memref<1x1x50x64xf32, #tpu.memory_space<vmem>>
        %dma_start3A_1279 = tpu.memref_squeeze %dma_start3A_1278 : memref<1x1x50x64xf32, #tpu.memory_space<vmem>> -> memref<50x64xf32, #tpu.memory_space<vmem>>
        %dma_start3A_1280 = arith.constant 0 : i32
        %dma_start3A_1281 = tpu.memref_slice %arg5[%add3A_1272, %dma_start3A_1280] : memref<128x50xi32, #tpu.memory_space<vmem>> -> memref<1x50xi32, #tpu.memory_space<vmem>>
        %dma_start3A_1282 = tpu.memref_squeeze %dma_start3A_1281 : memref<1x50xi32, #tpu.memory_space<vmem>> -> memref<50xi32, #tpu.memory_space<vmem>>
        %dma_start3A_1283 = arith.constant 0 : i32
        %dma_start3A_1284 = arith.constant 0 : i32
        %dma_start3A_1285 = tpu.memref_slice %arg3[%dma_start3A_1283, %dma_start3A_1284] : memref<100000x64xf32, #tpu.memory_space<hbm>> -> memref<100000x64xf32, #tpu.memory_space<hbm>>
        %dma_start3A_1286 = tpu.memref_slice %arg7[%dma_start3A_1275] : memref<4x!tpu.dma_semaphore, #tpu.memory_space<semaphore_mem>> -> memref<1x!tpu.dma_semaphore, #tpu.memory_space<semaphore_mem>>
        %dma_start3A_1287 = tpu.memref_squeeze %dma_start3A_1286 : memref<1x!tpu.dma_semaphore, #tpu.memory_space<semaphore_mem>> -> memref<!tpu.dma_semaphore, #tpu.memory_space<semaphore_mem>>
        tpu.enqueue_indirect_dma source(%dma_start3A_1285 : memref<100000x64xf32, #tpu.memory_space<hbm>>) target(%dma_start3A_1279 : memref<50x64xf32, #tpu.memory_space<vmem>>) offsets(%dma_start3A_1282 : memref<50xi32, #tpu.memory_space<vmem>>) semaphore(%dma_start3A_1287 : memref<!tpu.dma_semaphore, #tpu.memory_space<semaphore_mem>>)
        %mul3A_1288 = arith.constant 8 : i32
        %mul3A_1289 = arith.muli %add3A_671, %mul3A_1288 : i32
        %add3A_1290 = arith.constant 3 : i32
        %add3A_1291 = arith.addi %mul3A_1289, %add3A_1290 : i32
        %dma_start3A_1292 = arith.constant 0 : i32
        %dma_start3A_1293 = arith.constant 3 : i32
        %dma_start3A_1294 = arith.constant 0 : i32
        %dma_start3A_1295 = arith.constant 0 : i32
        %dma_start3A_1296 = arith.constant 0 : i32
        %dma_start3A_1297 = tpu.memref_slice %arg6[%dma_start3A_1292, %dma_start3A_1293, %dma_start3A_1295, %dma_start3A_1296] : memref<4x8x56x64xf32, #tpu.memory_space<vmem>> -> memref<1x1x50x64xf32, #tpu.memory_space<vmem>>
        %dma_start3A_1298 = tpu.memref_squeeze %dma_start3A_1297 : memref<1x1x50x64xf32, #tpu.memory_space<vmem>> -> memref<50x64xf32, #tpu.memory_space<vmem>>
        %dma_start3A_1299 = arith.constant 0 : i32
        %dma_start3A_1300 = tpu.memref_slice %arg5[%add3A_1291, %dma_start3A_1299] : memref<128x50xi32, #tpu.memory_space<vmem>> -> memref<1x50xi32, #tpu.memory_space<vmem>>
        %dma_start3A_1301 = tpu.memref_squeeze %dma_start3A_1300 : memref<1x50xi32, #tpu.memory_space<vmem>> -> memref<50xi32, #tpu.memory_space<vmem>>
        %dma_start3A_1302 = arith.constant 0 : i32
        %dma_start3A_1303 = arith.constant 0 : i32
        %dma_start3A_1304 = tpu.memref_slice %arg3[%dma_start3A_1302, %dma_start3A_1303] : memref<100000x64xf32, #tpu.memory_space<hbm>> -> memref<100000x64xf32, #tpu.memory_space<hbm>>
        %dma_start3A_1305 = tpu.memref_slice %arg7[%dma_start3A_1294] : memref<4x!tpu.dma_semaphore, #tpu.memory_space<semaphore_mem>> -> memref<1x!tpu.dma_semaphore, #tpu.memory_space<semaphore_mem>>
        %dma_start3A_1306 = tpu.memref_squeeze %dma_start3A_1305 : memref<1x!tpu.dma_semaphore, #tpu.memory_space<semaphore_mem>> -> memref<!tpu.dma_semaphore, #tpu.memory_space<semaphore_mem>>
        tpu.enqueue_indirect_dma source(%dma_start3A_1304 : memref<100000x64xf32, #tpu.memory_space<hbm>>) target(%dma_start3A_1298 : memref<50x64xf32, #tpu.memory_space<vmem>>) offsets(%dma_start3A_1301 : memref<50xi32, #tpu.memory_space<vmem>>) semaphore(%dma_start3A_1306 : memref<!tpu.dma_semaphore, #tpu.memory_space<semaphore_mem>>)
        %mul3A_1307 = arith.constant 8 : i32
        %mul3A_1308 = arith.muli %add3A_671, %mul3A_1307 : i32
        %add3A_1309 = arith.constant 4 : i32
        %add3A_1310 = arith.addi %mul3A_1308, %add3A_1309 : i32
        %dma_start3A_1311 = arith.constant 0 : i32
        %dma_start3A_1312 = arith.constant 4 : i32
        %dma_start3A_1313 = arith.constant 0 : i32
        %dma_start3A_1314 = arith.constant 0 : i32
        %dma_start3A_1315 = arith.constant 0 : i32
        %dma_start3A_1316 = tpu.memref_slice %arg6[%dma_start3A_1311, %dma_start3A_1312, %dma_start3A_1314, %dma_start3A_1315] : memref<4x8x56x64xf32, #tpu.memory_space<vmem>> -> memref<1x1x50x64xf32, #tpu.memory_space<vmem>>
        %dma_start3A_1317 = tpu.memref_squeeze %dma_start3A_1316 : memref<1x1x50x64xf32, #tpu.memory_space<vmem>> -> memref<50x64xf32, #tpu.memory_space<vmem>>
        %dma_start3A_1318 = arith.constant 0 : i32
        %dma_start3A_1319 = tpu.memref_slice %arg5[%add3A_1310, %dma_start3A_1318] : memref<128x50xi32, #tpu.memory_space<vmem>> -> memref<1x50xi32, #tpu.memory_space<vmem>>
        %dma_start3A_1320 = tpu.memref_squeeze %dma_start3A_1319 : memref<1x50xi32, #tpu.memory_space<vmem>> -> memref<50xi32, #tpu.memory_space<vmem>>
        %dma_start3A_1321 = arith.constant 0 : i32
        %dma_start3A_1322 = arith.constant 0 : i32
        %dma_start3A_1323 = tpu.memref_slice %arg3[%dma_start3A_1321, %dma_start3A_1322] : memref<100000x64xf32, #tpu.memory_space<hbm>> -> memref<100000x64xf32, #tpu.memory_space<hbm>>
        %dma_start3A_1324 = tpu.memref_slice %arg7[%dma_start3A_1313] : memref<4x!tpu.dma_semaphore, #tpu.memory_space<semaphore_mem>> -> memref<1x!tpu.dma_semaphore, #tpu.memory_space<semaphore_mem>>
        %dma_start3A_1325 = tpu.memref_squeeze %dma_start3A_1324 : memref<1x!tpu.dma_semaphore, #tpu.memory_space<semaphore_mem>> -> memref<!tpu.dma_semaphore, #tpu.memory_space<semaphore_mem>>
        tpu.enqueue_indirect_dma source(%dma_start3A_1323 : memref<100000x64xf32, #tpu.memory_space<hbm>>) target(%dma_start3A_1317 : memref<50x64xf32, #tpu.memory_space<vmem>>) offsets(%dma_start3A_1320 : memref<50xi32, #tpu.memory_space<vmem>>) semaphore(%dma_start3A_1325 : memref<!tpu.dma_semaphore, #tpu.memory_space<semaphore_mem>>)
        %mul3A_1326 = arith.constant 8 : i32
        %mul3A_1327 = arith.muli %add3A_671, %mul3A_1326 : i32
        %add3A_1328 = arith.constant 5 : i32
        %add3A_1329 = arith.addi %mul3A_1327, %add3A_1328 : i32
        %dma_start3A_1330 = arith.constant 0 : i32
        %dma_start3A_1331 = arith.constant 5 : i32
        %dma_start3A_1332 = arith.constant 0 : i32
        %dma_start3A_1333 = arith.constant 0 : i32
        %dma_start3A_1334 = arith.constant 0 : i32
        %dma_start3A_1335 = tpu.memref_slice %arg6[%dma_start3A_1330, %dma_start3A_1331, %dma_start3A_1333, %dma_start3A_1334] : memref<4x8x56x64xf32, #tpu.memory_space<vmem>> -> memref<1x1x50x64xf32, #tpu.memory_space<vmem>>
        %dma_start3A_1336 = tpu.memref_squeeze %dma_start3A_1335 : memref<1x1x50x64xf32, #tpu.memory_space<vmem>> -> memref<50x64xf32, #tpu.memory_space<vmem>>
        %dma_start3A_1337 = arith.constant 0 : i32
        %dma_start3A_1338 = tpu.memref_slice %arg5[%add3A_1329, %dma_start3A_1337] : memref<128x50xi32, #tpu.memory_space<vmem>> -> memref<1x50xi32, #tpu.memory_space<vmem>>
        %dma_start3A_1339 = tpu.memref_squeeze %dma_start3A_1338 : memref<1x50xi32, #tpu.memory_space<vmem>> -> memref<50xi32, #tpu.memory_space<vmem>>
        %dma_start3A_1340 = arith.constant 0 : i32
        %dma_start3A_1341 = arith.constant 0 : i32
        %dma_start3A_1342 = tpu.memref_slice %arg3[%dma_start3A_1340, %dma_start3A_1341] : memref<100000x64xf32, #tpu.memory_space<hbm>> -> memref<100000x64xf32, #tpu.memory_space<hbm>>
        %dma_start3A_1343 = tpu.memref_slice %arg7[%dma_start3A_1332] : memref<4x!tpu.dma_semaphore, #tpu.memory_space<semaphore_mem>> -> memref<1x!tpu.dma_semaphore, #tpu.memory_space<semaphore_mem>>
        %dma_start3A_1344 = tpu.memref_squeeze %dma_start3A_1343 : memref<1x!tpu.dma_semaphore, #tpu.memory_space<semaphore_mem>> -> memref<!tpu.dma_semaphore, #tpu.memory_space<semaphore_mem>>
        tpu.enqueue_indirect_dma source(%dma_start3A_1342 : memref<100000x64xf32, #tpu.memory_space<hbm>>) target(%dma_start3A_1336 : memref<50x64xf32, #tpu.memory_space<vmem>>) offsets(%dma_start3A_1339 : memref<50xi32, #tpu.memory_space<vmem>>) semaphore(%dma_start3A_1344 : memref<!tpu.dma_semaphore, #tpu.memory_space<semaphore_mem>>)
        %mul3A_1345 = arith.constant 8 : i32
        %mul3A_1346 = arith.muli %add3A_671, %mul3A_1345 : i32
        %add3A_1347 = arith.constant 6 : i32
        %add3A_1348 = arith.addi %mul3A_1346, %add3A_1347 : i32
        %dma_start3A_1349 = arith.constant 0 : i32
        %dma_start3A_1350 = arith.constant 6 : i32
        %dma_start3A_1351 = arith.constant 0 : i32
        %dma_start3A_1352 = arith.constant 0 : i32
        %dma_start3A_1353 = arith.constant 0 : i32
        %dma_start3A_1354 = tpu.memref_slice %arg6[%dma_start3A_1349, %dma_start3A_1350, %dma_start3A_1352, %dma_start3A_1353] : memref<4x8x56x64xf32, #tpu.memory_space<vmem>> -> memref<1x1x50x64xf32, #tpu.memory_space<vmem>>
        %dma_start3A_1355 = tpu.memref_squeeze %dma_start3A_1354 : memref<1x1x50x64xf32, #tpu.memory_space<vmem>> -> memref<50x64xf32, #tpu.memory_space<vmem>>
        %dma_start3A_1356 = arith.constant 0 : i32
        %dma_start3A_1357 = tpu.memref_slice %arg5[%add3A_1348, %dma_start3A_1356] : memref<128x50xi32, #tpu.memory_space<vmem>> -> memref<1x50xi32, #tpu.memory_space<vmem>>
        %dma_start3A_1358 = tpu.memref_squeeze %dma_start3A_1357 : memref<1x50xi32, #tpu.memory_space<vmem>> -> memref<50xi32, #tpu.memory_space<vmem>>
        %dma_start3A_1359 = arith.constant 0 : i32
        %dma_start3A_1360 = arith.constant 0 : i32
        %dma_start3A_1361 = tpu.memref_slice %arg3[%dma_start3A_1359, %dma_start3A_1360] : memref<100000x64xf32, #tpu.memory_space<hbm>> -> memref<100000x64xf32, #tpu.memory_space<hbm>>
        %dma_start3A_1362 = tpu.memref_slice %arg7[%dma_start3A_1351] : memref<4x!tpu.dma_semaphore, #tpu.memory_space<semaphore_mem>> -> memref<1x!tpu.dma_semaphore, #tpu.memory_space<semaphore_mem>>
        %dma_start3A_1363 = tpu.memref_squeeze %dma_start3A_1362 : memref<1x!tpu.dma_semaphore, #tpu.memory_space<semaphore_mem>> -> memref<!tpu.dma_semaphore, #tpu.memory_space<semaphore_mem>>
        tpu.enqueue_indirect_dma source(%dma_start3A_1361 : memref<100000x64xf32, #tpu.memory_space<hbm>>) target(%dma_start3A_1355 : memref<50x64xf32, #tpu.memory_space<vmem>>) offsets(%dma_start3A_1358 : memref<50xi32, #tpu.memory_space<vmem>>) semaphore(%dma_start3A_1363 : memref<!tpu.dma_semaphore, #tpu.memory_space<semaphore_mem>>)
        %mul3A_1364 = arith.constant 8 : i32
        %mul3A_1365 = arith.muli %add3A_671, %mul3A_1364 : i32
        %add3A_1366 = arith.constant 7 : i32
        %add3A_1367 = arith.addi %mul3A_1365, %add3A_1366 : i32
        %dma_start3A_1368 = arith.constant 0 : i32
        %dma_start3A_1369 = arith.constant 7 : i32
        %dma_start3A_1370 = arith.constant 0 : i32
        %dma_start3A_1371 = arith.constant 0 : i32
        %dma_start3A_1372 = arith.constant 0 : i32
        %dma_start3A_1373 = tpu.memref_slice %arg6[%dma_start3A_1368, %dma_start3A_1369, %dma_start3A_1371, %dma_start3A_1372] : memref<4x8x56x64xf32, #tpu.memory_space<vmem>> -> memref<1x1x50x64xf32, #tpu.memory_space<vmem>>
        %dma_start3A_1374 = tpu.memref_squeeze %dma_start3A_1373 : memref<1x1x50x64xf32, #tpu.memory_space<vmem>> -> memref<50x64xf32, #tpu.memory_space<vmem>>
        %dma_start3A_1375 = arith.constant 0 : i32
        %dma_start3A_1376 = tpu.memref_slice %arg5[%add3A_1367, %dma_start3A_1375] : memref<128x50xi32, #tpu.memory_space<vmem>> -> memref<1x50xi32, #tpu.memory_space<vmem>>
        %dma_start3A_1377 = tpu.memref_squeeze %dma_start3A_1376 : memref<1x50xi32, #tpu.memory_space<vmem>> -> memref<50xi32, #tpu.memory_space<vmem>>
        %dma_start3A_1378 = arith.constant 0 : i32
        %dma_start3A_1379 = arith.constant 0 : i32
        %dma_start3A_1380 = tpu.memref_slice %arg3[%dma_start3A_1378, %dma_start3A_1379] : memref<100000x64xf32, #tpu.memory_space<hbm>> -> memref<100000x64xf32, #tpu.memory_space<hbm>>
        %dma_start3A_1381 = tpu.memref_slice %arg7[%dma_start3A_1370] : memref<4x!tpu.dma_semaphore, #tpu.memory_space<semaphore_mem>> -> memref<1x!tpu.dma_semaphore, #tpu.memory_space<semaphore_mem>>
        %dma_start3A_1382 = tpu.memref_squeeze %dma_start3A_1381 : memref<1x!tpu.dma_semaphore, #tpu.memory_space<semaphore_mem>> -> memref<!tpu.dma_semaphore, #tpu.memory_space<semaphore_mem>>
        tpu.enqueue_indirect_dma source(%dma_start3A_1380 : memref<100000x64xf32, #tpu.memory_space<hbm>>) target(%dma_start3A_1374 : memref<50x64xf32, #tpu.memory_space<vmem>>) offsets(%dma_start3A_1377 : memref<50xi32, #tpu.memory_space<vmem>>) semaphore(%dma_start3A_1382 : memref<!tpu.dma_semaphore, #tpu.memory_space<semaphore_mem>>)
      } else {
      }
      %mul3A_677 = arith.constant 8 : i32
      %mul3A_678 = arith.muli %add3A_669, %mul3A_677 : i32
      %add3A_679 = arith.constant 0 : i32
      %add3A_680 = arith.addi %mul3A_678, %add3A_679 : i32
      %dma_wait3A_681 = arith.constant 1 : i32
      %dma_wait3A_682 = arith.constant 0 : i32
      %dma_wait3A_683 = arith.constant 1 : i32
      %dma_wait3A_684 = arith.constant 0 : i32
      %dma_wait3A_685 = arith.constant 0 : i32
      %dma_wait3A_686 = tpu.memref_slice %arg6[%dma_wait3A_681, %dma_wait3A_682, %dma_wait3A_684, %dma_wait3A_685] : memref<4x8x56x64xf32, #tpu.memory_space<vmem>> -> memref<1x1x50x64xf32, #tpu.memory_space<vmem>>
      %dma_wait3A_687 = tpu.memref_squeeze %dma_wait3A_686 : memref<1x1x50x64xf32, #tpu.memory_space<vmem>> -> memref<50x64xf32, #tpu.memory_space<vmem>>
      %dma_wait3A_688 = arith.constant 0 : i32
      %dma_wait3A_689 = tpu.memref_slice %arg5[%add3A_680, %dma_wait3A_688] : memref<128x50xi32, #tpu.memory_space<vmem>> -> memref<1x50xi32, #tpu.memory_space<vmem>>
      %dma_wait3A_690 = tpu.memref_squeeze %dma_wait3A_689 : memref<1x50xi32, #tpu.memory_space<vmem>> -> memref<50xi32, #tpu.memory_space<vmem>>
      %dma_wait3A_691 = arith.constant 0 : i32
      %dma_wait3A_692 = arith.constant 0 : i32
      %dma_wait3A_693 = tpu.memref_slice %arg3[%dma_wait3A_691, %dma_wait3A_692] : memref<100000x64xf32, #tpu.memory_space<hbm>> -> memref<100000x64xf32, #tpu.memory_space<hbm>>
      %dma_wait3A_694 = tpu.memref_slice %arg7[%dma_wait3A_683] : memref<4x!tpu.dma_semaphore, #tpu.memory_space<semaphore_mem>> -> memref<1x!tpu.dma_semaphore, #tpu.memory_space<semaphore_mem>>
      %dma_wait3A_695 = tpu.memref_squeeze %dma_wait3A_694 : memref<1x!tpu.dma_semaphore, #tpu.memory_space<semaphore_mem>> -> memref<!tpu.dma_semaphore, #tpu.memory_space<semaphore_mem>>
      tpu.wait_indirect_dma semaphore(%dma_wait3A_695 : memref<!tpu.dma_semaphore, #tpu.memory_space<semaphore_mem>>) src(%dma_wait3A_693 : memref<100000x64xf32, #tpu.memory_space<hbm>>) dst(%dma_wait3A_687 : memref<50x64xf32, #tpu.memory_space<vmem>>)
      %mul3A_696 = arith.constant 8 : i32
      %mul3A_697 = arith.muli %add3A_669, %mul3A_696 : i32
      %add3A_698 = arith.constant 1 : i32
      %add3A_699 = arith.addi %mul3A_697, %add3A_698 : i32
      %dma_wait3A_700 = arith.constant 1 : i32
      %dma_wait3A_701 = arith.constant 1 : i32
      %dma_wait3A_702 = arith.constant 1 : i32
      %dma_wait3A_703 = arith.constant 0 : i32
      %dma_wait3A_704 = arith.constant 0 : i32
      %dma_wait3A_705 = tpu.memref_slice %arg6[%dma_wait3A_700, %dma_wait3A_701, %dma_wait3A_703, %dma_wait3A_704] : memref<4x8x56x64xf32, #tpu.memory_space<vmem>> -> memref<1x1x50x64xf32, #tpu.memory_space<vmem>>
      %dma_wait3A_706 = tpu.memref_squeeze %dma_wait3A_705 : memref<1x1x50x64xf32, #tpu.memory_space<vmem>> -> memref<50x64xf32, #tpu.memory_space<vmem>>
      %dma_wait3A_707 = arith.constant 0 : i32
      %dma_wait3A_708 = tpu.memref_slice %arg5[%add3A_699, %dma_wait3A_707] : memref<128x50xi32, #tpu.memory_space<vmem>> -> memref<1x50xi32, #tpu.memory_space<vmem>>
      %dma_wait3A_709 = tpu.memref_squeeze %dma_wait3A_708 : memref<1x50xi32, #tpu.memory_space<vmem>> -> memref<50xi32, #tpu.memory_space<vmem>>
      %dma_wait3A_710 = arith.constant 0 : i32
      %dma_wait3A_711 = arith.constant 0 : i32
      %dma_wait3A_712 = tpu.memref_slice %arg3[%dma_wait3A_710, %dma_wait3A_711] : memref<100000x64xf32, #tpu.memory_space<hbm>> -> memref<100000x64xf32, #tpu.memory_space<hbm>>
      %dma_wait3A_713 = tpu.memref_slice %arg7[%dma_wait3A_702] : memref<4x!tpu.dma_semaphore, #tpu.memory_space<semaphore_mem>> -> memref<1x!tpu.dma_semaphore, #tpu.memory_space<semaphore_mem>>
      %dma_wait3A_714 = tpu.memref_squeeze %dma_wait3A_713 : memref<1x!tpu.dma_semaphore, #tpu.memory_space<semaphore_mem>> -> memref<!tpu.dma_semaphore, #tpu.memory_space<semaphore_mem>>
      tpu.wait_indirect_dma semaphore(%dma_wait3A_714 : memref<!tpu.dma_semaphore, #tpu.memory_space<semaphore_mem>>) src(%dma_wait3A_712 : memref<100000x64xf32, #tpu.memory_space<hbm>>) dst(%dma_wait3A_706 : memref<50x64xf32, #tpu.memory_space<vmem>>)
      %mul3A_715 = arith.constant 8 : i32
      %mul3A_716 = arith.muli %add3A_669, %mul3A_715 : i32
      %add3A_717 = arith.constant 2 : i32
      %add3A_718 = arith.addi %mul3A_716, %add3A_717 : i32
      %dma_wait3A_719 = arith.constant 1 : i32
      %dma_wait3A_720 = arith.constant 2 : i32
      %dma_wait3A_721 = arith.constant 1 : i32
      %dma_wait3A_722 = arith.constant 0 : i32
      %dma_wait3A_723 = arith.constant 0 : i32
      %dma_wait3A_724 = tpu.memref_slice %arg6[%dma_wait3A_719, %dma_wait3A_720, %dma_wait3A_722, %dma_wait3A_723] : memref<4x8x56x64xf32, #tpu.memory_space<vmem>> -> memref<1x1x50x64xf32, #tpu.memory_space<vmem>>
      %dma_wait3A_725 = tpu.memref_squeeze %dma_wait3A_724 : memref<1x1x50x64xf32, #tpu.memory_space<vmem>> -> memref<50x64xf32, #tpu.memory_space<vmem>>
      %dma_wait3A_726 = arith.constant 0 : i32
      %dma_wait3A_727 = tpu.memref_slice %arg5[%add3A_718, %dma_wait3A_726] : memref<128x50xi32, #tpu.memory_space<vmem>> -> memref<1x50xi32, #tpu.memory_space<vmem>>
      %dma_wait3A_728 = tpu.memref_squeeze %dma_wait3A_727 : memref<1x50xi32, #tpu.memory_space<vmem>> -> memref<50xi32, #tpu.memory_space<vmem>>
      %dma_wait3A_729 = arith.constant 0 : i32
      %dma_wait3A_730 = arith.constant 0 : i32
      %dma_wait3A_731 = tpu.memref_slice %arg3[%dma_wait3A_729, %dma_wait3A_730] : memref<100000x64xf32, #tpu.memory_space<hbm>> -> memref<100000x64xf32, #tpu.memory_space<hbm>>
      %dma_wait3A_732 = tpu.memref_slice %arg7[%dma_wait3A_721] : memref<4x!tpu.dma_semaphore, #tpu.memory_space<semaphore_mem>> -> memref<1x!tpu.dma_semaphore, #tpu.memory_space<semaphore_mem>>
      %dma_wait3A_733 = tpu.memref_squeeze %dma_wait3A_732 : memref<1x!tpu.dma_semaphore, #tpu.memory_space<semaphore_mem>> -> memref<!tpu.dma_semaphore, #tpu.memory_space<semaphore_mem>>
      tpu.wait_indirect_dma semaphore(%dma_wait3A_733 : memref<!tpu.dma_semaphore, #tpu.memory_space<semaphore_mem>>) src(%dma_wait3A_731 : memref<100000x64xf32, #tpu.memory_space<hbm>>) dst(%dma_wait3A_725 : memref<50x64xf32, #tpu.memory_space<vmem>>)
      %mul3A_734 = arith.constant 8 : i32
      %mul3A_735 = arith.muli %add3A_669, %mul3A_734 : i32
      %add3A_736 = arith.constant 3 : i32
      %add3A_737 = arith.addi %mul3A_735, %add3A_736 : i32
      %dma_wait3A_738 = arith.constant 1 : i32
      %dma_wait3A_739 = arith.constant 3 : i32
      %dma_wait3A_740 = arith.constant 1 : i32
      %dma_wait3A_741 = arith.constant 0 : i32
      %dma_wait3A_742 = arith.constant 0 : i32
      %dma_wait3A_743 = tpu.memref_slice %arg6[%dma_wait3A_738, %dma_wait3A_739, %dma_wait3A_741, %dma_wait3A_742] : memref<4x8x56x64xf32, #tpu.memory_space<vmem>> -> memref<1x1x50x64xf32, #tpu.memory_space<vmem>>
      %dma_wait3A_744 = tpu.memref_squeeze %dma_wait3A_743 : memref<1x1x50x64xf32, #tpu.memory_space<vmem>> -> memref<50x64xf32, #tpu.memory_space<vmem>>
      %dma_wait3A_745 = arith.constant 0 : i32
      %dma_wait3A_746 = tpu.memref_slice %arg5[%add3A_737, %dma_wait3A_745] : memref<128x50xi32, #tpu.memory_space<vmem>> -> memref<1x50xi32, #tpu.memory_space<vmem>>
      %dma_wait3A_747 = tpu.memref_squeeze %dma_wait3A_746 : memref<1x50xi32, #tpu.memory_space<vmem>> -> memref<50xi32, #tpu.memory_space<vmem>>
      %dma_wait3A_748 = arith.constant 0 : i32
      %dma_wait3A_749 = arith.constant 0 : i32
      %dma_wait3A_750 = tpu.memref_slice %arg3[%dma_wait3A_748, %dma_wait3A_749] : memref<100000x64xf32, #tpu.memory_space<hbm>> -> memref<100000x64xf32, #tpu.memory_space<hbm>>
      %dma_wait3A_751 = tpu.memref_slice %arg7[%dma_wait3A_740] : memref<4x!tpu.dma_semaphore, #tpu.memory_space<semaphore_mem>> -> memref<1x!tpu.dma_semaphore, #tpu.memory_space<semaphore_mem>>
      %dma_wait3A_752 = tpu.memref_squeeze %dma_wait3A_751 : memref<1x!tpu.dma_semaphore, #tpu.memory_space<semaphore_mem>> -> memref<!tpu.dma_semaphore, #tpu.memory_space<semaphore_mem>>
      tpu.wait_indirect_dma semaphore(%dma_wait3A_752 : memref<!tpu.dma_semaphore, #tpu.memory_space<semaphore_mem>>) src(%dma_wait3A_750 : memref<100000x64xf32, #tpu.memory_space<hbm>>) dst(%dma_wait3A_744 : memref<50x64xf32, #tpu.memory_space<vmem>>)
      %mul3A_753 = arith.constant 8 : i32
      %mul3A_754 = arith.muli %add3A_669, %mul3A_753 : i32
      %add3A_755 = arith.constant 4 : i32
      %add3A_756 = arith.addi %mul3A_754, %add3A_755 : i32
      %dma_wait3A_757 = arith.constant 1 : i32
      %dma_wait3A_758 = arith.constant 4 : i32
      %dma_wait3A_759 = arith.constant 1 : i32
      %dma_wait3A_760 = arith.constant 0 : i32
      %dma_wait3A_761 = arith.constant 0 : i32
      %dma_wait3A_762 = tpu.memref_slice %arg6[%dma_wait3A_757, %dma_wait3A_758, %dma_wait3A_760, %dma_wait3A_761] : memref<4x8x56x64xf32, #tpu.memory_space<vmem>> -> memref<1x1x50x64xf32, #tpu.memory_space<vmem>>
      %dma_wait3A_763 = tpu.memref_squeeze %dma_wait3A_762 : memref<1x1x50x64xf32, #tpu.memory_space<vmem>> -> memref<50x64xf32, #tpu.memory_space<vmem>>
      %dma_wait3A_764 = arith.constant 0 : i32
      %dma_wait3A_765 = tpu.memref_slice %arg5[%add3A_756, %dma_wait3A_764] : memref<128x50xi32, #tpu.memory_space<vmem>> -> memref<1x50xi32, #tpu.memory_space<vmem>>
      %dma_wait3A_766 = tpu.memref_squeeze %dma_wait3A_765 : memref<1x50xi32, #tpu.memory_space<vmem>> -> memref<50xi32, #tpu.memory_space<vmem>>
      %dma_wait3A_767 = arith.constant 0 : i32
      %dma_wait3A_768 = arith.constant 0 : i32
      %dma_wait3A_769 = tpu.memref_slice %arg3[%dma_wait3A_767, %dma_wait3A_768] : memref<100000x64xf32, #tpu.memory_space<hbm>> -> memref<100000x64xf32, #tpu.memory_space<hbm>>
      %dma_wait3A_770 = tpu.memref_slice %arg7[%dma_wait3A_759] : memref<4x!tpu.dma_semaphore, #tpu.memory_space<semaphore_mem>> -> memref<1x!tpu.dma_semaphore, #tpu.memory_space<semaphore_mem>>
      %dma_wait3A_771 = tpu.memref_squeeze %dma_wait3A_770 : memref<1x!tpu.dma_semaphore, #tpu.memory_space<semaphore_mem>> -> memref<!tpu.dma_semaphore, #tpu.memory_space<semaphore_mem>>
      tpu.wait_indirect_dma semaphore(%dma_wait3A_771 : memref<!tpu.dma_semaphore, #tpu.memory_space<semaphore_mem>>) src(%dma_wait3A_769 : memref<100000x64xf32, #tpu.memory_space<hbm>>) dst(%dma_wait3A_763 : memref<50x64xf32, #tpu.memory_space<vmem>>)
      %mul3A_772 = arith.constant 8 : i32
      %mul3A_773 = arith.muli %add3A_669, %mul3A_772 : i32
      %add3A_774 = arith.constant 5 : i32
      %add3A_775 = arith.addi %mul3A_773, %add3A_774 : i32
      %dma_wait3A_776 = arith.constant 1 : i32
      %dma_wait3A_777 = arith.constant 5 : i32
      %dma_wait3A_778 = arith.constant 1 : i32
      %dma_wait3A_779 = arith.constant 0 : i32
      %dma_wait3A_780 = arith.constant 0 : i32
      %dma_wait3A_781 = tpu.memref_slice %arg6[%dma_wait3A_776, %dma_wait3A_777, %dma_wait3A_779, %dma_wait3A_780] : memref<4x8x56x64xf32, #tpu.memory_space<vmem>> -> memref<1x1x50x64xf32, #tpu.memory_space<vmem>>
      %dma_wait3A_782 = tpu.memref_squeeze %dma_wait3A_781 : memref<1x1x50x64xf32, #tpu.memory_space<vmem>> -> memref<50x64xf32, #tpu.memory_space<vmem>>
      %dma_wait3A_783 = arith.constant 0 : i32
      %dma_wait3A_784 = tpu.memref_slice %arg5[%add3A_775, %dma_wait3A_783] : memref<128x50xi32, #tpu.memory_space<vmem>> -> memref<1x50xi32, #tpu.memory_space<vmem>>
      %dma_wait3A_785 = tpu.memref_squeeze %dma_wait3A_784 : memref<1x50xi32, #tpu.memory_space<vmem>> -> memref<50xi32, #tpu.memory_space<vmem>>
      %dma_wait3A_786 = arith.constant 0 : i32
      %dma_wait3A_787 = arith.constant 0 : i32
      %dma_wait3A_788 = tpu.memref_slice %arg3[%dma_wait3A_786, %dma_wait3A_787] : memref<100000x64xf32, #tpu.memory_space<hbm>> -> memref<100000x64xf32, #tpu.memory_space<hbm>>
      %dma_wait3A_789 = tpu.memref_slice %arg7[%dma_wait3A_778] : memref<4x!tpu.dma_semaphore, #tpu.memory_space<semaphore_mem>> -> memref<1x!tpu.dma_semaphore, #tpu.memory_space<semaphore_mem>>
      %dma_wait3A_790 = tpu.memref_squeeze %dma_wait3A_789 : memref<1x!tpu.dma_semaphore, #tpu.memory_space<semaphore_mem>> -> memref<!tpu.dma_semaphore, #tpu.memory_space<semaphore_mem>>
      tpu.wait_indirect_dma semaphore(%dma_wait3A_790 : memref<!tpu.dma_semaphore, #tpu.memory_space<semaphore_mem>>) src(%dma_wait3A_788 : memref<100000x64xf32, #tpu.memory_space<hbm>>) dst(%dma_wait3A_782 : memref<50x64xf32, #tpu.memory_space<vmem>>)
      %mul3A_791 = arith.constant 8 : i32
      %mul3A_792 = arith.muli %add3A_669, %mul3A_791 : i32
      %add3A_793 = arith.constant 6 : i32
      %add3A_794 = arith.addi %mul3A_792, %add3A_793 : i32
      %dma_wait3A_795 = arith.constant 1 : i32
      %dma_wait3A_796 = arith.constant 6 : i32
      %dma_wait3A_797 = arith.constant 1 : i32
      %dma_wait3A_798 = arith.constant 0 : i32
      %dma_wait3A_799 = arith.constant 0 : i32
      %dma_wait3A_800 = tpu.memref_slice %arg6[%dma_wait3A_795, %dma_wait3A_796, %dma_wait3A_798, %dma_wait3A_799] : memref<4x8x56x64xf32, #tpu.memory_space<vmem>> -> memref<1x1x50x64xf32, #tpu.memory_space<vmem>>
      %dma_wait3A_801 = tpu.memref_squeeze %dma_wait3A_800 : memref<1x1x50x64xf32, #tpu.memory_space<vmem>> -> memref<50x64xf32, #tpu.memory_space<vmem>>
      %dma_wait3A_802 = arith.constant 0 : i32
      %dma_wait3A_803 = tpu.memref_slice %arg5[%add3A_794, %dma_wait3A_802] : memref<128x50xi32, #tpu.memory_space<vmem>> -> memref<1x50xi32, #tpu.memory_space<vmem>>
      %dma_wait3A_804 = tpu.memref_squeeze %dma_wait3A_803 : memref<1x50xi32, #tpu.memory_space<vmem>> -> memref<50xi32, #tpu.memory_space<vmem>>
      %dma_wait3A_805 = arith.constant 0 : i32
      %dma_wait3A_806 = arith.constant 0 : i32
      %dma_wait3A_807 = tpu.memref_slice %arg3[%dma_wait3A_805, %dma_wait3A_806] : memref<100000x64xf32, #tpu.memory_space<hbm>> -> memref<100000x64xf32, #tpu.memory_space<hbm>>
      %dma_wait3A_808 = tpu.memref_slice %arg7[%dma_wait3A_797] : memref<4x!tpu.dma_semaphore, #tpu.memory_space<semaphore_mem>> -> memref<1x!tpu.dma_semaphore, #tpu.memory_space<semaphore_mem>>
      %dma_wait3A_809 = tpu.memref_squeeze %dma_wait3A_808 : memref<1x!tpu.dma_semaphore, #tpu.memory_space<semaphore_mem>> -> memref<!tpu.dma_semaphore, #tpu.memory_space<semaphore_mem>>
      tpu.wait_indirect_dma semaphore(%dma_wait3A_809 : memref<!tpu.dma_semaphore, #tpu.memory_space<semaphore_mem>>) src(%dma_wait3A_807 : memref<100000x64xf32, #tpu.memory_space<hbm>>) dst(%dma_wait3A_801 : memref<50x64xf32, #tpu.memory_space<vmem>>)
      %mul3A_810 = arith.constant 8 : i32
      %mul3A_811 = arith.muli %add3A_669, %mul3A_810 : i32
      %add3A_812 = arith.constant 7 : i32
      %add3A_813 = arith.addi %mul3A_811, %add3A_812 : i32
      %dma_wait3A_814 = arith.constant 1 : i32
      %dma_wait3A_815 = arith.constant 7 : i32
      %dma_wait3A_816 = arith.constant 1 : i32
      %dma_wait3A_817 = arith.constant 0 : i32
      %dma_wait3A_818 = arith.constant 0 : i32
      %dma_wait3A_819 = tpu.memref_slice %arg6[%dma_wait3A_814, %dma_wait3A_815, %dma_wait3A_817, %dma_wait3A_818] : memref<4x8x56x64xf32, #tpu.memory_space<vmem>> -> memref<1x1x50x64xf32, #tpu.memory_space<vmem>>
      %dma_wait3A_820 = tpu.memref_squeeze %dma_wait3A_819 : memref<1x1x50x64xf32, #tpu.memory_space<vmem>> -> memref<50x64xf32, #tpu.memory_space<vmem>>
      %dma_wait3A_821 = arith.constant 0 : i32
      %dma_wait3A_822 = tpu.memref_slice %arg5[%add3A_813, %dma_wait3A_821] : memref<128x50xi32, #tpu.memory_space<vmem>> -> memref<1x50xi32, #tpu.memory_space<vmem>>
      %dma_wait3A_823 = tpu.memref_squeeze %dma_wait3A_822 : memref<1x50xi32, #tpu.memory_space<vmem>> -> memref<50xi32, #tpu.memory_space<vmem>>
      %dma_wait3A_824 = arith.constant 0 : i32
      %dma_wait3A_825 = arith.constant 0 : i32
      %dma_wait3A_826 = tpu.memref_slice %arg3[%dma_wait3A_824, %dma_wait3A_825] : memref<100000x64xf32, #tpu.memory_space<hbm>> -> memref<100000x64xf32, #tpu.memory_space<hbm>>
      %dma_wait3A_827 = tpu.memref_slice %arg7[%dma_wait3A_816] : memref<4x!tpu.dma_semaphore, #tpu.memory_space<semaphore_mem>> -> memref<1x!tpu.dma_semaphore, #tpu.memory_space<semaphore_mem>>
      %dma_wait3A_828 = tpu.memref_squeeze %dma_wait3A_827 : memref<1x!tpu.dma_semaphore, #tpu.memory_space<semaphore_mem>> -> memref<!tpu.dma_semaphore, #tpu.memory_space<semaphore_mem>>
      tpu.wait_indirect_dma semaphore(%dma_wait3A_828 : memref<!tpu.dma_semaphore, #tpu.memory_space<semaphore_mem>>) src(%dma_wait3A_826 : memref<100000x64xf32, #tpu.memory_space<hbm>>) dst(%dma_wait3A_820 : memref<50x64xf32, #tpu.memory_space<vmem>>)
      %mul3A_829 = arith.constant 8 : i32
      %mul3A_830 = arith.muli %add3A_669, %mul3A_829 : i32
      %add3A_831 = arith.addi %mul3A_2, %mul3A_830 : i32
      %multiple_of3A_832 = tpu.assume_multiple %add3A_831, 8 : i32
      %dma_start3A_833 = arith.constant 1 : i32
      %dma_start3A_834 = arith.constant 1 : i32
      %dma_start3A_835 = arith.constant 0 : i32
      %dma_start3A_836 = arith.constant 0 : i32
      %dma_start3A_837 = arith.constant 0 : i32
      %dma_start3A_838 = tpu.memref_slice %arg6[%dma_start3A_833, %dma_start3A_835, %dma_start3A_836, %dma_start3A_837] : memref<4x8x56x64xf32, #tpu.memory_space<vmem>> -> memref<1x8x56x64xf32, #tpu.memory_space<vmem>>
      %dma_start3A_839 = tpu.memref_squeeze %dma_start3A_838 : memref<1x8x56x64xf32, #tpu.memory_space<vmem>> -> memref<8x56x64xf32, #tpu.memory_space<vmem>>
      %dma_start3A_840 = arith.constant 0 : i32
      %dma_start3A_841 = arith.constant 0 : i32
      %dma_start3A_842 = tpu.memref_slice %arg4[%multiple_of3A_832, %dma_start3A_840, %dma_start3A_841] : memref<4096x56x128xf32, #tpu.memory_space<hbm>> -> memref<8x56x64xf32, #tpu.memory_space<hbm>>
      %dma_start3A_843 = tpu.memref_slice %arg8[%dma_start3A_834] : memref<4x!tpu.dma_semaphore, #tpu.memory_space<semaphore_mem>> -> memref<1x!tpu.dma_semaphore, #tpu.memory_space<semaphore_mem>>
      %dma_start3A_844 = tpu.memref_squeeze %dma_start3A_843 : memref<1x!tpu.dma_semaphore, #tpu.memory_space<semaphore_mem>> -> memref<!tpu.dma_semaphore, #tpu.memory_space<semaphore_mem>>
      %dma_start3A_845 = arith.constant 0 : i32
      %dma_start3A_846 = arith.constant 0 : i32
      %dma_start3A_847 = tpu.memref_slice %arg4[%multiple_of3A_832, %dma_start3A_845, %dma_start3A_846] : memref<4096x56x128xf32, #tpu.memory_space<hbm>> -> memref<8x56x64xf32, #tpu.memory_space<hbm>>
      %dma_start3A_848 = arith.constant 0 : i32
      %dma_start3A_849 = arith.constant 0 : i32
      %dma_start3A_850 = arith.constant 0 : i32
      %dma_start3A_851 = tpu.memref_slice %arg6[%dma_start3A_833, %dma_start3A_848, %dma_start3A_849, %dma_start3A_850] : memref<4x8x56x64xf32, #tpu.memory_space<vmem>> -> memref<1x8x56x64xf32, #tpu.memory_space<vmem>>
      %dma_start3A_852 = tpu.memref_squeeze %dma_start3A_851 : memref<1x8x56x64xf32, #tpu.memory_space<vmem>> -> memref<8x56x64xf32, #tpu.memory_space<vmem>>
      tpu.enqueue_dma source(%dma_start3A_852 : memref<8x56x64xf32, #tpu.memory_space<vmem>>) target(%dma_start3A_847 : memref<8x56x64xf32, #tpu.memory_space<hbm>>) target_semaphore(%dma_start3A_844 : memref<!tpu.dma_semaphore, #tpu.memory_space<semaphore_mem>>)
      %mul3A_853 = arith.constant 4 : i32
      %mul3A_854 = arith.muli %scan3A_481, %mul3A_853 : i32
      %add3A_855 = arith.constant 2 : i32
      %add3A_856 = arith.addi %mul3A_854, %add3A_855 : i32
      %add3A_857 = arith.constant 3 : i32
      %add3A_858 = arith.addi %add3A_856, %add3A_857 : i32
      %lt3A_859 = arith.constant 16 : i32
      %lt3A_860 = arith.cmpi slt, %add3A_858, %lt3A_859 : i32
      %convert_element_type3A_861 = arith.extui %lt3A_860 : i1 to i32
      %cond3A_862 = arith.constant 0 : i32
      %cond3A_863 = arith.cmpi ne, %convert_element_type3A_861, %cond3A_862 : i32
      scf.if %cond3A_863 {
        %ge3A = arith.constant 4 : i32
        %ge3A_1227 = arith.cmpi sge, %add3A_858, %ge3A : i32
        %convert_element_type3A_1228 = arith.extui %ge3A_1227 : i1 to i32
        %cond3A_1229 = arith.constant 0 : i32
        %cond3A_1230 = arith.cmpi ne, %convert_element_type3A_1228, %cond3A_1229 : i32
        scf.if %cond3A_1230 {
          %sub3A = arith.constant 4 : i32
          %sub3A_1383 = arith.subi %add3A_858, %sub3A : i32
          %mul3A_1384 = arith.constant 8 : i32
          %mul3A_1385 = arith.muli %sub3A_1383, %mul3A_1384 : i32
          %add3A_1386 = arith.addi %mul3A_2, %mul3A_1385 : i32
          %multiple_of3A_1387 = tpu.assume_multiple %add3A_1386, 8 : i32
          %dma_wait3A_1388 = arith.constant 1 : i32
          %dma_wait3A_1389 = arith.constant 1 : i32
          %dma_wait3A_1390 = arith.constant 0 : i32
          %dma_wait3A_1391 = arith.constant 0 : i32
          %dma_wait3A_1392 = arith.constant 0 : i32
          %dma_wait3A_1393 = tpu.memref_slice %arg6[%dma_wait3A_1388, %dma_wait3A_1390, %dma_wait3A_1391, %dma_wait3A_1392] : memref<4x8x56x64xf32, #tpu.memory_space<vmem>> -> memref<1x8x56x64xf32, #tpu.memory_space<vmem>>
          %dma_wait3A_1394 = tpu.memref_squeeze %dma_wait3A_1393 : memref<1x8x56x64xf32, #tpu.memory_space<vmem>> -> memref<8x56x64xf32, #tpu.memory_space<vmem>>
          %dma_wait3A_1395 = arith.constant 0 : i32
          %dma_wait3A_1396 = arith.constant 0 : i32
          %dma_wait3A_1397 = tpu.memref_slice %arg4[%multiple_of3A_1387, %dma_wait3A_1395, %dma_wait3A_1396] : memref<4096x56x128xf32, #tpu.memory_space<hbm>> -> memref<8x56x64xf32, #tpu.memory_space<hbm>>
          %dma_wait3A_1398 = tpu.memref_slice %arg8[%dma_wait3A_1389] : memref<4x!tpu.dma_semaphore, #tpu.memory_space<semaphore_mem>> -> memref<1x!tpu.dma_semaphore, #tpu.memory_space<semaphore_mem>>
          %dma_wait3A_1399 = tpu.memref_squeeze %dma_wait3A_1398 : memref<1x!tpu.dma_semaphore, #tpu.memory_space<semaphore_mem>> -> memref<!tpu.dma_semaphore, #tpu.memory_space<semaphore_mem>>
          %dma_wait3A_1400 = arith.constant 0 : i32
          %dma_wait3A_1401 = arith.constant 0 : i32
          %dma_wait3A_1402 = tpu.memref_slice %arg4[%multiple_of3A_1387, %dma_wait3A_1400, %dma_wait3A_1401] : memref<4096x56x128xf32, #tpu.memory_space<hbm>> -> memref<8x56x64xf32, #tpu.memory_space<hbm>>
          %dma_wait3A_1403 = arith.constant 0 : i32
          %dma_wait3A_1404 = arith.constant 0 : i32
          %dma_wait3A_1405 = arith.constant 0 : i32
          %dma_wait3A_1406 = tpu.memref_slice %arg6[%dma_wait3A_1388, %dma_wait3A_1403, %dma_wait3A_1404, %dma_wait3A_1405] : memref<4x8x56x64xf32, #tpu.memory_space<vmem>> -> memref<1x8x56x64xf32, #tpu.memory_space<vmem>>
          %dma_wait3A_1407 = tpu.memref_squeeze %dma_wait3A_1406 : memref<1x8x56x64xf32, #tpu.memory_space<vmem>> -> memref<8x56x64xf32, #tpu.memory_space<vmem>>
          tpu.wait_dma2 semaphore(%dma_wait3A_1399 : memref<!tpu.dma_semaphore, #tpu.memory_space<semaphore_mem>>) src(%dma_wait3A_1407 : memref<8x56x64xf32, #tpu.memory_space<vmem>>) dst(%dma_wait3A_1402 : memref<8x56x64xf32, #tpu.memory_space<hbm>>)
        } else {
        }
        %mul3A_1231 = arith.constant 8 : i32
        %mul3A_1232 = arith.muli %add3A_858, %mul3A_1231 : i32
        %add3A_1233 = arith.constant 0 : i32
        %add3A_1234 = arith.addi %mul3A_1232, %add3A_1233 : i32
        %dma_start3A_1235 = arith.constant 1 : i32
        %dma_start3A_1236 = arith.constant 0 : i32
        %dma_start3A_1237 = arith.constant 1 : i32
        %dma_start3A_1238 = arith.constant 0 : i32
        %dma_start3A_1239 = arith.constant 0 : i32
        %dma_start3A_1240 = tpu.memref_slice %arg6[%dma_start3A_1235, %dma_start3A_1236, %dma_start3A_1238, %dma_start3A_1239] : memref<4x8x56x64xf32, #tpu.memory_space<vmem>> -> memref<1x1x50x64xf32, #tpu.memory_space<vmem>>
        %dma_start3A_1241 = tpu.memref_squeeze %dma_start3A_1240 : memref<1x1x50x64xf32, #tpu.memory_space<vmem>> -> memref<50x64xf32, #tpu.memory_space<vmem>>
        %dma_start3A_1242 = arith.constant 0 : i32
        %dma_start3A_1243 = tpu.memref_slice %arg5[%add3A_1234, %dma_start3A_1242] : memref<128x50xi32, #tpu.memory_space<vmem>> -> memref<1x50xi32, #tpu.memory_space<vmem>>
        %dma_start3A_1244 = tpu.memref_squeeze %dma_start3A_1243 : memref<1x50xi32, #tpu.memory_space<vmem>> -> memref<50xi32, #tpu.memory_space<vmem>>
        %dma_start3A_1245 = arith.constant 0 : i32
        %dma_start3A_1246 = arith.constant 0 : i32
        %dma_start3A_1247 = tpu.memref_slice %arg3[%dma_start3A_1245, %dma_start3A_1246] : memref<100000x64xf32, #tpu.memory_space<hbm>> -> memref<100000x64xf32, #tpu.memory_space<hbm>>
        %dma_start3A_1248 = tpu.memref_slice %arg7[%dma_start3A_1237] : memref<4x!tpu.dma_semaphore, #tpu.memory_space<semaphore_mem>> -> memref<1x!tpu.dma_semaphore, #tpu.memory_space<semaphore_mem>>
        %dma_start3A_1249 = tpu.memref_squeeze %dma_start3A_1248 : memref<1x!tpu.dma_semaphore, #tpu.memory_space<semaphore_mem>> -> memref<!tpu.dma_semaphore, #tpu.memory_space<semaphore_mem>>
        tpu.enqueue_indirect_dma source(%dma_start3A_1247 : memref<100000x64xf32, #tpu.memory_space<hbm>>) target(%dma_start3A_1241 : memref<50x64xf32, #tpu.memory_space<vmem>>) offsets(%dma_start3A_1244 : memref<50xi32, #tpu.memory_space<vmem>>) semaphore(%dma_start3A_1249 : memref<!tpu.dma_semaphore, #tpu.memory_space<semaphore_mem>>)
        %mul3A_1250 = arith.constant 8 : i32
        %mul3A_1251 = arith.muli %add3A_858, %mul3A_1250 : i32
        %add3A_1252 = arith.constant 1 : i32
        %add3A_1253 = arith.addi %mul3A_1251, %add3A_1252 : i32
        %dma_start3A_1254 = arith.constant 1 : i32
        %dma_start3A_1255 = arith.constant 1 : i32
        %dma_start3A_1256 = arith.constant 1 : i32
        %dma_start3A_1257 = arith.constant 0 : i32
        %dma_start3A_1258 = arith.constant 0 : i32
        %dma_start3A_1259 = tpu.memref_slice %arg6[%dma_start3A_1254, %dma_start3A_1255, %dma_start3A_1257, %dma_start3A_1258] : memref<4x8x56x64xf32, #tpu.memory_space<vmem>> -> memref<1x1x50x64xf32, #tpu.memory_space<vmem>>
        %dma_start3A_1260 = tpu.memref_squeeze %dma_start3A_1259 : memref<1x1x50x64xf32, #tpu.memory_space<vmem>> -> memref<50x64xf32, #tpu.memory_space<vmem>>
        %dma_start3A_1261 = arith.constant 0 : i32
        %dma_start3A_1262 = tpu.memref_slice %arg5[%add3A_1253, %dma_start3A_1261] : memref<128x50xi32, #tpu.memory_space<vmem>> -> memref<1x50xi32, #tpu.memory_space<vmem>>
        %dma_start3A_1263 = tpu.memref_squeeze %dma_start3A_1262 : memref<1x50xi32, #tpu.memory_space<vmem>> -> memref<50xi32, #tpu.memory_space<vmem>>
        %dma_start3A_1264 = arith.constant 0 : i32
        %dma_start3A_1265 = arith.constant 0 : i32
        %dma_start3A_1266 = tpu.memref_slice %arg3[%dma_start3A_1264, %dma_start3A_1265] : memref<100000x64xf32, #tpu.memory_space<hbm>> -> memref<100000x64xf32, #tpu.memory_space<hbm>>
        %dma_start3A_1267 = tpu.memref_slice %arg7[%dma_start3A_1256] : memref<4x!tpu.dma_semaphore, #tpu.memory_space<semaphore_mem>> -> memref<1x!tpu.dma_semaphore, #tpu.memory_space<semaphore_mem>>
        %dma_start3A_1268 = tpu.memref_squeeze %dma_start3A_1267 : memref<1x!tpu.dma_semaphore, #tpu.memory_space<semaphore_mem>> -> memref<!tpu.dma_semaphore, #tpu.memory_space<semaphore_mem>>
        tpu.enqueue_indirect_dma source(%dma_start3A_1266 : memref<100000x64xf32, #tpu.memory_space<hbm>>) target(%dma_start3A_1260 : memref<50x64xf32, #tpu.memory_space<vmem>>) offsets(%dma_start3A_1263 : memref<50xi32, #tpu.memory_space<vmem>>) semaphore(%dma_start3A_1268 : memref<!tpu.dma_semaphore, #tpu.memory_space<semaphore_mem>>)
        %mul3A_1269 = arith.constant 8 : i32
        %mul3A_1270 = arith.muli %add3A_858, %mul3A_1269 : i32
        %add3A_1271 = arith.constant 2 : i32
        %add3A_1272 = arith.addi %mul3A_1270, %add3A_1271 : i32
        %dma_start3A_1273 = arith.constant 1 : i32
        %dma_start3A_1274 = arith.constant 2 : i32
        %dma_start3A_1275 = arith.constant 1 : i32
        %dma_start3A_1276 = arith.constant 0 : i32
        %dma_start3A_1277 = arith.constant 0 : i32
        %dma_start3A_1278 = tpu.memref_slice %arg6[%dma_start3A_1273, %dma_start3A_1274, %dma_start3A_1276, %dma_start3A_1277] : memref<4x8x56x64xf32, #tpu.memory_space<vmem>> -> memref<1x1x50x64xf32, #tpu.memory_space<vmem>>
        %dma_start3A_1279 = tpu.memref_squeeze %dma_start3A_1278 : memref<1x1x50x64xf32, #tpu.memory_space<vmem>> -> memref<50x64xf32, #tpu.memory_space<vmem>>
        %dma_start3A_1280 = arith.constant 0 : i32
        %dma_start3A_1281 = tpu.memref_slice %arg5[%add3A_1272, %dma_start3A_1280] : memref<128x50xi32, #tpu.memory_space<vmem>> -> memref<1x50xi32, #tpu.memory_space<vmem>>
        %dma_start3A_1282 = tpu.memref_squeeze %dma_start3A_1281 : memref<1x50xi32, #tpu.memory_space<vmem>> -> memref<50xi32, #tpu.memory_space<vmem>>
        %dma_start3A_1283 = arith.constant 0 : i32
        %dma_start3A_1284 = arith.constant 0 : i32
        %dma_start3A_1285 = tpu.memref_slice %arg3[%dma_start3A_1283, %dma_start3A_1284] : memref<100000x64xf32, #tpu.memory_space<hbm>> -> memref<100000x64xf32, #tpu.memory_space<hbm>>
        %dma_start3A_1286 = tpu.memref_slice %arg7[%dma_start3A_1275] : memref<4x!tpu.dma_semaphore, #tpu.memory_space<semaphore_mem>> -> memref<1x!tpu.dma_semaphore, #tpu.memory_space<semaphore_mem>>
        %dma_start3A_1287 = tpu.memref_squeeze %dma_start3A_1286 : memref<1x!tpu.dma_semaphore, #tpu.memory_space<semaphore_mem>> -> memref<!tpu.dma_semaphore, #tpu.memory_space<semaphore_mem>>
        tpu.enqueue_indirect_dma source(%dma_start3A_1285 : memref<100000x64xf32, #tpu.memory_space<hbm>>) target(%dma_start3A_1279 : memref<50x64xf32, #tpu.memory_space<vmem>>) offsets(%dma_start3A_1282 : memref<50xi32, #tpu.memory_space<vmem>>) semaphore(%dma_start3A_1287 : memref<!tpu.dma_semaphore, #tpu.memory_space<semaphore_mem>>)
        %mul3A_1288 = arith.constant 8 : i32
        %mul3A_1289 = arith.muli %add3A_858, %mul3A_1288 : i32
        %add3A_1290 = arith.constant 3 : i32
        %add3A_1291 = arith.addi %mul3A_1289, %add3A_1290 : i32
        %dma_start3A_1292 = arith.constant 1 : i32
        %dma_start3A_1293 = arith.constant 3 : i32
        %dma_start3A_1294 = arith.constant 1 : i32
        %dma_start3A_1295 = arith.constant 0 : i32
        %dma_start3A_1296 = arith.constant 0 : i32
        %dma_start3A_1297 = tpu.memref_slice %arg6[%dma_start3A_1292, %dma_start3A_1293, %dma_start3A_1295, %dma_start3A_1296] : memref<4x8x56x64xf32, #tpu.memory_space<vmem>> -> memref<1x1x50x64xf32, #tpu.memory_space<vmem>>
        %dma_start3A_1298 = tpu.memref_squeeze %dma_start3A_1297 : memref<1x1x50x64xf32, #tpu.memory_space<vmem>> -> memref<50x64xf32, #tpu.memory_space<vmem>>
        %dma_start3A_1299 = arith.constant 0 : i32
        %dma_start3A_1300 = tpu.memref_slice %arg5[%add3A_1291, %dma_start3A_1299] : memref<128x50xi32, #tpu.memory_space<vmem>> -> memref<1x50xi32, #tpu.memory_space<vmem>>
        %dma_start3A_1301 = tpu.memref_squeeze %dma_start3A_1300 : memref<1x50xi32, #tpu.memory_space<vmem>> -> memref<50xi32, #tpu.memory_space<vmem>>
        %dma_start3A_1302 = arith.constant 0 : i32
        %dma_start3A_1303 = arith.constant 0 : i32
        %dma_start3A_1304 = tpu.memref_slice %arg3[%dma_start3A_1302, %dma_start3A_1303] : memref<100000x64xf32, #tpu.memory_space<hbm>> -> memref<100000x64xf32, #tpu.memory_space<hbm>>
        %dma_start3A_1305 = tpu.memref_slice %arg7[%dma_start3A_1294] : memref<4x!tpu.dma_semaphore, #tpu.memory_space<semaphore_mem>> -> memref<1x!tpu.dma_semaphore, #tpu.memory_space<semaphore_mem>>
        %dma_start3A_1306 = tpu.memref_squeeze %dma_start3A_1305 : memref<1x!tpu.dma_semaphore, #tpu.memory_space<semaphore_mem>> -> memref<!tpu.dma_semaphore, #tpu.memory_space<semaphore_mem>>
        tpu.enqueue_indirect_dma source(%dma_start3A_1304 : memref<100000x64xf32, #tpu.memory_space<hbm>>) target(%dma_start3A_1298 : memref<50x64xf32, #tpu.memory_space<vmem>>) offsets(%dma_start3A_1301 : memref<50xi32, #tpu.memory_space<vmem>>) semaphore(%dma_start3A_1306 : memref<!tpu.dma_semaphore, #tpu.memory_space<semaphore_mem>>)
        %mul3A_1307 = arith.constant 8 : i32
        %mul3A_1308 = arith.muli %add3A_858, %mul3A_1307 : i32
        %add3A_1309 = arith.constant 4 : i32
        %add3A_1310 = arith.addi %mul3A_1308, %add3A_1309 : i32
        %dma_start3A_1311 = arith.constant 1 : i32
        %dma_start3A_1312 = arith.constant 4 : i32
        %dma_start3A_1313 = arith.constant 1 : i32
        %dma_start3A_1314 = arith.constant 0 : i32
        %dma_start3A_1315 = arith.constant 0 : i32
        %dma_start3A_1316 = tpu.memref_slice %arg6[%dma_start3A_1311, %dma_start3A_1312, %dma_start3A_1314, %dma_start3A_1315] : memref<4x8x56x64xf32, #tpu.memory_space<vmem>> -> memref<1x1x50x64xf32, #tpu.memory_space<vmem>>
        %dma_start3A_1317 = tpu.memref_squeeze %dma_start3A_1316 : memref<1x1x50x64xf32, #tpu.memory_space<vmem>> -> memref<50x64xf32, #tpu.memory_space<vmem>>
        %dma_start3A_1318 = arith.constant 0 : i32
        %dma_start3A_1319 = tpu.memref_slice %arg5[%add3A_1310, %dma_start3A_1318] : memref<128x50xi32, #tpu.memory_space<vmem>> -> memref<1x50xi32, #tpu.memory_space<vmem>>
        %dma_start3A_1320 = tpu.memref_squeeze %dma_start3A_1319 : memref<1x50xi32, #tpu.memory_space<vmem>> -> memref<50xi32, #tpu.memory_space<vmem>>
        %dma_start3A_1321 = arith.constant 0 : i32
        %dma_start3A_1322 = arith.constant 0 : i32
        %dma_start3A_1323 = tpu.memref_slice %arg3[%dma_start3A_1321, %dma_start3A_1322] : memref<100000x64xf32, #tpu.memory_space<hbm>> -> memref<100000x64xf32, #tpu.memory_space<hbm>>
        %dma_start3A_1324 = tpu.memref_slice %arg7[%dma_start3A_1313] : memref<4x!tpu.dma_semaphore, #tpu.memory_space<semaphore_mem>> -> memref<1x!tpu.dma_semaphore, #tpu.memory_space<semaphore_mem>>
        %dma_start3A_1325 = tpu.memref_squeeze %dma_start3A_1324 : memref<1x!tpu.dma_semaphore, #tpu.memory_space<semaphore_mem>> -> memref<!tpu.dma_semaphore, #tpu.memory_space<semaphore_mem>>
        tpu.enqueue_indirect_dma source(%dma_start3A_1323 : memref<100000x64xf32, #tpu.memory_space<hbm>>) target(%dma_start3A_1317 : memref<50x64xf32, #tpu.memory_space<vmem>>) offsets(%dma_start3A_1320 : memref<50xi32, #tpu.memory_space<vmem>>) semaphore(%dma_start3A_1325 : memref<!tpu.dma_semaphore, #tpu.memory_space<semaphore_mem>>)
        %mul3A_1326 = arith.constant 8 : i32
        %mul3A_1327 = arith.muli %add3A_858, %mul3A_1326 : i32
        %add3A_1328 = arith.constant 5 : i32
        %add3A_1329 = arith.addi %mul3A_1327, %add3A_1328 : i32
        %dma_start3A_1330 = arith.constant 1 : i32
        %dma_start3A_1331 = arith.constant 5 : i32
        %dma_start3A_1332 = arith.constant 1 : i32
        %dma_start3A_1333 = arith.constant 0 : i32
        %dma_start3A_1334 = arith.constant 0 : i32
        %dma_start3A_1335 = tpu.memref_slice %arg6[%dma_start3A_1330, %dma_start3A_1331, %dma_start3A_1333, %dma_start3A_1334] : memref<4x8x56x64xf32, #tpu.memory_space<vmem>> -> memref<1x1x50x64xf32, #tpu.memory_space<vmem>>
        %dma_start3A_1336 = tpu.memref_squeeze %dma_start3A_1335 : memref<1x1x50x64xf32, #tpu.memory_space<vmem>> -> memref<50x64xf32, #tpu.memory_space<vmem>>
        %dma_start3A_1337 = arith.constant 0 : i32
        %dma_start3A_1338 = tpu.memref_slice %arg5[%add3A_1329, %dma_start3A_1337] : memref<128x50xi32, #tpu.memory_space<vmem>> -> memref<1x50xi32, #tpu.memory_space<vmem>>
        %dma_start3A_1339 = tpu.memref_squeeze %dma_start3A_1338 : memref<1x50xi32, #tpu.memory_space<vmem>> -> memref<50xi32, #tpu.memory_space<vmem>>
        %dma_start3A_1340 = arith.constant 0 : i32
        %dma_start3A_1341 = arith.constant 0 : i32
        %dma_start3A_1342 = tpu.memref_slice %arg3[%dma_start3A_1340, %dma_start3A_1341] : memref<100000x64xf32, #tpu.memory_space<hbm>> -> memref<100000x64xf32, #tpu.memory_space<hbm>>
        %dma_start3A_1343 = tpu.memref_slice %arg7[%dma_start3A_1332] : memref<4x!tpu.dma_semaphore, #tpu.memory_space<semaphore_mem>> -> memref<1x!tpu.dma_semaphore, #tpu.memory_space<semaphore_mem>>
        %dma_start3A_1344 = tpu.memref_squeeze %dma_start3A_1343 : memref<1x!tpu.dma_semaphore, #tpu.memory_space<semaphore_mem>> -> memref<!tpu.dma_semaphore, #tpu.memory_space<semaphore_mem>>
        tpu.enqueue_indirect_dma source(%dma_start3A_1342 : memref<100000x64xf32, #tpu.memory_space<hbm>>) target(%dma_start3A_1336 : memref<50x64xf32, #tpu.memory_space<vmem>>) offsets(%dma_start3A_1339 : memref<50xi32, #tpu.memory_space<vmem>>) semaphore(%dma_start3A_1344 : memref<!tpu.dma_semaphore, #tpu.memory_space<semaphore_mem>>)
        %mul3A_1345 = arith.constant 8 : i32
        %mul3A_1346 = arith.muli %add3A_858, %mul3A_1345 : i32
        %add3A_1347 = arith.constant 6 : i32
        %add3A_1348 = arith.addi %mul3A_1346, %add3A_1347 : i32
        %dma_start3A_1349 = arith.constant 1 : i32
        %dma_start3A_1350 = arith.constant 6 : i32
        %dma_start3A_1351 = arith.constant 1 : i32
        %dma_start3A_1352 = arith.constant 0 : i32
        %dma_start3A_1353 = arith.constant 0 : i32
        %dma_start3A_1354 = tpu.memref_slice %arg6[%dma_start3A_1349, %dma_start3A_1350, %dma_start3A_1352, %dma_start3A_1353] : memref<4x8x56x64xf32, #tpu.memory_space<vmem>> -> memref<1x1x50x64xf32, #tpu.memory_space<vmem>>
        %dma_start3A_1355 = tpu.memref_squeeze %dma_start3A_1354 : memref<1x1x50x64xf32, #tpu.memory_space<vmem>> -> memref<50x64xf32, #tpu.memory_space<vmem>>
        %dma_start3A_1356 = arith.constant 0 : i32
        %dma_start3A_1357 = tpu.memref_slice %arg5[%add3A_1348, %dma_start3A_1356] : memref<128x50xi32, #tpu.memory_space<vmem>> -> memref<1x50xi32, #tpu.memory_space<vmem>>
        %dma_start3A_1358 = tpu.memref_squeeze %dma_start3A_1357 : memref<1x50xi32, #tpu.memory_space<vmem>> -> memref<50xi32, #tpu.memory_space<vmem>>
        %dma_start3A_1359 = arith.constant 0 : i32
        %dma_start3A_1360 = arith.constant 0 : i32
        %dma_start3A_1361 = tpu.memref_slice %arg3[%dma_start3A_1359, %dma_start3A_1360] : memref<100000x64xf32, #tpu.memory_space<hbm>> -> memref<100000x64xf32, #tpu.memory_space<hbm>>
        %dma_start3A_1362 = tpu.memref_slice %arg7[%dma_start3A_1351] : memref<4x!tpu.dma_semaphore, #tpu.memory_space<semaphore_mem>> -> memref<1x!tpu.dma_semaphore, #tpu.memory_space<semaphore_mem>>
        %dma_start3A_1363 = tpu.memref_squeeze %dma_start3A_1362 : memref<1x!tpu.dma_semaphore, #tpu.memory_space<semaphore_mem>> -> memref<!tpu.dma_semaphore, #tpu.memory_space<semaphore_mem>>
        tpu.enqueue_indirect_dma source(%dma_start3A_1361 : memref<100000x64xf32, #tpu.memory_space<hbm>>) target(%dma_start3A_1355 : memref<50x64xf32, #tpu.memory_space<vmem>>) offsets(%dma_start3A_1358 : memref<50xi32, #tpu.memory_space<vmem>>) semaphore(%dma_start3A_1363 : memref<!tpu.dma_semaphore, #tpu.memory_space<semaphore_mem>>)
        %mul3A_1364 = arith.constant 8 : i32
        %mul3A_1365 = arith.muli %add3A_858, %mul3A_1364 : i32
        %add3A_1366 = arith.constant 7 : i32
        %add3A_1367 = arith.addi %mul3A_1365, %add3A_1366 : i32
        %dma_start3A_1368 = arith.constant 1 : i32
        %dma_start3A_1369 = arith.constant 7 : i32
        %dma_start3A_1370 = arith.constant 1 : i32
        %dma_start3A_1371 = arith.constant 0 : i32
        %dma_start3A_1372 = arith.constant 0 : i32
        %dma_start3A_1373 = tpu.memref_slice %arg6[%dma_start3A_1368, %dma_start3A_1369, %dma_start3A_1371, %dma_start3A_1372] : memref<4x8x56x64xf32, #tpu.memory_space<vmem>> -> memref<1x1x50x64xf32, #tpu.memory_space<vmem>>
        %dma_start3A_1374 = tpu.memref_squeeze %dma_start3A_1373 : memref<1x1x50x64xf32, #tpu.memory_space<vmem>> -> memref<50x64xf32, #tpu.memory_space<vmem>>
        %dma_start3A_1375 = arith.constant 0 : i32
        %dma_start3A_1376 = tpu.memref_slice %arg5[%add3A_1367, %dma_start3A_1375] : memref<128x50xi32, #tpu.memory_space<vmem>> -> memref<1x50xi32, #tpu.memory_space<vmem>>
        %dma_start3A_1377 = tpu.memref_squeeze %dma_start3A_1376 : memref<1x50xi32, #tpu.memory_space<vmem>> -> memref<50xi32, #tpu.memory_space<vmem>>
        %dma_start3A_1378 = arith.constant 0 : i32
        %dma_start3A_1379 = arith.constant 0 : i32
        %dma_start3A_1380 = tpu.memref_slice %arg3[%dma_start3A_1378, %dma_start3A_1379] : memref<100000x64xf32, #tpu.memory_space<hbm>> -> memref<100000x64xf32, #tpu.memory_space<hbm>>
        %dma_start3A_1381 = tpu.memref_slice %arg7[%dma_start3A_1370] : memref<4x!tpu.dma_semaphore, #tpu.memory_space<semaphore_mem>> -> memref<1x!tpu.dma_semaphore, #tpu.memory_space<semaphore_mem>>
        %dma_start3A_1382 = tpu.memref_squeeze %dma_start3A_1381 : memref<1x!tpu.dma_semaphore, #tpu.memory_space<semaphore_mem>> -> memref<!tpu.dma_semaphore, #tpu.memory_space<semaphore_mem>>
        tpu.enqueue_indirect_dma source(%dma_start3A_1380 : memref<100000x64xf32, #tpu.memory_space<hbm>>) target(%dma_start3A_1374 : memref<50x64xf32, #tpu.memory_space<vmem>>) offsets(%dma_start3A_1377 : memref<50xi32, #tpu.memory_space<vmem>>) semaphore(%dma_start3A_1382 : memref<!tpu.dma_semaphore, #tpu.memory_space<semaphore_mem>>)
      } else {
      }
      %mul3A_864 = arith.constant 8 : i32
      %mul3A_865 = arith.muli %add3A_856, %mul3A_864 : i32
      %add3A_866 = arith.constant 0 : i32
      %add3A_867 = arith.addi %mul3A_865, %add3A_866 : i32
      %dma_wait3A_868 = arith.constant 2 : i32
      %dma_wait3A_869 = arith.constant 0 : i32
      %dma_wait3A_870 = arith.constant 2 : i32
      %dma_wait3A_871 = arith.constant 0 : i32
      %dma_wait3A_872 = arith.constant 0 : i32
      %dma_wait3A_873 = tpu.memref_slice %arg6[%dma_wait3A_868, %dma_wait3A_869, %dma_wait3A_871, %dma_wait3A_872] : memref<4x8x56x64xf32, #tpu.memory_space<vmem>> -> memref<1x1x50x64xf32, #tpu.memory_space<vmem>>
      %dma_wait3A_874 = tpu.memref_squeeze %dma_wait3A_873 : memref<1x1x50x64xf32, #tpu.memory_space<vmem>> -> memref<50x64xf32, #tpu.memory_space<vmem>>
      %dma_wait3A_875 = arith.constant 0 : i32
      %dma_wait3A_876 = tpu.memref_slice %arg5[%add3A_867, %dma_wait3A_875] : memref<128x50xi32, #tpu.memory_space<vmem>> -> memref<1x50xi32, #tpu.memory_space<vmem>>
      %dma_wait3A_877 = tpu.memref_squeeze %dma_wait3A_876 : memref<1x50xi32, #tpu.memory_space<vmem>> -> memref<50xi32, #tpu.memory_space<vmem>>
      %dma_wait3A_878 = arith.constant 0 : i32
      %dma_wait3A_879 = arith.constant 0 : i32
      %dma_wait3A_880 = tpu.memref_slice %arg3[%dma_wait3A_878, %dma_wait3A_879] : memref<100000x64xf32, #tpu.memory_space<hbm>> -> memref<100000x64xf32, #tpu.memory_space<hbm>>
      %dma_wait3A_881 = tpu.memref_slice %arg7[%dma_wait3A_870] : memref<4x!tpu.dma_semaphore, #tpu.memory_space<semaphore_mem>> -> memref<1x!tpu.dma_semaphore, #tpu.memory_space<semaphore_mem>>
      %dma_wait3A_882 = tpu.memref_squeeze %dma_wait3A_881 : memref<1x!tpu.dma_semaphore, #tpu.memory_space<semaphore_mem>> -> memref<!tpu.dma_semaphore, #tpu.memory_space<semaphore_mem>>
      tpu.wait_indirect_dma semaphore(%dma_wait3A_882 : memref<!tpu.dma_semaphore, #tpu.memory_space<semaphore_mem>>) src(%dma_wait3A_880 : memref<100000x64xf32, #tpu.memory_space<hbm>>) dst(%dma_wait3A_874 : memref<50x64xf32, #tpu.memory_space<vmem>>)
      %mul3A_883 = arith.constant 8 : i32
      %mul3A_884 = arith.muli %add3A_856, %mul3A_883 : i32
      %add3A_885 = arith.constant 1 : i32
      %add3A_886 = arith.addi %mul3A_884, %add3A_885 : i32
      %dma_wait3A_887 = arith.constant 2 : i32
      %dma_wait3A_888 = arith.constant 1 : i32
      %dma_wait3A_889 = arith.constant 2 : i32
      %dma_wait3A_890 = arith.constant 0 : i32
      %dma_wait3A_891 = arith.constant 0 : i32
      %dma_wait3A_892 = tpu.memref_slice %arg6[%dma_wait3A_887, %dma_wait3A_888, %dma_wait3A_890, %dma_wait3A_891] : memref<4x8x56x64xf32, #tpu.memory_space<vmem>> -> memref<1x1x50x64xf32, #tpu.memory_space<vmem>>
      %dma_wait3A_893 = tpu.memref_squeeze %dma_wait3A_892 : memref<1x1x50x64xf32, #tpu.memory_space<vmem>> -> memref<50x64xf32, #tpu.memory_space<vmem>>
      %dma_wait3A_894 = arith.constant 0 : i32
      %dma_wait3A_895 = tpu.memref_slice %arg5[%add3A_886, %dma_wait3A_894] : memref<128x50xi32, #tpu.memory_space<vmem>> -> memref<1x50xi32, #tpu.memory_space<vmem>>
      %dma_wait3A_896 = tpu.memref_squeeze %dma_wait3A_895 : memref<1x50xi32, #tpu.memory_space<vmem>> -> memref<50xi32, #tpu.memory_space<vmem>>
      %dma_wait3A_897 = arith.constant 0 : i32
      %dma_wait3A_898 = arith.constant 0 : i32
      %dma_wait3A_899 = tpu.memref_slice %arg3[%dma_wait3A_897, %dma_wait3A_898] : memref<100000x64xf32, #tpu.memory_space<hbm>> -> memref<100000x64xf32, #tpu.memory_space<hbm>>
      %dma_wait3A_900 = tpu.memref_slice %arg7[%dma_wait3A_889] : memref<4x!tpu.dma_semaphore, #tpu.memory_space<semaphore_mem>> -> memref<1x!tpu.dma_semaphore, #tpu.memory_space<semaphore_mem>>
      %dma_wait3A_901 = tpu.memref_squeeze %dma_wait3A_900 : memref<1x!tpu.dma_semaphore, #tpu.memory_space<semaphore_mem>> -> memref<!tpu.dma_semaphore, #tpu.memory_space<semaphore_mem>>
      tpu.wait_indirect_dma semaphore(%dma_wait3A_901 : memref<!tpu.dma_semaphore, #tpu.memory_space<semaphore_mem>>) src(%dma_wait3A_899 : memref<100000x64xf32, #tpu.memory_space<hbm>>) dst(%dma_wait3A_893 : memref<50x64xf32, #tpu.memory_space<vmem>>)
      %mul3A_902 = arith.constant 8 : i32
      %mul3A_903 = arith.muli %add3A_856, %mul3A_902 : i32
      %add3A_904 = arith.constant 2 : i32
      %add3A_905 = arith.addi %mul3A_903, %add3A_904 : i32
      %dma_wait3A_906 = arith.constant 2 : i32
      %dma_wait3A_907 = arith.constant 2 : i32
      %dma_wait3A_908 = arith.constant 2 : i32
      %dma_wait3A_909 = arith.constant 0 : i32
      %dma_wait3A_910 = arith.constant 0 : i32
      %dma_wait3A_911 = tpu.memref_slice %arg6[%dma_wait3A_906, %dma_wait3A_907, %dma_wait3A_909, %dma_wait3A_910] : memref<4x8x56x64xf32, #tpu.memory_space<vmem>> -> memref<1x1x50x64xf32, #tpu.memory_space<vmem>>
      %dma_wait3A_912 = tpu.memref_squeeze %dma_wait3A_911 : memref<1x1x50x64xf32, #tpu.memory_space<vmem>> -> memref<50x64xf32, #tpu.memory_space<vmem>>
      %dma_wait3A_913 = arith.constant 0 : i32
      %dma_wait3A_914 = tpu.memref_slice %arg5[%add3A_905, %dma_wait3A_913] : memref<128x50xi32, #tpu.memory_space<vmem>> -> memref<1x50xi32, #tpu.memory_space<vmem>>
      %dma_wait3A_915 = tpu.memref_squeeze %dma_wait3A_914 : memref<1x50xi32, #tpu.memory_space<vmem>> -> memref<50xi32, #tpu.memory_space<vmem>>
      %dma_wait3A_916 = arith.constant 0 : i32
      %dma_wait3A_917 = arith.constant 0 : i32
      %dma_wait3A_918 = tpu.memref_slice %arg3[%dma_wait3A_916, %dma_wait3A_917] : memref<100000x64xf32, #tpu.memory_space<hbm>> -> memref<100000x64xf32, #tpu.memory_space<hbm>>
      %dma_wait3A_919 = tpu.memref_slice %arg7[%dma_wait3A_908] : memref<4x!tpu.dma_semaphore, #tpu.memory_space<semaphore_mem>> -> memref<1x!tpu.dma_semaphore, #tpu.memory_space<semaphore_mem>>
      %dma_wait3A_920 = tpu.memref_squeeze %dma_wait3A_919 : memref<1x!tpu.dma_semaphore, #tpu.memory_space<semaphore_mem>> -> memref<!tpu.dma_semaphore, #tpu.memory_space<semaphore_mem>>
      tpu.wait_indirect_dma semaphore(%dma_wait3A_920 : memref<!tpu.dma_semaphore, #tpu.memory_space<semaphore_mem>>) src(%dma_wait3A_918 : memref<100000x64xf32, #tpu.memory_space<hbm>>) dst(%dma_wait3A_912 : memref<50x64xf32, #tpu.memory_space<vmem>>)
      %mul3A_921 = arith.constant 8 : i32
      %mul3A_922 = arith.muli %add3A_856, %mul3A_921 : i32
      %add3A_923 = arith.constant 3 : i32
      %add3A_924 = arith.addi %mul3A_922, %add3A_923 : i32
      %dma_wait3A_925 = arith.constant 2 : i32
      %dma_wait3A_926 = arith.constant 3 : i32
      %dma_wait3A_927 = arith.constant 2 : i32
      %dma_wait3A_928 = arith.constant 0 : i32
      %dma_wait3A_929 = arith.constant 0 : i32
      %dma_wait3A_930 = tpu.memref_slice %arg6[%dma_wait3A_925, %dma_wait3A_926, %dma_wait3A_928, %dma_wait3A_929] : memref<4x8x56x64xf32, #tpu.memory_space<vmem>> -> memref<1x1x50x64xf32, #tpu.memory_space<vmem>>
      %dma_wait3A_931 = tpu.memref_squeeze %dma_wait3A_930 : memref<1x1x50x64xf32, #tpu.memory_space<vmem>> -> memref<50x64xf32, #tpu.memory_space<vmem>>
      %dma_wait3A_932 = arith.constant 0 : i32
      %dma_wait3A_933 = tpu.memref_slice %arg5[%add3A_924, %dma_wait3A_932] : memref<128x50xi32, #tpu.memory_space<vmem>> -> memref<1x50xi32, #tpu.memory_space<vmem>>
      %dma_wait3A_934 = tpu.memref_squeeze %dma_wait3A_933 : memref<1x50xi32, #tpu.memory_space<vmem>> -> memref<50xi32, #tpu.memory_space<vmem>>
      %dma_wait3A_935 = arith.constant 0 : i32
      %dma_wait3A_936 = arith.constant 0 : i32
      %dma_wait3A_937 = tpu.memref_slice %arg3[%dma_wait3A_935, %dma_wait3A_936] : memref<100000x64xf32, #tpu.memory_space<hbm>> -> memref<100000x64xf32, #tpu.memory_space<hbm>>
      %dma_wait3A_938 = tpu.memref_slice %arg7[%dma_wait3A_927] : memref<4x!tpu.dma_semaphore, #tpu.memory_space<semaphore_mem>> -> memref<1x!tpu.dma_semaphore, #tpu.memory_space<semaphore_mem>>
      %dma_wait3A_939 = tpu.memref_squeeze %dma_wait3A_938 : memref<1x!tpu.dma_semaphore, #tpu.memory_space<semaphore_mem>> -> memref<!tpu.dma_semaphore, #tpu.memory_space<semaphore_mem>>
      tpu.wait_indirect_dma semaphore(%dma_wait3A_939 : memref<!tpu.dma_semaphore, #tpu.memory_space<semaphore_mem>>) src(%dma_wait3A_937 : memref<100000x64xf32, #tpu.memory_space<hbm>>) dst(%dma_wait3A_931 : memref<50x64xf32, #tpu.memory_space<vmem>>)
      %mul3A_940 = arith.constant 8 : i32
      %mul3A_941 = arith.muli %add3A_856, %mul3A_940 : i32
      %add3A_942 = arith.constant 4 : i32
      %add3A_943 = arith.addi %mul3A_941, %add3A_942 : i32
      %dma_wait3A_944 = arith.constant 2 : i32
      %dma_wait3A_945 = arith.constant 4 : i32
      %dma_wait3A_946 = arith.constant 2 : i32
      %dma_wait3A_947 = arith.constant 0 : i32
      %dma_wait3A_948 = arith.constant 0 : i32
      %dma_wait3A_949 = tpu.memref_slice %arg6[%dma_wait3A_944, %dma_wait3A_945, %dma_wait3A_947, %dma_wait3A_948] : memref<4x8x56x64xf32, #tpu.memory_space<vmem>> -> memref<1x1x50x64xf32, #tpu.memory_space<vmem>>
      %dma_wait3A_950 = tpu.memref_squeeze %dma_wait3A_949 : memref<1x1x50x64xf32, #tpu.memory_space<vmem>> -> memref<50x64xf32, #tpu.memory_space<vmem>>
      %dma_wait3A_951 = arith.constant 0 : i32
      %dma_wait3A_952 = tpu.memref_slice %arg5[%add3A_943, %dma_wait3A_951] : memref<128x50xi32, #tpu.memory_space<vmem>> -> memref<1x50xi32, #tpu.memory_space<vmem>>
      %dma_wait3A_953 = tpu.memref_squeeze %dma_wait3A_952 : memref<1x50xi32, #tpu.memory_space<vmem>> -> memref<50xi32, #tpu.memory_space<vmem>>
      %dma_wait3A_954 = arith.constant 0 : i32
      %dma_wait3A_955 = arith.constant 0 : i32
      %dma_wait3A_956 = tpu.memref_slice %arg3[%dma_wait3A_954, %dma_wait3A_955] : memref<100000x64xf32, #tpu.memory_space<hbm>> -> memref<100000x64xf32, #tpu.memory_space<hbm>>
      %dma_wait3A_957 = tpu.memref_slice %arg7[%dma_wait3A_946] : memref<4x!tpu.dma_semaphore, #tpu.memory_space<semaphore_mem>> -> memref<1x!tpu.dma_semaphore, #tpu.memory_space<semaphore_mem>>
      %dma_wait3A_958 = tpu.memref_squeeze %dma_wait3A_957 : memref<1x!tpu.dma_semaphore, #tpu.memory_space<semaphore_mem>> -> memref<!tpu.dma_semaphore, #tpu.memory_space<semaphore_mem>>
      tpu.wait_indirect_dma semaphore(%dma_wait3A_958 : memref<!tpu.dma_semaphore, #tpu.memory_space<semaphore_mem>>) src(%dma_wait3A_956 : memref<100000x64xf32, #tpu.memory_space<hbm>>) dst(%dma_wait3A_950 : memref<50x64xf32, #tpu.memory_space<vmem>>)
      %mul3A_959 = arith.constant 8 : i32
      %mul3A_960 = arith.muli %add3A_856, %mul3A_959 : i32
      %add3A_961 = arith.constant 5 : i32
      %add3A_962 = arith.addi %mul3A_960, %add3A_961 : i32
      %dma_wait3A_963 = arith.constant 2 : i32
      %dma_wait3A_964 = arith.constant 5 : i32
      %dma_wait3A_965 = arith.constant 2 : i32
      %dma_wait3A_966 = arith.constant 0 : i32
      %dma_wait3A_967 = arith.constant 0 : i32
      %dma_wait3A_968 = tpu.memref_slice %arg6[%dma_wait3A_963, %dma_wait3A_964, %dma_wait3A_966, %dma_wait3A_967] : memref<4x8x56x64xf32, #tpu.memory_space<vmem>> -> memref<1x1x50x64xf32, #tpu.memory_space<vmem>>
      %dma_wait3A_969 = tpu.memref_squeeze %dma_wait3A_968 : memref<1x1x50x64xf32, #tpu.memory_space<vmem>> -> memref<50x64xf32, #tpu.memory_space<vmem>>
      %dma_wait3A_970 = arith.constant 0 : i32
      %dma_wait3A_971 = tpu.memref_slice %arg5[%add3A_962, %dma_wait3A_970] : memref<128x50xi32, #tpu.memory_space<vmem>> -> memref<1x50xi32, #tpu.memory_space<vmem>>
      %dma_wait3A_972 = tpu.memref_squeeze %dma_wait3A_971 : memref<1x50xi32, #tpu.memory_space<vmem>> -> memref<50xi32, #tpu.memory_space<vmem>>
      %dma_wait3A_973 = arith.constant 0 : i32
      %dma_wait3A_974 = arith.constant 0 : i32
      %dma_wait3A_975 = tpu.memref_slice %arg3[%dma_wait3A_973, %dma_wait3A_974] : memref<100000x64xf32, #tpu.memory_space<hbm>> -> memref<100000x64xf32, #tpu.memory_space<hbm>>
      %dma_wait3A_976 = tpu.memref_slice %arg7[%dma_wait3A_965] : memref<4x!tpu.dma_semaphore, #tpu.memory_space<semaphore_mem>> -> memref<1x!tpu.dma_semaphore, #tpu.memory_space<semaphore_mem>>
      %dma_wait3A_977 = tpu.memref_squeeze %dma_wait3A_976 : memref<1x!tpu.dma_semaphore, #tpu.memory_space<semaphore_mem>> -> memref<!tpu.dma_semaphore, #tpu.memory_space<semaphore_mem>>
      tpu.wait_indirect_dma semaphore(%dma_wait3A_977 : memref<!tpu.dma_semaphore, #tpu.memory_space<semaphore_mem>>) src(%dma_wait3A_975 : memref<100000x64xf32, #tpu.memory_space<hbm>>) dst(%dma_wait3A_969 : memref<50x64xf32, #tpu.memory_space<vmem>>)
      %mul3A_978 = arith.constant 8 : i32
      %mul3A_979 = arith.muli %add3A_856, %mul3A_978 : i32
      %add3A_980 = arith.constant 6 : i32
      %add3A_981 = arith.addi %mul3A_979, %add3A_980 : i32
      %dma_wait3A_982 = arith.constant 2 : i32
      %dma_wait3A_983 = arith.constant 6 : i32
      %dma_wait3A_984 = arith.constant 2 : i32
      %dma_wait3A_985 = arith.constant 0 : i32
      %dma_wait3A_986 = arith.constant 0 : i32
      %dma_wait3A_987 = tpu.memref_slice %arg6[%dma_wait3A_982, %dma_wait3A_983, %dma_wait3A_985, %dma_wait3A_986] : memref<4x8x56x64xf32, #tpu.memory_space<vmem>> -> memref<1x1x50x64xf32, #tpu.memory_space<vmem>>
      %dma_wait3A_988 = tpu.memref_squeeze %dma_wait3A_987 : memref<1x1x50x64xf32, #tpu.memory_space<vmem>> -> memref<50x64xf32, #tpu.memory_space<vmem>>
      %dma_wait3A_989 = arith.constant 0 : i32
      %dma_wait3A_990 = tpu.memref_slice %arg5[%add3A_981, %dma_wait3A_989] : memref<128x50xi32, #tpu.memory_space<vmem>> -> memref<1x50xi32, #tpu.memory_space<vmem>>
      %dma_wait3A_991 = tpu.memref_squeeze %dma_wait3A_990 : memref<1x50xi32, #tpu.memory_space<vmem>> -> memref<50xi32, #tpu.memory_space<vmem>>
      %dma_wait3A_992 = arith.constant 0 : i32
      %dma_wait3A_993 = arith.constant 0 : i32
      %dma_wait3A_994 = tpu.memref_slice %arg3[%dma_wait3A_992, %dma_wait3A_993] : memref<100000x64xf32, #tpu.memory_space<hbm>> -> memref<100000x64xf32, #tpu.memory_space<hbm>>
      %dma_wait3A_995 = tpu.memref_slice %arg7[%dma_wait3A_984] : memref<4x!tpu.dma_semaphore, #tpu.memory_space<semaphore_mem>> -> memref<1x!tpu.dma_semaphore, #tpu.memory_space<semaphore_mem>>
      %dma_wait3A_996 = tpu.memref_squeeze %dma_wait3A_995 : memref<1x!tpu.dma_semaphore, #tpu.memory_space<semaphore_mem>> -> memref<!tpu.dma_semaphore, #tpu.memory_space<semaphore_mem>>
      tpu.wait_indirect_dma semaphore(%dma_wait3A_996 : memref<!tpu.dma_semaphore, #tpu.memory_space<semaphore_mem>>) src(%dma_wait3A_994 : memref<100000x64xf32, #tpu.memory_space<hbm>>) dst(%dma_wait3A_988 : memref<50x64xf32, #tpu.memory_space<vmem>>)
      %mul3A_997 = arith.constant 8 : i32
      %mul3A_998 = arith.muli %add3A_856, %mul3A_997 : i32
      %add3A_999 = arith.constant 7 : i32
      %add3A_1000 = arith.addi %mul3A_998, %add3A_999 : i32
      %dma_wait3A_1001 = arith.constant 2 : i32
      %dma_wait3A_1002 = arith.constant 7 : i32
      %dma_wait3A_1003 = arith.constant 2 : i32
      %dma_wait3A_1004 = arith.constant 0 : i32
      %dma_wait3A_1005 = arith.constant 0 : i32
      %dma_wait3A_1006 = tpu.memref_slice %arg6[%dma_wait3A_1001, %dma_wait3A_1002, %dma_wait3A_1004, %dma_wait3A_1005] : memref<4x8x56x64xf32, #tpu.memory_space<vmem>> -> memref<1x1x50x64xf32, #tpu.memory_space<vmem>>
      %dma_wait3A_1007 = tpu.memref_squeeze %dma_wait3A_1006 : memref<1x1x50x64xf32, #tpu.memory_space<vmem>> -> memref<50x64xf32, #tpu.memory_space<vmem>>
      %dma_wait3A_1008 = arith.constant 0 : i32
      %dma_wait3A_1009 = tpu.memref_slice %arg5[%add3A_1000, %dma_wait3A_1008] : memref<128x50xi32, #tpu.memory_space<vmem>> -> memref<1x50xi32, #tpu.memory_space<vmem>>
      %dma_wait3A_1010 = tpu.memref_squeeze %dma_wait3A_1009 : memref<1x50xi32, #tpu.memory_space<vmem>> -> memref<50xi32, #tpu.memory_space<vmem>>
      %dma_wait3A_1011 = arith.constant 0 : i32
      %dma_wait3A_1012 = arith.constant 0 : i32
      %dma_wait3A_1013 = tpu.memref_slice %arg3[%dma_wait3A_1011, %dma_wait3A_1012] : memref<100000x64xf32, #tpu.memory_space<hbm>> -> memref<100000x64xf32, #tpu.memory_space<hbm>>
      %dma_wait3A_1014 = tpu.memref_slice %arg7[%dma_wait3A_1003] : memref<4x!tpu.dma_semaphore, #tpu.memory_space<semaphore_mem>> -> memref<1x!tpu.dma_semaphore, #tpu.memory_space<semaphore_mem>>
      %dma_wait3A_1015 = tpu.memref_squeeze %dma_wait3A_1014 : memref<1x!tpu.dma_semaphore, #tpu.memory_space<semaphore_mem>> -> memref<!tpu.dma_semaphore, #tpu.memory_space<semaphore_mem>>
      tpu.wait_indirect_dma semaphore(%dma_wait3A_1015 : memref<!tpu.dma_semaphore, #tpu.memory_space<semaphore_mem>>) src(%dma_wait3A_1013 : memref<100000x64xf32, #tpu.memory_space<hbm>>) dst(%dma_wait3A_1007 : memref<50x64xf32, #tpu.memory_space<vmem>>)
      %mul3A_1016 = arith.constant 8 : i32
      %mul3A_1017 = arith.muli %add3A_856, %mul3A_1016 : i32
      %add3A_1018 = arith.addi %mul3A_2, %mul3A_1017 : i32
      %multiple_of3A_1019 = tpu.assume_multiple %add3A_1018, 8 : i32
      %dma_start3A_1020 = arith.constant 2 : i32
      %dma_start3A_1021 = arith.constant 2 : i32
      %dma_start3A_1022 = arith.constant 0 : i32
      %dma_start3A_1023 = arith.constant 0 : i32
      %dma_start3A_1024 = arith.constant 0 : i32
      %dma_start3A_1025 = tpu.memref_slice %arg6[%dma_start3A_1020, %dma_start3A_1022, %dma_start3A_1023, %dma_start3A_1024] : memref<4x8x56x64xf32, #tpu.memory_space<vmem>> -> memref<1x8x56x64xf32, #tpu.memory_space<vmem>>
      %dma_start3A_1026 = tpu.memref_squeeze %dma_start3A_1025 : memref<1x8x56x64xf32, #tpu.memory_space<vmem>> -> memref<8x56x64xf32, #tpu.memory_space<vmem>>
      %dma_start3A_1027 = arith.constant 0 : i32
      %dma_start3A_1028 = arith.constant 0 : i32
      %dma_start3A_1029 = tpu.memref_slice %arg4[%multiple_of3A_1019, %dma_start3A_1027, %dma_start3A_1028] : memref<4096x56x128xf32, #tpu.memory_space<hbm>> -> memref<8x56x64xf32, #tpu.memory_space<hbm>>
      %dma_start3A_1030 = tpu.memref_slice %arg8[%dma_start3A_1021] : memref<4x!tpu.dma_semaphore, #tpu.memory_space<semaphore_mem>> -> memref<1x!tpu.dma_semaphore, #tpu.memory_space<semaphore_mem>>
      %dma_start3A_1031 = tpu.memref_squeeze %dma_start3A_1030 : memref<1x!tpu.dma_semaphore, #tpu.memory_space<semaphore_mem>> -> memref<!tpu.dma_semaphore, #tpu.memory_space<semaphore_mem>>
      %dma_start3A_1032 = arith.constant 0 : i32
      %dma_start3A_1033 = arith.constant 0 : i32
      %dma_start3A_1034 = tpu.memref_slice %arg4[%multiple_of3A_1019, %dma_start3A_1032, %dma_start3A_1033] : memref<4096x56x128xf32, #tpu.memory_space<hbm>> -> memref<8x56x64xf32, #tpu.memory_space<hbm>>
      %dma_start3A_1035 = arith.constant 0 : i32
      %dma_start3A_1036 = arith.constant 0 : i32
      %dma_start3A_1037 = arith.constant 0 : i32
      %dma_start3A_1038 = tpu.memref_slice %arg6[%dma_start3A_1020, %dma_start3A_1035, %dma_start3A_1036, %dma_start3A_1037] : memref<4x8x56x64xf32, #tpu.memory_space<vmem>> -> memref<1x8x56x64xf32, #tpu.memory_space<vmem>>
      %dma_start3A_1039 = tpu.memref_squeeze %dma_start3A_1038 : memref<1x8x56x64xf32, #tpu.memory_space<vmem>> -> memref<8x56x64xf32, #tpu.memory_space<vmem>>
      tpu.enqueue_dma source(%dma_start3A_1039 : memref<8x56x64xf32, #tpu.memory_space<vmem>>) target(%dma_start3A_1034 : memref<8x56x64xf32, #tpu.memory_space<hbm>>) target_semaphore(%dma_start3A_1031 : memref<!tpu.dma_semaphore, #tpu.memory_space<semaphore_mem>>)
      %mul3A_1040 = arith.constant 4 : i32
      %mul3A_1041 = arith.muli %scan3A_481, %mul3A_1040 : i32
      %add3A_1042 = arith.constant 3 : i32
      %add3A_1043 = arith.addi %mul3A_1041, %add3A_1042 : i32
      %add3A_1044 = arith.constant 3 : i32
      %add3A_1045 = arith.addi %add3A_1043, %add3A_1044 : i32
      %lt3A_1046 = arith.constant 16 : i32
      %lt3A_1047 = arith.cmpi slt, %add3A_1045, %lt3A_1046 : i32
      %convert_element_type3A_1048 = arith.extui %lt3A_1047 : i1 to i32
      %cond3A_1049 = arith.constant 0 : i32
      %cond3A_1050 = arith.cmpi ne, %convert_element_type3A_1048, %cond3A_1049 : i32
      scf.if %cond3A_1050 {
        %ge3A = arith.constant 4 : i32
        %ge3A_1227 = arith.cmpi sge, %add3A_1045, %ge3A : i32
        %convert_element_type3A_1228 = arith.extui %ge3A_1227 : i1 to i32
        %cond3A_1229 = arith.constant 0 : i32
        %cond3A_1230 = arith.cmpi ne, %convert_element_type3A_1228, %cond3A_1229 : i32
        scf.if %cond3A_1230 {
          %sub3A = arith.constant 4 : i32
          %sub3A_1383 = arith.subi %add3A_1045, %sub3A : i32
          %mul3A_1384 = arith.constant 8 : i32
          %mul3A_1385 = arith.muli %sub3A_1383, %mul3A_1384 : i32
          %add3A_1386 = arith.addi %mul3A_2, %mul3A_1385 : i32
          %multiple_of3A_1387 = tpu.assume_multiple %add3A_1386, 8 : i32
          %dma_wait3A_1388 = arith.constant 2 : i32
          %dma_wait3A_1389 = arith.constant 2 : i32
          %dma_wait3A_1390 = arith.constant 0 : i32
          %dma_wait3A_1391 = arith.constant 0 : i32
          %dma_wait3A_1392 = arith.constant 0 : i32
          %dma_wait3A_1393 = tpu.memref_slice %arg6[%dma_wait3A_1388, %dma_wait3A_1390, %dma_wait3A_1391, %dma_wait3A_1392] : memref<4x8x56x64xf32, #tpu.memory_space<vmem>> -> memref<1x8x56x64xf32, #tpu.memory_space<vmem>>
          %dma_wait3A_1394 = tpu.memref_squeeze %dma_wait3A_1393 : memref<1x8x56x64xf32, #tpu.memory_space<vmem>> -> memref<8x56x64xf32, #tpu.memory_space<vmem>>
          %dma_wait3A_1395 = arith.constant 0 : i32
          %dma_wait3A_1396 = arith.constant 0 : i32
          %dma_wait3A_1397 = tpu.memref_slice %arg4[%multiple_of3A_1387, %dma_wait3A_1395, %dma_wait3A_1396] : memref<4096x56x128xf32, #tpu.memory_space<hbm>> -> memref<8x56x64xf32, #tpu.memory_space<hbm>>
          %dma_wait3A_1398 = tpu.memref_slice %arg8[%dma_wait3A_1389] : memref<4x!tpu.dma_semaphore, #tpu.memory_space<semaphore_mem>> -> memref<1x!tpu.dma_semaphore, #tpu.memory_space<semaphore_mem>>
          %dma_wait3A_1399 = tpu.memref_squeeze %dma_wait3A_1398 : memref<1x!tpu.dma_semaphore, #tpu.memory_space<semaphore_mem>> -> memref<!tpu.dma_semaphore, #tpu.memory_space<semaphore_mem>>
          %dma_wait3A_1400 = arith.constant 0 : i32
          %dma_wait3A_1401 = arith.constant 0 : i32
          %dma_wait3A_1402 = tpu.memref_slice %arg4[%multiple_of3A_1387, %dma_wait3A_1400, %dma_wait3A_1401] : memref<4096x56x128xf32, #tpu.memory_space<hbm>> -> memref<8x56x64xf32, #tpu.memory_space<hbm>>
          %dma_wait3A_1403 = arith.constant 0 : i32
          %dma_wait3A_1404 = arith.constant 0 : i32
          %dma_wait3A_1405 = arith.constant 0 : i32
          %dma_wait3A_1406 = tpu.memref_slice %arg6[%dma_wait3A_1388, %dma_wait3A_1403, %dma_wait3A_1404, %dma_wait3A_1405] : memref<4x8x56x64xf32, #tpu.memory_space<vmem>> -> memref<1x8x56x64xf32, #tpu.memory_space<vmem>>
          %dma_wait3A_1407 = tpu.memref_squeeze %dma_wait3A_1406 : memref<1x8x56x64xf32, #tpu.memory_space<vmem>> -> memref<8x56x64xf32, #tpu.memory_space<vmem>>
          tpu.wait_dma2 semaphore(%dma_wait3A_1399 : memref<!tpu.dma_semaphore, #tpu.memory_space<semaphore_mem>>) src(%dma_wait3A_1407 : memref<8x56x64xf32, #tpu.memory_space<vmem>>) dst(%dma_wait3A_1402 : memref<8x56x64xf32, #tpu.memory_space<hbm>>)
        } else {
        }
        %mul3A_1231 = arith.constant 8 : i32
        %mul3A_1232 = arith.muli %add3A_1045, %mul3A_1231 : i32
        %add3A_1233 = arith.constant 0 : i32
        %add3A_1234 = arith.addi %mul3A_1232, %add3A_1233 : i32
        %dma_start3A_1235 = arith.constant 2 : i32
        %dma_start3A_1236 = arith.constant 0 : i32
        %dma_start3A_1237 = arith.constant 2 : i32
        %dma_start3A_1238 = arith.constant 0 : i32
        %dma_start3A_1239 = arith.constant 0 : i32
        %dma_start3A_1240 = tpu.memref_slice %arg6[%dma_start3A_1235, %dma_start3A_1236, %dma_start3A_1238, %dma_start3A_1239] : memref<4x8x56x64xf32, #tpu.memory_space<vmem>> -> memref<1x1x50x64xf32, #tpu.memory_space<vmem>>
        %dma_start3A_1241 = tpu.memref_squeeze %dma_start3A_1240 : memref<1x1x50x64xf32, #tpu.memory_space<vmem>> -> memref<50x64xf32, #tpu.memory_space<vmem>>
        %dma_start3A_1242 = arith.constant 0 : i32
        %dma_start3A_1243 = tpu.memref_slice %arg5[%add3A_1234, %dma_start3A_1242] : memref<128x50xi32, #tpu.memory_space<vmem>> -> memref<1x50xi32, #tpu.memory_space<vmem>>
        %dma_start3A_1244 = tpu.memref_squeeze %dma_start3A_1243 : memref<1x50xi32, #tpu.memory_space<vmem>> -> memref<50xi32, #tpu.memory_space<vmem>>
        %dma_start3A_1245 = arith.constant 0 : i32
        %dma_start3A_1246 = arith.constant 0 : i32
        %dma_start3A_1247 = tpu.memref_slice %arg3[%dma_start3A_1245, %dma_start3A_1246] : memref<100000x64xf32, #tpu.memory_space<hbm>> -> memref<100000x64xf32, #tpu.memory_space<hbm>>
        %dma_start3A_1248 = tpu.memref_slice %arg7[%dma_start3A_1237] : memref<4x!tpu.dma_semaphore, #tpu.memory_space<semaphore_mem>> -> memref<1x!tpu.dma_semaphore, #tpu.memory_space<semaphore_mem>>
        %dma_start3A_1249 = tpu.memref_squeeze %dma_start3A_1248 : memref<1x!tpu.dma_semaphore, #tpu.memory_space<semaphore_mem>> -> memref<!tpu.dma_semaphore, #tpu.memory_space<semaphore_mem>>
        tpu.enqueue_indirect_dma source(%dma_start3A_1247 : memref<100000x64xf32, #tpu.memory_space<hbm>>) target(%dma_start3A_1241 : memref<50x64xf32, #tpu.memory_space<vmem>>) offsets(%dma_start3A_1244 : memref<50xi32, #tpu.memory_space<vmem>>) semaphore(%dma_start3A_1249 : memref<!tpu.dma_semaphore, #tpu.memory_space<semaphore_mem>>)
        %mul3A_1250 = arith.constant 8 : i32
        %mul3A_1251 = arith.muli %add3A_1045, %mul3A_1250 : i32
        %add3A_1252 = arith.constant 1 : i32
        %add3A_1253 = arith.addi %mul3A_1251, %add3A_1252 : i32
        %dma_start3A_1254 = arith.constant 2 : i32
        %dma_start3A_1255 = arith.constant 1 : i32
        %dma_start3A_1256 = arith.constant 2 : i32
        %dma_start3A_1257 = arith.constant 0 : i32
        %dma_start3A_1258 = arith.constant 0 : i32
        %dma_start3A_1259 = tpu.memref_slice %arg6[%dma_start3A_1254, %dma_start3A_1255, %dma_start3A_1257, %dma_start3A_1258] : memref<4x8x56x64xf32, #tpu.memory_space<vmem>> -> memref<1x1x50x64xf32, #tpu.memory_space<vmem>>
        %dma_start3A_1260 = tpu.memref_squeeze %dma_start3A_1259 : memref<1x1x50x64xf32, #tpu.memory_space<vmem>> -> memref<50x64xf32, #tpu.memory_space<vmem>>
        %dma_start3A_1261 = arith.constant 0 : i32
        %dma_start3A_1262 = tpu.memref_slice %arg5[%add3A_1253, %dma_start3A_1261] : memref<128x50xi32, #tpu.memory_space<vmem>> -> memref<1x50xi32, #tpu.memory_space<vmem>>
        %dma_start3A_1263 = tpu.memref_squeeze %dma_start3A_1262 : memref<1x50xi32, #tpu.memory_space<vmem>> -> memref<50xi32, #tpu.memory_space<vmem>>
        %dma_start3A_1264 = arith.constant 0 : i32
        %dma_start3A_1265 = arith.constant 0 : i32
        %dma_start3A_1266 = tpu.memref_slice %arg3[%dma_start3A_1264, %dma_start3A_1265] : memref<100000x64xf32, #tpu.memory_space<hbm>> -> memref<100000x64xf32, #tpu.memory_space<hbm>>
        %dma_start3A_1267 = tpu.memref_slice %arg7[%dma_start3A_1256] : memref<4x!tpu.dma_semaphore, #tpu.memory_space<semaphore_mem>> -> memref<1x!tpu.dma_semaphore, #tpu.memory_space<semaphore_mem>>
        %dma_start3A_1268 = tpu.memref_squeeze %dma_start3A_1267 : memref<1x!tpu.dma_semaphore, #tpu.memory_space<semaphore_mem>> -> memref<!tpu.dma_semaphore, #tpu.memory_space<semaphore_mem>>
        tpu.enqueue_indirect_dma source(%dma_start3A_1266 : memref<100000x64xf32, #tpu.memory_space<hbm>>) target(%dma_start3A_1260 : memref<50x64xf32, #tpu.memory_space<vmem>>) offsets(%dma_start3A_1263 : memref<50xi32, #tpu.memory_space<vmem>>) semaphore(%dma_start3A_1268 : memref<!tpu.dma_semaphore, #tpu.memory_space<semaphore_mem>>)
        %mul3A_1269 = arith.constant 8 : i32
        %mul3A_1270 = arith.muli %add3A_1045, %mul3A_1269 : i32
        %add3A_1271 = arith.constant 2 : i32
        %add3A_1272 = arith.addi %mul3A_1270, %add3A_1271 : i32
        %dma_start3A_1273 = arith.constant 2 : i32
        %dma_start3A_1274 = arith.constant 2 : i32
        %dma_start3A_1275 = arith.constant 2 : i32
        %dma_start3A_1276 = arith.constant 0 : i32
        %dma_start3A_1277 = arith.constant 0 : i32
        %dma_start3A_1278 = tpu.memref_slice %arg6[%dma_start3A_1273, %dma_start3A_1274, %dma_start3A_1276, %dma_start3A_1277] : memref<4x8x56x64xf32, #tpu.memory_space<vmem>> -> memref<1x1x50x64xf32, #tpu.memory_space<vmem>>
        %dma_start3A_1279 = tpu.memref_squeeze %dma_start3A_1278 : memref<1x1x50x64xf32, #tpu.memory_space<vmem>> -> memref<50x64xf32, #tpu.memory_space<vmem>>
        %dma_start3A_1280 = arith.constant 0 : i32
        %dma_start3A_1281 = tpu.memref_slice %arg5[%add3A_1272, %dma_start3A_1280] : memref<128x50xi32, #tpu.memory_space<vmem>> -> memref<1x50xi32, #tpu.memory_space<vmem>>
        %dma_start3A_1282 = tpu.memref_squeeze %dma_start3A_1281 : memref<1x50xi32, #tpu.memory_space<vmem>> -> memref<50xi32, #tpu.memory_space<vmem>>
        %dma_start3A_1283 = arith.constant 0 : i32
        %dma_start3A_1284 = arith.constant 0 : i32
        %dma_start3A_1285 = tpu.memref_slice %arg3[%dma_start3A_1283, %dma_start3A_1284] : memref<100000x64xf32, #tpu.memory_space<hbm>> -> memref<100000x64xf32, #tpu.memory_space<hbm>>
        %dma_start3A_1286 = tpu.memref_slice %arg7[%dma_start3A_1275] : memref<4x!tpu.dma_semaphore, #tpu.memory_space<semaphore_mem>> -> memref<1x!tpu.dma_semaphore, #tpu.memory_space<semaphore_mem>>
        %dma_start3A_1287 = tpu.memref_squeeze %dma_start3A_1286 : memref<1x!tpu.dma_semaphore, #tpu.memory_space<semaphore_mem>> -> memref<!tpu.dma_semaphore, #tpu.memory_space<semaphore_mem>>
        tpu.enqueue_indirect_dma source(%dma_start3A_1285 : memref<100000x64xf32, #tpu.memory_space<hbm>>) target(%dma_start3A_1279 : memref<50x64xf32, #tpu.memory_space<vmem>>) offsets(%dma_start3A_1282 : memref<50xi32, #tpu.memory_space<vmem>>) semaphore(%dma_start3A_1287 : memref<!tpu.dma_semaphore, #tpu.memory_space<semaphore_mem>>)
        %mul3A_1288 = arith.constant 8 : i32
        %mul3A_1289 = arith.muli %add3A_1045, %mul3A_1288 : i32
        %add3A_1290 = arith.constant 3 : i32
        %add3A_1291 = arith.addi %mul3A_1289, %add3A_1290 : i32
        %dma_start3A_1292 = arith.constant 2 : i32
        %dma_start3A_1293 = arith.constant 3 : i32
        %dma_start3A_1294 = arith.constant 2 : i32
        %dma_start3A_1295 = arith.constant 0 : i32
        %dma_start3A_1296 = arith.constant 0 : i32
        %dma_start3A_1297 = tpu.memref_slice %arg6[%dma_start3A_1292, %dma_start3A_1293, %dma_start3A_1295, %dma_start3A_1296] : memref<4x8x56x64xf32, #tpu.memory_space<vmem>> -> memref<1x1x50x64xf32, #tpu.memory_space<vmem>>
        %dma_start3A_1298 = tpu.memref_squeeze %dma_start3A_1297 : memref<1x1x50x64xf32, #tpu.memory_space<vmem>> -> memref<50x64xf32, #tpu.memory_space<vmem>>
        %dma_start3A_1299 = arith.constant 0 : i32
        %dma_start3A_1300 = tpu.memref_slice %arg5[%add3A_1291, %dma_start3A_1299] : memref<128x50xi32, #tpu.memory_space<vmem>> -> memref<1x50xi32, #tpu.memory_space<vmem>>
        %dma_start3A_1301 = tpu.memref_squeeze %dma_start3A_1300 : memref<1x50xi32, #tpu.memory_space<vmem>> -> memref<50xi32, #tpu.memory_space<vmem>>
        %dma_start3A_1302 = arith.constant 0 : i32
        %dma_start3A_1303 = arith.constant 0 : i32
        %dma_start3A_1304 = tpu.memref_slice %arg3[%dma_start3A_1302, %dma_start3A_1303] : memref<100000x64xf32, #tpu.memory_space<hbm>> -> memref<100000x64xf32, #tpu.memory_space<hbm>>
        %dma_start3A_1305 = tpu.memref_slice %arg7[%dma_start3A_1294] : memref<4x!tpu.dma_semaphore, #tpu.memory_space<semaphore_mem>> -> memref<1x!tpu.dma_semaphore, #tpu.memory_space<semaphore_mem>>
        %dma_start3A_1306 = tpu.memref_squeeze %dma_start3A_1305 : memref<1x!tpu.dma_semaphore, #tpu.memory_space<semaphore_mem>> -> memref<!tpu.dma_semaphore, #tpu.memory_space<semaphore_mem>>
        tpu.enqueue_indirect_dma source(%dma_start3A_1304 : memref<100000x64xf32, #tpu.memory_space<hbm>>) target(%dma_start3A_1298 : memref<50x64xf32, #tpu.memory_space<vmem>>) offsets(%dma_start3A_1301 : memref<50xi32, #tpu.memory_space<vmem>>) semaphore(%dma_start3A_1306 : memref<!tpu.dma_semaphore, #tpu.memory_space<semaphore_mem>>)
        %mul3A_1307 = arith.constant 8 : i32
        %mul3A_1308 = arith.muli %add3A_1045, %mul3A_1307 : i32
        %add3A_1309 = arith.constant 4 : i32
        %add3A_1310 = arith.addi %mul3A_1308, %add3A_1309 : i32
        %dma_start3A_1311 = arith.constant 2 : i32
        %dma_start3A_1312 = arith.constant 4 : i32
        %dma_start3A_1313 = arith.constant 2 : i32
        %dma_start3A_1314 = arith.constant 0 : i32
        %dma_start3A_1315 = arith.constant 0 : i32
        %dma_start3A_1316 = tpu.memref_slice %arg6[%dma_start3A_1311, %dma_start3A_1312, %dma_start3A_1314, %dma_start3A_1315] : memref<4x8x56x64xf32, #tpu.memory_space<vmem>> -> memref<1x1x50x64xf32, #tpu.memory_space<vmem>>
        %dma_start3A_1317 = tpu.memref_squeeze %dma_start3A_1316 : memref<1x1x50x64xf32, #tpu.memory_space<vmem>> -> memref<50x64xf32, #tpu.memory_space<vmem>>
        %dma_start3A_1318 = arith.constant 0 : i32
        %dma_start3A_1319 = tpu.memref_slice %arg5[%add3A_1310, %dma_start3A_1318] : memref<128x50xi32, #tpu.memory_space<vmem>> -> memref<1x50xi32, #tpu.memory_space<vmem>>
        %dma_start3A_1320 = tpu.memref_squeeze %dma_start3A_1319 : memref<1x50xi32, #tpu.memory_space<vmem>> -> memref<50xi32, #tpu.memory_space<vmem>>
        %dma_start3A_1321 = arith.constant 0 : i32
        %dma_start3A_1322 = arith.constant 0 : i32
        %dma_start3A_1323 = tpu.memref_slice %arg3[%dma_start3A_1321, %dma_start3A_1322] : memref<100000x64xf32, #tpu.memory_space<hbm>> -> memref<100000x64xf32, #tpu.memory_space<hbm>>
        %dma_start3A_1324 = tpu.memref_slice %arg7[%dma_start3A_1313] : memref<4x!tpu.dma_semaphore, #tpu.memory_space<semaphore_mem>> -> memref<1x!tpu.dma_semaphore, #tpu.memory_space<semaphore_mem>>
        %dma_start3A_1325 = tpu.memref_squeeze %dma_start3A_1324 : memref<1x!tpu.dma_semaphore, #tpu.memory_space<semaphore_mem>> -> memref<!tpu.dma_semaphore, #tpu.memory_space<semaphore_mem>>
        tpu.enqueue_indirect_dma source(%dma_start3A_1323 : memref<100000x64xf32, #tpu.memory_space<hbm>>) target(%dma_start3A_1317 : memref<50x64xf32, #tpu.memory_space<vmem>>) offsets(%dma_start3A_1320 : memref<50xi32, #tpu.memory_space<vmem>>) semaphore(%dma_start3A_1325 : memref<!tpu.dma_semaphore, #tpu.memory_space<semaphore_mem>>)
        %mul3A_1326 = arith.constant 8 : i32
        %mul3A_1327 = arith.muli %add3A_1045, %mul3A_1326 : i32
        %add3A_1328 = arith.constant 5 : i32
        %add3A_1329 = arith.addi %mul3A_1327, %add3A_1328 : i32
        %dma_start3A_1330 = arith.constant 2 : i32
        %dma_start3A_1331 = arith.constant 5 : i32
        %dma_start3A_1332 = arith.constant 2 : i32
        %dma_start3A_1333 = arith.constant 0 : i32
        %dma_start3A_1334 = arith.constant 0 : i32
        %dma_start3A_1335 = tpu.memref_slice %arg6[%dma_start3A_1330, %dma_start3A_1331, %dma_start3A_1333, %dma_start3A_1334] : memref<4x8x56x64xf32, #tpu.memory_space<vmem>> -> memref<1x1x50x64xf32, #tpu.memory_space<vmem>>
        %dma_start3A_1336 = tpu.memref_squeeze %dma_start3A_1335 : memref<1x1x50x64xf32, #tpu.memory_space<vmem>> -> memref<50x64xf32, #tpu.memory_space<vmem>>
        %dma_start3A_1337 = arith.constant 0 : i32
        %dma_start3A_1338 = tpu.memref_slice %arg5[%add3A_1329, %dma_start3A_1337] : memref<128x50xi32, #tpu.memory_space<vmem>> -> memref<1x50xi32, #tpu.memory_space<vmem>>
        %dma_start3A_1339 = tpu.memref_squeeze %dma_start3A_1338 : memref<1x50xi32, #tpu.memory_space<vmem>> -> memref<50xi32, #tpu.memory_space<vmem>>
        %dma_start3A_1340 = arith.constant 0 : i32
        %dma_start3A_1341 = arith.constant 0 : i32
        %dma_start3A_1342 = tpu.memref_slice %arg3[%dma_start3A_1340, %dma_start3A_1341] : memref<100000x64xf32, #tpu.memory_space<hbm>> -> memref<100000x64xf32, #tpu.memory_space<hbm>>
        %dma_start3A_1343 = tpu.memref_slice %arg7[%dma_start3A_1332] : memref<4x!tpu.dma_semaphore, #tpu.memory_space<semaphore_mem>> -> memref<1x!tpu.dma_semaphore, #tpu.memory_space<semaphore_mem>>
        %dma_start3A_1344 = tpu.memref_squeeze %dma_start3A_1343 : memref<1x!tpu.dma_semaphore, #tpu.memory_space<semaphore_mem>> -> memref<!tpu.dma_semaphore, #tpu.memory_space<semaphore_mem>>
        tpu.enqueue_indirect_dma source(%dma_start3A_1342 : memref<100000x64xf32, #tpu.memory_space<hbm>>) target(%dma_start3A_1336 : memref<50x64xf32, #tpu.memory_space<vmem>>) offsets(%dma_start3A_1339 : memref<50xi32, #tpu.memory_space<vmem>>) semaphore(%dma_start3A_1344 : memref<!tpu.dma_semaphore, #tpu.memory_space<semaphore_mem>>)
        %mul3A_1345 = arith.constant 8 : i32
        %mul3A_1346 = arith.muli %add3A_1045, %mul3A_1345 : i32
        %add3A_1347 = arith.constant 6 : i32
        %add3A_1348 = arith.addi %mul3A_1346, %add3A_1347 : i32
        %dma_start3A_1349 = arith.constant 2 : i32
        %dma_start3A_1350 = arith.constant 6 : i32
        %dma_start3A_1351 = arith.constant 2 : i32
        %dma_start3A_1352 = arith.constant 0 : i32
        %dma_start3A_1353 = arith.constant 0 : i32
        %dma_start3A_1354 = tpu.memref_slice %arg6[%dma_start3A_1349, %dma_start3A_1350, %dma_start3A_1352, %dma_start3A_1353] : memref<4x8x56x64xf32, #tpu.memory_space<vmem>> -> memref<1x1x50x64xf32, #tpu.memory_space<vmem>>
        %dma_start3A_1355 = tpu.memref_squeeze %dma_start3A_1354 : memref<1x1x50x64xf32, #tpu.memory_space<vmem>> -> memref<50x64xf32, #tpu.memory_space<vmem>>
        %dma_start3A_1356 = arith.constant 0 : i32
        %dma_start3A_1357 = tpu.memref_slice %arg5[%add3A_1348, %dma_start3A_1356] : memref<128x50xi32, #tpu.memory_space<vmem>> -> memref<1x50xi32, #tpu.memory_space<vmem>>
        %dma_start3A_1358 = tpu.memref_squeeze %dma_start3A_1357 : memref<1x50xi32, #tpu.memory_space<vmem>> -> memref<50xi32, #tpu.memory_space<vmem>>
        %dma_start3A_1359 = arith.constant 0 : i32
        %dma_start3A_1360 = arith.constant 0 : i32
        %dma_start3A_1361 = tpu.memref_slice %arg3[%dma_start3A_1359, %dma_start3A_1360] : memref<100000x64xf32, #tpu.memory_space<hbm>> -> memref<100000x64xf32, #tpu.memory_space<hbm>>
        %dma_start3A_1362 = tpu.memref_slice %arg7[%dma_start3A_1351] : memref<4x!tpu.dma_semaphore, #tpu.memory_space<semaphore_mem>> -> memref<1x!tpu.dma_semaphore, #tpu.memory_space<semaphore_mem>>
        %dma_start3A_1363 = tpu.memref_squeeze %dma_start3A_1362 : memref<1x!tpu.dma_semaphore, #tpu.memory_space<semaphore_mem>> -> memref<!tpu.dma_semaphore, #tpu.memory_space<semaphore_mem>>
        tpu.enqueue_indirect_dma source(%dma_start3A_1361 : memref<100000x64xf32, #tpu.memory_space<hbm>>) target(%dma_start3A_1355 : memref<50x64xf32, #tpu.memory_space<vmem>>) offsets(%dma_start3A_1358 : memref<50xi32, #tpu.memory_space<vmem>>) semaphore(%dma_start3A_1363 : memref<!tpu.dma_semaphore, #tpu.memory_space<semaphore_mem>>)
        %mul3A_1364 = arith.constant 8 : i32
        %mul3A_1365 = arith.muli %add3A_1045, %mul3A_1364 : i32
        %add3A_1366 = arith.constant 7 : i32
        %add3A_1367 = arith.addi %mul3A_1365, %add3A_1366 : i32
        %dma_start3A_1368 = arith.constant 2 : i32
        %dma_start3A_1369 = arith.constant 7 : i32
        %dma_start3A_1370 = arith.constant 2 : i32
        %dma_start3A_1371 = arith.constant 0 : i32
        %dma_start3A_1372 = arith.constant 0 : i32
        %dma_start3A_1373 = tpu.memref_slice %arg6[%dma_start3A_1368, %dma_start3A_1369, %dma_start3A_1371, %dma_start3A_1372] : memref<4x8x56x64xf32, #tpu.memory_space<vmem>> -> memref<1x1x50x64xf32, #tpu.memory_space<vmem>>
        %dma_start3A_1374 = tpu.memref_squeeze %dma_start3A_1373 : memref<1x1x50x64xf32, #tpu.memory_space<vmem>> -> memref<50x64xf32, #tpu.memory_space<vmem>>
        %dma_start3A_1375 = arith.constant 0 : i32
        %dma_start3A_1376 = tpu.memref_slice %arg5[%add3A_1367, %dma_start3A_1375] : memref<128x50xi32, #tpu.memory_space<vmem>> -> memref<1x50xi32, #tpu.memory_space<vmem>>
        %dma_start3A_1377 = tpu.memref_squeeze %dma_start3A_1376 : memref<1x50xi32, #tpu.memory_space<vmem>> -> memref<50xi32, #tpu.memory_space<vmem>>
        %dma_start3A_1378 = arith.constant 0 : i32
        %dma_start3A_1379 = arith.constant 0 : i32
        %dma_start3A_1380 = tpu.memref_slice %arg3[%dma_start3A_1378, %dma_start3A_1379] : memref<100000x64xf32, #tpu.memory_space<hbm>> -> memref<100000x64xf32, #tpu.memory_space<hbm>>
        %dma_start3A_1381 = tpu.memref_slice %arg7[%dma_start3A_1370] : memref<4x!tpu.dma_semaphore, #tpu.memory_space<semaphore_mem>> -> memref<1x!tpu.dma_semaphore, #tpu.memory_space<semaphore_mem>>
        %dma_start3A_1382 = tpu.memref_squeeze %dma_start3A_1381 : memref<1x!tpu.dma_semaphore, #tpu.memory_space<semaphore_mem>> -> memref<!tpu.dma_semaphore, #tpu.memory_space<semaphore_mem>>
        tpu.enqueue_indirect_dma source(%dma_start3A_1380 : memref<100000x64xf32, #tpu.memory_space<hbm>>) target(%dma_start3A_1374 : memref<50x64xf32, #tpu.memory_space<vmem>>) offsets(%dma_start3A_1377 : memref<50xi32, #tpu.memory_space<vmem>>) semaphore(%dma_start3A_1382 : memref<!tpu.dma_semaphore, #tpu.memory_space<semaphore_mem>>)
      } else {
      }
      %mul3A_1051 = arith.constant 8 : i32
      %mul3A_1052 = arith.muli %add3A_1043, %mul3A_1051 : i32
      %add3A_1053 = arith.constant 0 : i32
      %add3A_1054 = arith.addi %mul3A_1052, %add3A_1053 : i32
      %dma_wait3A_1055 = arith.constant 3 : i32
      %dma_wait3A_1056 = arith.constant 0 : i32
      %dma_wait3A_1057 = arith.constant 3 : i32
      %dma_wait3A_1058 = arith.constant 0 : i32
      %dma_wait3A_1059 = arith.constant 0 : i32
      %dma_wait3A_1060 = tpu.memref_slice %arg6[%dma_wait3A_1055, %dma_wait3A_1056, %dma_wait3A_1058, %dma_wait3A_1059] : memref<4x8x56x64xf32, #tpu.memory_space<vmem>> -> memref<1x1x50x64xf32, #tpu.memory_space<vmem>>
      %dma_wait3A_1061 = tpu.memref_squeeze %dma_wait3A_1060 : memref<1x1x50x64xf32, #tpu.memory_space<vmem>> -> memref<50x64xf32, #tpu.memory_space<vmem>>
      %dma_wait3A_1062 = arith.constant 0 : i32
      %dma_wait3A_1063 = tpu.memref_slice %arg5[%add3A_1054, %dma_wait3A_1062] : memref<128x50xi32, #tpu.memory_space<vmem>> -> memref<1x50xi32, #tpu.memory_space<vmem>>
      %dma_wait3A_1064 = tpu.memref_squeeze %dma_wait3A_1063 : memref<1x50xi32, #tpu.memory_space<vmem>> -> memref<50xi32, #tpu.memory_space<vmem>>
      %dma_wait3A_1065 = arith.constant 0 : i32
      %dma_wait3A_1066 = arith.constant 0 : i32
      %dma_wait3A_1067 = tpu.memref_slice %arg3[%dma_wait3A_1065, %dma_wait3A_1066] : memref<100000x64xf32, #tpu.memory_space<hbm>> -> memref<100000x64xf32, #tpu.memory_space<hbm>>
      %dma_wait3A_1068 = tpu.memref_slice %arg7[%dma_wait3A_1057] : memref<4x!tpu.dma_semaphore, #tpu.memory_space<semaphore_mem>> -> memref<1x!tpu.dma_semaphore, #tpu.memory_space<semaphore_mem>>
      %dma_wait3A_1069 = tpu.memref_squeeze %dma_wait3A_1068 : memref<1x!tpu.dma_semaphore, #tpu.memory_space<semaphore_mem>> -> memref<!tpu.dma_semaphore, #tpu.memory_space<semaphore_mem>>
      tpu.wait_indirect_dma semaphore(%dma_wait3A_1069 : memref<!tpu.dma_semaphore, #tpu.memory_space<semaphore_mem>>) src(%dma_wait3A_1067 : memref<100000x64xf32, #tpu.memory_space<hbm>>) dst(%dma_wait3A_1061 : memref<50x64xf32, #tpu.memory_space<vmem>>)
      %mul3A_1070 = arith.constant 8 : i32
      %mul3A_1071 = arith.muli %add3A_1043, %mul3A_1070 : i32
      %add3A_1072 = arith.constant 1 : i32
      %add3A_1073 = arith.addi %mul3A_1071, %add3A_1072 : i32
      %dma_wait3A_1074 = arith.constant 3 : i32
      %dma_wait3A_1075 = arith.constant 1 : i32
      %dma_wait3A_1076 = arith.constant 3 : i32
      %dma_wait3A_1077 = arith.constant 0 : i32
      %dma_wait3A_1078 = arith.constant 0 : i32
      %dma_wait3A_1079 = tpu.memref_slice %arg6[%dma_wait3A_1074, %dma_wait3A_1075, %dma_wait3A_1077, %dma_wait3A_1078] : memref<4x8x56x64xf32, #tpu.memory_space<vmem>> -> memref<1x1x50x64xf32, #tpu.memory_space<vmem>>
      %dma_wait3A_1080 = tpu.memref_squeeze %dma_wait3A_1079 : memref<1x1x50x64xf32, #tpu.memory_space<vmem>> -> memref<50x64xf32, #tpu.memory_space<vmem>>
      %dma_wait3A_1081 = arith.constant 0 : i32
      %dma_wait3A_1082 = tpu.memref_slice %arg5[%add3A_1073, %dma_wait3A_1081] : memref<128x50xi32, #tpu.memory_space<vmem>> -> memref<1x50xi32, #tpu.memory_space<vmem>>
      %dma_wait3A_1083 = tpu.memref_squeeze %dma_wait3A_1082 : memref<1x50xi32, #tpu.memory_space<vmem>> -> memref<50xi32, #tpu.memory_space<vmem>>
      %dma_wait3A_1084 = arith.constant 0 : i32
      %dma_wait3A_1085 = arith.constant 0 : i32
      %dma_wait3A_1086 = tpu.memref_slice %arg3[%dma_wait3A_1084, %dma_wait3A_1085] : memref<100000x64xf32, #tpu.memory_space<hbm>> -> memref<100000x64xf32, #tpu.memory_space<hbm>>
      %dma_wait3A_1087 = tpu.memref_slice %arg7[%dma_wait3A_1076] : memref<4x!tpu.dma_semaphore, #tpu.memory_space<semaphore_mem>> -> memref<1x!tpu.dma_semaphore, #tpu.memory_space<semaphore_mem>>
      %dma_wait3A_1088 = tpu.memref_squeeze %dma_wait3A_1087 : memref<1x!tpu.dma_semaphore, #tpu.memory_space<semaphore_mem>> -> memref<!tpu.dma_semaphore, #tpu.memory_space<semaphore_mem>>
      tpu.wait_indirect_dma semaphore(%dma_wait3A_1088 : memref<!tpu.dma_semaphore, #tpu.memory_space<semaphore_mem>>) src(%dma_wait3A_1086 : memref<100000x64xf32, #tpu.memory_space<hbm>>) dst(%dma_wait3A_1080 : memref<50x64xf32, #tpu.memory_space<vmem>>)
      %mul3A_1089 = arith.constant 8 : i32
      %mul3A_1090 = arith.muli %add3A_1043, %mul3A_1089 : i32
      %add3A_1091 = arith.constant 2 : i32
      %add3A_1092 = arith.addi %mul3A_1090, %add3A_1091 : i32
      %dma_wait3A_1093 = arith.constant 3 : i32
      %dma_wait3A_1094 = arith.constant 2 : i32
      %dma_wait3A_1095 = arith.constant 3 : i32
      %dma_wait3A_1096 = arith.constant 0 : i32
      %dma_wait3A_1097 = arith.constant 0 : i32
      %dma_wait3A_1098 = tpu.memref_slice %arg6[%dma_wait3A_1093, %dma_wait3A_1094, %dma_wait3A_1096, %dma_wait3A_1097] : memref<4x8x56x64xf32, #tpu.memory_space<vmem>> -> memref<1x1x50x64xf32, #tpu.memory_space<vmem>>
      %dma_wait3A_1099 = tpu.memref_squeeze %dma_wait3A_1098 : memref<1x1x50x64xf32, #tpu.memory_space<vmem>> -> memref<50x64xf32, #tpu.memory_space<vmem>>
      %dma_wait3A_1100 = arith.constant 0 : i32
      %dma_wait3A_1101 = tpu.memref_slice %arg5[%add3A_1092, %dma_wait3A_1100] : memref<128x50xi32, #tpu.memory_space<vmem>> -> memref<1x50xi32, #tpu.memory_space<vmem>>
      %dma_wait3A_1102 = tpu.memref_squeeze %dma_wait3A_1101 : memref<1x50xi32, #tpu.memory_space<vmem>> -> memref<50xi32, #tpu.memory_space<vmem>>
      %dma_wait3A_1103 = arith.constant 0 : i32
      %dma_wait3A_1104 = arith.constant 0 : i32
      %dma_wait3A_1105 = tpu.memref_slice %arg3[%dma_wait3A_1103, %dma_wait3A_1104] : memref<100000x64xf32, #tpu.memory_space<hbm>> -> memref<100000x64xf32, #tpu.memory_space<hbm>>
      %dma_wait3A_1106 = tpu.memref_slice %arg7[%dma_wait3A_1095] : memref<4x!tpu.dma_semaphore, #tpu.memory_space<semaphore_mem>> -> memref<1x!tpu.dma_semaphore, #tpu.memory_space<semaphore_mem>>
      %dma_wait3A_1107 = tpu.memref_squeeze %dma_wait3A_1106 : memref<1x!tpu.dma_semaphore, #tpu.memory_space<semaphore_mem>> -> memref<!tpu.dma_semaphore, #tpu.memory_space<semaphore_mem>>
      tpu.wait_indirect_dma semaphore(%dma_wait3A_1107 : memref<!tpu.dma_semaphore, #tpu.memory_space<semaphore_mem>>) src(%dma_wait3A_1105 : memref<100000x64xf32, #tpu.memory_space<hbm>>) dst(%dma_wait3A_1099 : memref<50x64xf32, #tpu.memory_space<vmem>>)
      %mul3A_1108 = arith.constant 8 : i32
      %mul3A_1109 = arith.muli %add3A_1043, %mul3A_1108 : i32
      %add3A_1110 = arith.constant 3 : i32
      %add3A_1111 = arith.addi %mul3A_1109, %add3A_1110 : i32
      %dma_wait3A_1112 = arith.constant 3 : i32
      %dma_wait3A_1113 = arith.constant 3 : i32
      %dma_wait3A_1114 = arith.constant 3 : i32
      %dma_wait3A_1115 = arith.constant 0 : i32
      %dma_wait3A_1116 = arith.constant 0 : i32
      %dma_wait3A_1117 = tpu.memref_slice %arg6[%dma_wait3A_1112, %dma_wait3A_1113, %dma_wait3A_1115, %dma_wait3A_1116] : memref<4x8x56x64xf32, #tpu.memory_space<vmem>> -> memref<1x1x50x64xf32, #tpu.memory_space<vmem>>
      %dma_wait3A_1118 = tpu.memref_squeeze %dma_wait3A_1117 : memref<1x1x50x64xf32, #tpu.memory_space<vmem>> -> memref<50x64xf32, #tpu.memory_space<vmem>>
      %dma_wait3A_1119 = arith.constant 0 : i32
      %dma_wait3A_1120 = tpu.memref_slice %arg5[%add3A_1111, %dma_wait3A_1119] : memref<128x50xi32, #tpu.memory_space<vmem>> -> memref<1x50xi32, #tpu.memory_space<vmem>>
      %dma_wait3A_1121 = tpu.memref_squeeze %dma_wait3A_1120 : memref<1x50xi32, #tpu.memory_space<vmem>> -> memref<50xi32, #tpu.memory_space<vmem>>
      %dma_wait3A_1122 = arith.constant 0 : i32
      %dma_wait3A_1123 = arith.constant 0 : i32
      %dma_wait3A_1124 = tpu.memref_slice %arg3[%dma_wait3A_1122, %dma_wait3A_1123] : memref<100000x64xf32, #tpu.memory_space<hbm>> -> memref<100000x64xf32, #tpu.memory_space<hbm>>
      %dma_wait3A_1125 = tpu.memref_slice %arg7[%dma_wait3A_1114] : memref<4x!tpu.dma_semaphore, #tpu.memory_space<semaphore_mem>> -> memref<1x!tpu.dma_semaphore, #tpu.memory_space<semaphore_mem>>
      %dma_wait3A_1126 = tpu.memref_squeeze %dma_wait3A_1125 : memref<1x!tpu.dma_semaphore, #tpu.memory_space<semaphore_mem>> -> memref<!tpu.dma_semaphore, #tpu.memory_space<semaphore_mem>>
      tpu.wait_indirect_dma semaphore(%dma_wait3A_1126 : memref<!tpu.dma_semaphore, #tpu.memory_space<semaphore_mem>>) src(%dma_wait3A_1124 : memref<100000x64xf32, #tpu.memory_space<hbm>>) dst(%dma_wait3A_1118 : memref<50x64xf32, #tpu.memory_space<vmem>>)
      %mul3A_1127 = arith.constant 8 : i32
      %mul3A_1128 = arith.muli %add3A_1043, %mul3A_1127 : i32
      %add3A_1129 = arith.constant 4 : i32
      %add3A_1130 = arith.addi %mul3A_1128, %add3A_1129 : i32
      %dma_wait3A_1131 = arith.constant 3 : i32
      %dma_wait3A_1132 = arith.constant 4 : i32
      %dma_wait3A_1133 = arith.constant 3 : i32
      %dma_wait3A_1134 = arith.constant 0 : i32
      %dma_wait3A_1135 = arith.constant 0 : i32
      %dma_wait3A_1136 = tpu.memref_slice %arg6[%dma_wait3A_1131, %dma_wait3A_1132, %dma_wait3A_1134, %dma_wait3A_1135] : memref<4x8x56x64xf32, #tpu.memory_space<vmem>> -> memref<1x1x50x64xf32, #tpu.memory_space<vmem>>
      %dma_wait3A_1137 = tpu.memref_squeeze %dma_wait3A_1136 : memref<1x1x50x64xf32, #tpu.memory_space<vmem>> -> memref<50x64xf32, #tpu.memory_space<vmem>>
      %dma_wait3A_1138 = arith.constant 0 : i32
      %dma_wait3A_1139 = tpu.memref_slice %arg5[%add3A_1130, %dma_wait3A_1138] : memref<128x50xi32, #tpu.memory_space<vmem>> -> memref<1x50xi32, #tpu.memory_space<vmem>>
      %dma_wait3A_1140 = tpu.memref_squeeze %dma_wait3A_1139 : memref<1x50xi32, #tpu.memory_space<vmem>> -> memref<50xi32, #tpu.memory_space<vmem>>
      %dma_wait3A_1141 = arith.constant 0 : i32
      %dma_wait3A_1142 = arith.constant 0 : i32
      %dma_wait3A_1143 = tpu.memref_slice %arg3[%dma_wait3A_1141, %dma_wait3A_1142] : memref<100000x64xf32, #tpu.memory_space<hbm>> -> memref<100000x64xf32, #tpu.memory_space<hbm>>
      %dma_wait3A_1144 = tpu.memref_slice %arg7[%dma_wait3A_1133] : memref<4x!tpu.dma_semaphore, #tpu.memory_space<semaphore_mem>> -> memref<1x!tpu.dma_semaphore, #tpu.memory_space<semaphore_mem>>
      %dma_wait3A_1145 = tpu.memref_squeeze %dma_wait3A_1144 : memref<1x!tpu.dma_semaphore, #tpu.memory_space<semaphore_mem>> -> memref<!tpu.dma_semaphore, #tpu.memory_space<semaphore_mem>>
      tpu.wait_indirect_dma semaphore(%dma_wait3A_1145 : memref<!tpu.dma_semaphore, #tpu.memory_space<semaphore_mem>>) src(%dma_wait3A_1143 : memref<100000x64xf32, #tpu.memory_space<hbm>>) dst(%dma_wait3A_1137 : memref<50x64xf32, #tpu.memory_space<vmem>>)
      %mul3A_1146 = arith.constant 8 : i32
      %mul3A_1147 = arith.muli %add3A_1043, %mul3A_1146 : i32
      %add3A_1148 = arith.constant 5 : i32
      %add3A_1149 = arith.addi %mul3A_1147, %add3A_1148 : i32
      %dma_wait3A_1150 = arith.constant 3 : i32
      %dma_wait3A_1151 = arith.constant 5 : i32
      %dma_wait3A_1152 = arith.constant 3 : i32
      %dma_wait3A_1153 = arith.constant 0 : i32
      %dma_wait3A_1154 = arith.constant 0 : i32
      %dma_wait3A_1155 = tpu.memref_slice %arg6[%dma_wait3A_1150, %dma_wait3A_1151, %dma_wait3A_1153, %dma_wait3A_1154] : memref<4x8x56x64xf32, #tpu.memory_space<vmem>> -> memref<1x1x50x64xf32, #tpu.memory_space<vmem>>
      %dma_wait3A_1156 = tpu.memref_squeeze %dma_wait3A_1155 : memref<1x1x50x64xf32, #tpu.memory_space<vmem>> -> memref<50x64xf32, #tpu.memory_space<vmem>>
      %dma_wait3A_1157 = arith.constant 0 : i32
      %dma_wait3A_1158 = tpu.memref_slice %arg5[%add3A_1149, %dma_wait3A_1157] : memref<128x50xi32, #tpu.memory_space<vmem>> -> memref<1x50xi32, #tpu.memory_space<vmem>>
      %dma_wait3A_1159 = tpu.memref_squeeze %dma_wait3A_1158 : memref<1x50xi32, #tpu.memory_space<vmem>> -> memref<50xi32, #tpu.memory_space<vmem>>
      %dma_wait3A_1160 = arith.constant 0 : i32
      %dma_wait3A_1161 = arith.constant 0 : i32
      %dma_wait3A_1162 = tpu.memref_slice %arg3[%dma_wait3A_1160, %dma_wait3A_1161] : memref<100000x64xf32, #tpu.memory_space<hbm>> -> memref<100000x64xf32, #tpu.memory_space<hbm>>
      %dma_wait3A_1163 = tpu.memref_slice %arg7[%dma_wait3A_1152] : memref<4x!tpu.dma_semaphore, #tpu.memory_space<semaphore_mem>> -> memref<1x!tpu.dma_semaphore, #tpu.memory_space<semaphore_mem>>
      %dma_wait3A_1164 = tpu.memref_squeeze %dma_wait3A_1163 : memref<1x!tpu.dma_semaphore, #tpu.memory_space<semaphore_mem>> -> memref<!tpu.dma_semaphore, #tpu.memory_space<semaphore_mem>>
      tpu.wait_indirect_dma semaphore(%dma_wait3A_1164 : memref<!tpu.dma_semaphore, #tpu.memory_space<semaphore_mem>>) src(%dma_wait3A_1162 : memref<100000x64xf32, #tpu.memory_space<hbm>>) dst(%dma_wait3A_1156 : memref<50x64xf32, #tpu.memory_space<vmem>>)
      %mul3A_1165 = arith.constant 8 : i32
      %mul3A_1166 = arith.muli %add3A_1043, %mul3A_1165 : i32
      %add3A_1167 = arith.constant 6 : i32
      %add3A_1168 = arith.addi %mul3A_1166, %add3A_1167 : i32
      %dma_wait3A_1169 = arith.constant 3 : i32
      %dma_wait3A_1170 = arith.constant 6 : i32
      %dma_wait3A_1171 = arith.constant 3 : i32
      %dma_wait3A_1172 = arith.constant 0 : i32
      %dma_wait3A_1173 = arith.constant 0 : i32
      %dma_wait3A_1174 = tpu.memref_slice %arg6[%dma_wait3A_1169, %dma_wait3A_1170, %dma_wait3A_1172, %dma_wait3A_1173] : memref<4x8x56x64xf32, #tpu.memory_space<vmem>> -> memref<1x1x50x64xf32, #tpu.memory_space<vmem>>
      %dma_wait3A_1175 = tpu.memref_squeeze %dma_wait3A_1174 : memref<1x1x50x64xf32, #tpu.memory_space<vmem>> -> memref<50x64xf32, #tpu.memory_space<vmem>>
      %dma_wait3A_1176 = arith.constant 0 : i32
      %dma_wait3A_1177 = tpu.memref_slice %arg5[%add3A_1168, %dma_wait3A_1176] : memref<128x50xi32, #tpu.memory_space<vmem>> -> memref<1x50xi32, #tpu.memory_space<vmem>>
      %dma_wait3A_1178 = tpu.memref_squeeze %dma_wait3A_1177 : memref<1x50xi32, #tpu.memory_space<vmem>> -> memref<50xi32, #tpu.memory_space<vmem>>
      %dma_wait3A_1179 = arith.constant 0 : i32
      %dma_wait3A_1180 = arith.constant 0 : i32
      %dma_wait3A_1181 = tpu.memref_slice %arg3[%dma_wait3A_1179, %dma_wait3A_1180] : memref<100000x64xf32, #tpu.memory_space<hbm>> -> memref<100000x64xf32, #tpu.memory_space<hbm>>
      %dma_wait3A_1182 = tpu.memref_slice %arg7[%dma_wait3A_1171] : memref<4x!tpu.dma_semaphore, #tpu.memory_space<semaphore_mem>> -> memref<1x!tpu.dma_semaphore, #tpu.memory_space<semaphore_mem>>
      %dma_wait3A_1183 = tpu.memref_squeeze %dma_wait3A_1182 : memref<1x!tpu.dma_semaphore, #tpu.memory_space<semaphore_mem>> -> memref<!tpu.dma_semaphore, #tpu.memory_space<semaphore_mem>>
      tpu.wait_indirect_dma semaphore(%dma_wait3A_1183 : memref<!tpu.dma_semaphore, #tpu.memory_space<semaphore_mem>>) src(%dma_wait3A_1181 : memref<100000x64xf32, #tpu.memory_space<hbm>>) dst(%dma_wait3A_1175 : memref<50x64xf32, #tpu.memory_space<vmem>>)
      %mul3A_1184 = arith.constant 8 : i32
      %mul3A_1185 = arith.muli %add3A_1043, %mul3A_1184 : i32
      %add3A_1186 = arith.constant 7 : i32
      %add3A_1187 = arith.addi %mul3A_1185, %add3A_1186 : i32
      %dma_wait3A_1188 = arith.constant 3 : i32
      %dma_wait3A_1189 = arith.constant 7 : i32
      %dma_wait3A_1190 = arith.constant 3 : i32
      %dma_wait3A_1191 = arith.constant 0 : i32
      %dma_wait3A_1192 = arith.constant 0 : i32
      %dma_wait3A_1193 = tpu.memref_slice %arg6[%dma_wait3A_1188, %dma_wait3A_1189, %dma_wait3A_1191, %dma_wait3A_1192] : memref<4x8x56x64xf32, #tpu.memory_space<vmem>> -> memref<1x1x50x64xf32, #tpu.memory_space<vmem>>
      %dma_wait3A_1194 = tpu.memref_squeeze %dma_wait3A_1193 : memref<1x1x50x64xf32, #tpu.memory_space<vmem>> -> memref<50x64xf32, #tpu.memory_space<vmem>>
      %dma_wait3A_1195 = arith.constant 0 : i32
      %dma_wait3A_1196 = tpu.memref_slice %arg5[%add3A_1187, %dma_wait3A_1195] : memref<128x50xi32, #tpu.memory_space<vmem>> -> memref<1x50xi32, #tpu.memory_space<vmem>>
      %dma_wait3A_1197 = tpu.memref_squeeze %dma_wait3A_1196 : memref<1x50xi32, #tpu.memory_space<vmem>> -> memref<50xi32, #tpu.memory_space<vmem>>
      %dma_wait3A_1198 = arith.constant 0 : i32
      %dma_wait3A_1199 = arith.constant 0 : i32
      %dma_wait3A_1200 = tpu.memref_slice %arg3[%dma_wait3A_1198, %dma_wait3A_1199] : memref<100000x64xf32, #tpu.memory_space<hbm>> -> memref<100000x64xf32, #tpu.memory_space<hbm>>
      %dma_wait3A_1201 = tpu.memref_slice %arg7[%dma_wait3A_1190] : memref<4x!tpu.dma_semaphore, #tpu.memory_space<semaphore_mem>> -> memref<1x!tpu.dma_semaphore, #tpu.memory_space<semaphore_mem>>
      %dma_wait3A_1202 = tpu.memref_squeeze %dma_wait3A_1201 : memref<1x!tpu.dma_semaphore, #tpu.memory_space<semaphore_mem>> -> memref<!tpu.dma_semaphore, #tpu.memory_space<semaphore_mem>>
      tpu.wait_indirect_dma semaphore(%dma_wait3A_1202 : memref<!tpu.dma_semaphore, #tpu.memory_space<semaphore_mem>>) src(%dma_wait3A_1200 : memref<100000x64xf32, #tpu.memory_space<hbm>>) dst(%dma_wait3A_1194 : memref<50x64xf32, #tpu.memory_space<vmem>>)
      %mul3A_1203 = arith.constant 8 : i32
      %mul3A_1204 = arith.muli %add3A_1043, %mul3A_1203 : i32
      %add3A_1205 = arith.addi %mul3A_2, %mul3A_1204 : i32
      %multiple_of3A_1206 = tpu.assume_multiple %add3A_1205, 8 : i32
      %dma_start3A_1207 = arith.constant 3 : i32
      %dma_start3A_1208 = arith.constant 3 : i32
      %dma_start3A_1209 = arith.constant 0 : i32
      %dma_start3A_1210 = arith.constant 0 : i32
      %dma_start3A_1211 = arith.constant 0 : i32
      %dma_start3A_1212 = tpu.memref_slice %arg6[%dma_start3A_1207, %dma_start3A_1209, %dma_start3A_1210, %dma_start3A_1211] : memref<4x8x56x64xf32, #tpu.memory_space<vmem>> -> memref<1x8x56x64xf32, #tpu.memory_space<vmem>>
      %dma_start3A_1213 = tpu.memref_squeeze %dma_start3A_1212 : memref<1x8x56x64xf32, #tpu.memory_space<vmem>> -> memref<8x56x64xf32, #tpu.memory_space<vmem>>
      %dma_start3A_1214 = arith.constant 0 : i32
      %dma_start3A_1215 = arith.constant 0 : i32
      %dma_start3A_1216 = tpu.memref_slice %arg4[%multiple_of3A_1206, %dma_start3A_1214, %dma_start3A_1215] : memref<4096x56x128xf32, #tpu.memory_space<hbm>> -> memref<8x56x64xf32, #tpu.memory_space<hbm>>
      %dma_start3A_1217 = tpu.memref_slice %arg8[%dma_start3A_1208] : memref<4x!tpu.dma_semaphore, #tpu.memory_space<semaphore_mem>> -> memref<1x!tpu.dma_semaphore, #tpu.memory_space<semaphore_mem>>
      %dma_start3A_1218 = tpu.memref_squeeze %dma_start3A_1217 : memref<1x!tpu.dma_semaphore, #tpu.memory_space<semaphore_mem>> -> memref<!tpu.dma_semaphore, #tpu.memory_space<semaphore_mem>>
      %dma_start3A_1219 = arith.constant 0 : i32
      %dma_start3A_1220 = arith.constant 0 : i32
      %dma_start3A_1221 = tpu.memref_slice %arg4[%multiple_of3A_1206, %dma_start3A_1219, %dma_start3A_1220] : memref<4096x56x128xf32, #tpu.memory_space<hbm>> -> memref<8x56x64xf32, #tpu.memory_space<hbm>>
      %dma_start3A_1222 = arith.constant 0 : i32
      %dma_start3A_1223 = arith.constant 0 : i32
      %dma_start3A_1224 = arith.constant 0 : i32
      %dma_start3A_1225 = tpu.memref_slice %arg6[%dma_start3A_1207, %dma_start3A_1222, %dma_start3A_1223, %dma_start3A_1224] : memref<4x8x56x64xf32, #tpu.memory_space<vmem>> -> memref<1x8x56x64xf32, #tpu.memory_space<vmem>>
      %dma_start3A_1226 = tpu.memref_squeeze %dma_start3A_1225 : memref<1x8x56x64xf32, #tpu.memory_space<vmem>> -> memref<8x56x64xf32, #tpu.memory_space<vmem>>
      tpu.enqueue_dma source(%dma_start3A_1226 : memref<8x56x64xf32, #tpu.memory_space<vmem>>) target(%dma_start3A_1221 : memref<8x56x64xf32, #tpu.memory_space<hbm>>) target_semaphore(%dma_start3A_1218 : memref<!tpu.dma_semaphore, #tpu.memory_space<semaphore_mem>>)
    }
    %scan3A_390 = arith.constant 4 : i32
    %add3A_391 = arith.constant 96 : i32
    %add3A_392 = arith.addi %mul3A_2, %add3A_391 : i32
    %multiple_of3A = tpu.assume_multiple %add3A_392, 8 : i32
    %dma_wait3A = arith.constant 0 : i32
    %dma_wait3A_393 = arith.constant 0 : i32
    %dma_wait3A_394 = arith.constant 0 : i32
    %dma_wait3A_395 = arith.constant 0 : i32
    %dma_wait3A_396 = arith.constant 0 : i32
    %dma_wait3A_397 = tpu.memref_slice %arg6[%dma_wait3A, %dma_wait3A_394, %dma_wait3A_395, %dma_wait3A_396] : memref<4x8x56x64xf32, #tpu.memory_space<vmem>> -> memref<1x8x56x64xf32, #tpu.memory_space<vmem>>
    %dma_wait3A_398 = tpu.memref_squeeze %dma_wait3A_397 : memref<1x8x56x64xf32, #tpu.memory_space<vmem>> -> memref<8x56x64xf32, #tpu.memory_space<vmem>>
    %dma_wait3A_399 = arith.constant 0 : i32
    %dma_wait3A_400 = arith.constant 0 : i32
    %dma_wait3A_401 = tpu.memref_slice %arg4[%multiple_of3A, %dma_wait3A_399, %dma_wait3A_400] : memref<4096x56x128xf32, #tpu.memory_space<hbm>> -> memref<8x56x64xf32, #tpu.memory_space<hbm>>
    %dma_wait3A_402 = tpu.memref_slice %arg8[%dma_wait3A_393] : memref<4x!tpu.dma_semaphore, #tpu.memory_space<semaphore_mem>> -> memref<1x!tpu.dma_semaphore, #tpu.memory_space<semaphore_mem>>
    %dma_wait3A_403 = tpu.memref_squeeze %dma_wait3A_402 : memref<1x!tpu.dma_semaphore, #tpu.memory_space<semaphore_mem>> -> memref<!tpu.dma_semaphore, #tpu.memory_space<semaphore_mem>>
    %dma_wait3A_404 = arith.constant 0 : i32
    %dma_wait3A_405 = arith.constant 0 : i32
    %dma_wait3A_406 = tpu.memref_slice %arg4[%multiple_of3A, %dma_wait3A_404, %dma_wait3A_405] : memref<4096x56x128xf32, #tpu.memory_space<hbm>> -> memref<8x56x64xf32, #tpu.memory_space<hbm>>
    %dma_wait3A_407 = arith.constant 0 : i32
    %dma_wait3A_408 = arith.constant 0 : i32
    %dma_wait3A_409 = arith.constant 0 : i32
    %dma_wait3A_410 = tpu.memref_slice %arg6[%dma_wait3A, %dma_wait3A_407, %dma_wait3A_408, %dma_wait3A_409] : memref<4x8x56x64xf32, #tpu.memory_space<vmem>> -> memref<1x8x56x64xf32, #tpu.memory_space<vmem>>
    %dma_wait3A_411 = tpu.memref_squeeze %dma_wait3A_410 : memref<1x8x56x64xf32, #tpu.memory_space<vmem>> -> memref<8x56x64xf32, #tpu.memory_space<vmem>>
    tpu.wait_dma2 semaphore(%dma_wait3A_403 : memref<!tpu.dma_semaphore, #tpu.memory_space<semaphore_mem>>) src(%dma_wait3A_411 : memref<8x56x64xf32, #tpu.memory_space<vmem>>) dst(%dma_wait3A_406 : memref<8x56x64xf32, #tpu.memory_space<hbm>>)
    %add3A_412 = arith.constant 104 : i32
    %add3A_413 = arith.addi %mul3A_2, %add3A_412 : i32
    %multiple_of3A_414 = tpu.assume_multiple %add3A_413, 8 : i32
    %dma_wait3A_415 = arith.constant 1 : i32
    %dma_wait3A_416 = arith.constant 1 : i32
    %dma_wait3A_417 = arith.constant 0 : i32
    %dma_wait3A_418 = arith.constant 0 : i32
    %dma_wait3A_419 = arith.constant 0 : i32
    %dma_wait3A_420 = tpu.memref_slice %arg6[%dma_wait3A_415, %dma_wait3A_417, %dma_wait3A_418, %dma_wait3A_419] : memref<4x8x56x64xf32, #tpu.memory_space<vmem>> -> memref<1x8x56x64xf32, #tpu.memory_space<vmem>>
    %dma_wait3A_421 = tpu.memref_squeeze %dma_wait3A_420 : memref<1x8x56x64xf32, #tpu.memory_space<vmem>> -> memref<8x56x64xf32, #tpu.memory_space<vmem>>
    %dma_wait3A_422 = arith.constant 0 : i32
    %dma_wait3A_423 = arith.constant 0 : i32
    %dma_wait3A_424 = tpu.memref_slice %arg4[%multiple_of3A_414, %dma_wait3A_422, %dma_wait3A_423] : memref<4096x56x128xf32, #tpu.memory_space<hbm>> -> memref<8x56x64xf32, #tpu.memory_space<hbm>>
    %dma_wait3A_425 = tpu.memref_slice %arg8[%dma_wait3A_416] : memref<4x!tpu.dma_semaphore, #tpu.memory_space<semaphore_mem>> -> memref<1x!tpu.dma_semaphore, #tpu.memory_space<semaphore_mem>>
    %dma_wait3A_426 = tpu.memref_squeeze %dma_wait3A_425 : memref<1x!tpu.dma_semaphore, #tpu.memory_space<semaphore_mem>> -> memref<!tpu.dma_semaphore, #tpu.memory_space<semaphore_mem>>
    %dma_wait3A_427 = arith.constant 0 : i32
    %dma_wait3A_428 = arith.constant 0 : i32
    %dma_wait3A_429 = tpu.memref_slice %arg4[%multiple_of3A_414, %dma_wait3A_427, %dma_wait3A_428] : memref<4096x56x128xf32, #tpu.memory_space<hbm>> -> memref<8x56x64xf32, #tpu.memory_space<hbm>>
    %dma_wait3A_430 = arith.constant 0 : i32
    %dma_wait3A_431 = arith.constant 0 : i32
    %dma_wait3A_432 = arith.constant 0 : i32
    %dma_wait3A_433 = tpu.memref_slice %arg6[%dma_wait3A_415, %dma_wait3A_430, %dma_wait3A_431, %dma_wait3A_432] : memref<4x8x56x64xf32, #tpu.memory_space<vmem>> -> memref<1x8x56x64xf32, #tpu.memory_space<vmem>>
    %dma_wait3A_434 = tpu.memref_squeeze %dma_wait3A_433 : memref<1x8x56x64xf32, #tpu.memory_space<vmem>> -> memref<8x56x64xf32, #tpu.memory_space<vmem>>
    tpu.wait_dma2 semaphore(%dma_wait3A_426 : memref<!tpu.dma_semaphore, #tpu.memory_space<semaphore_mem>>) src(%dma_wait3A_434 : memref<8x56x64xf32, #tpu.memory_space<vmem>>) dst(%dma_wait3A_429 : memref<8x56x64xf32, #tpu.memory_space<hbm>>)
    %add3A_435 = arith.constant 112 : i32
    %add3A_436 = arith.addi %mul3A_2, %add3A_435 : i32
    %multiple_of3A_437 = tpu.assume_multiple %add3A_436, 8 : i32
    %dma_wait3A_438 = arith.constant 2 : i32
    %dma_wait3A_439 = arith.constant 2 : i32
    %dma_wait3A_440 = arith.constant 0 : i32
    %dma_wait3A_441 = arith.constant 0 : i32
    %dma_wait3A_442 = arith.constant 0 : i32
    %dma_wait3A_443 = tpu.memref_slice %arg6[%dma_wait3A_438, %dma_wait3A_440, %dma_wait3A_441, %dma_wait3A_442] : memref<4x8x56x64xf32, #tpu.memory_space<vmem>> -> memref<1x8x56x64xf32, #tpu.memory_space<vmem>>
    %dma_wait3A_444 = tpu.memref_squeeze %dma_wait3A_443 : memref<1x8x56x64xf32, #tpu.memory_space<vmem>> -> memref<8x56x64xf32, #tpu.memory_space<vmem>>
    %dma_wait3A_445 = arith.constant 0 : i32
    %dma_wait3A_446 = arith.constant 0 : i32
    %dma_wait3A_447 = tpu.memref_slice %arg4[%multiple_of3A_437, %dma_wait3A_445, %dma_wait3A_446] : memref<4096x56x128xf32, #tpu.memory_space<hbm>> -> memref<8x56x64xf32, #tpu.memory_space<hbm>>
    %dma_wait3A_448 = tpu.memref_slice %arg8[%dma_wait3A_439] : memref<4x!tpu.dma_semaphore, #tpu.memory_space<semaphore_mem>> -> memref<1x!tpu.dma_semaphore, #tpu.memory_space<semaphore_mem>>
    %dma_wait3A_449 = tpu.memref_squeeze %dma_wait3A_448 : memref<1x!tpu.dma_semaphore, #tpu.memory_space<semaphore_mem>> -> memref<!tpu.dma_semaphore, #tpu.memory_space<semaphore_mem>>
    %dma_wait3A_450 = arith.constant 0 : i32
    %dma_wait3A_451 = arith.constant 0 : i32
    %dma_wait3A_452 = tpu.memref_slice %arg4[%multiple_of3A_437, %dma_wait3A_450, %dma_wait3A_451] : memref<4096x56x128xf32, #tpu.memory_space<hbm>> -> memref<8x56x64xf32, #tpu.memory_space<hbm>>
    %dma_wait3A_453 = arith.constant 0 : i32
    %dma_wait3A_454 = arith.constant 0 : i32
    %dma_wait3A_455 = arith.constant 0 : i32
    %dma_wait3A_456 = tpu.memref_slice %arg6[%dma_wait3A_438, %dma_wait3A_453, %dma_wait3A_454, %dma_wait3A_455] : memref<4x8x56x64xf32, #tpu.memory_space<vmem>> -> memref<1x8x56x64xf32, #tpu.memory_space<vmem>>
    %dma_wait3A_457 = tpu.memref_squeeze %dma_wait3A_456 : memref<1x8x56x64xf32, #tpu.memory_space<vmem>> -> memref<8x56x64xf32, #tpu.memory_space<vmem>>
    tpu.wait_dma2 semaphore(%dma_wait3A_449 : memref<!tpu.dma_semaphore, #tpu.memory_space<semaphore_mem>>) src(%dma_wait3A_457 : memref<8x56x64xf32, #tpu.memory_space<vmem>>) dst(%dma_wait3A_452 : memref<8x56x64xf32, #tpu.memory_space<hbm>>)
    %add3A_458 = arith.constant 120 : i32
    %add3A_459 = arith.addi %mul3A_2, %add3A_458 : i32
    %multiple_of3A_460 = tpu.assume_multiple %add3A_459, 8 : i32
    %dma_wait3A_461 = arith.constant 3 : i32
    %dma_wait3A_462 = arith.constant 3 : i32
    %dma_wait3A_463 = arith.constant 0 : i32
    %dma_wait3A_464 = arith.constant 0 : i32
    %dma_wait3A_465 = arith.constant 0 : i32
    %dma_wait3A_466 = tpu.memref_slice %arg6[%dma_wait3A_461, %dma_wait3A_463, %dma_wait3A_464, %dma_wait3A_465] : memref<4x8x56x64xf32, #tpu.memory_space<vmem>> -> memref<1x8x56x64xf32, #tpu.memory_space<vmem>>
    %dma_wait3A_467 = tpu.memref_squeeze %dma_wait3A_466 : memref<1x8x56x64xf32, #tpu.memory_space<vmem>> -> memref<8x56x64xf32, #tpu.memory_space<vmem>>
    %dma_wait3A_468 = arith.constant 0 : i32
    %dma_wait3A_469 = arith.constant 0 : i32
    %dma_wait3A_470 = tpu.memref_slice %arg4[%multiple_of3A_460, %dma_wait3A_468, %dma_wait3A_469] : memref<4096x56x128xf32, #tpu.memory_space<hbm>> -> memref<8x56x64xf32, #tpu.memory_space<hbm>>
    %dma_wait3A_471 = tpu.memref_slice %arg8[%dma_wait3A_462] : memref<4x!tpu.dma_semaphore, #tpu.memory_space<semaphore_mem>> -> memref<1x!tpu.dma_semaphore, #tpu.memory_space<semaphore_mem>>
    %dma_wait3A_472 = tpu.memref_squeeze %dma_wait3A_471 : memref<1x!tpu.dma_semaphore, #tpu.memory_space<semaphore_mem>> -> memref<!tpu.dma_semaphore, #tpu.memory_space<semaphore_mem>>
    %dma_wait3A_473 = arith.constant 0 : i32
    %dma_wait3A_474 = arith.constant 0 : i32
    %dma_wait3A_475 = tpu.memref_slice %arg4[%multiple_of3A_460, %dma_wait3A_473, %dma_wait3A_474] : memref<4096x56x128xf32, #tpu.memory_space<hbm>> -> memref<8x56x64xf32, #tpu.memory_space<hbm>>
    %dma_wait3A_476 = arith.constant 0 : i32
    %dma_wait3A_477 = arith.constant 0 : i32
    %dma_wait3A_478 = arith.constant 0 : i32
    %dma_wait3A_479 = tpu.memref_slice %arg6[%dma_wait3A_461, %dma_wait3A_476, %dma_wait3A_477, %dma_wait3A_478] : memref<4x8x56x64xf32, #tpu.memory_space<vmem>> -> memref<1x8x56x64xf32, #tpu.memory_space<vmem>>
    %dma_wait3A_480 = tpu.memref_squeeze %dma_wait3A_479 : memref<1x8x56x64xf32, #tpu.memory_space<vmem>> -> memref<8x56x64xf32, #tpu.memory_space<vmem>>
    tpu.wait_dma2 semaphore(%dma_wait3A_472 : memref<!tpu.dma_semaphore, #tpu.memory_space<semaphore_mem>>) src(%dma_wait3A_480 : memref<8x56x64xf32, #tpu.memory_space<vmem>>) dst(%dma_wait3A_475 : memref<8x56x64xf32, #tpu.memory_space<hbm>>)
    return
  }
}

</mosaic_0001>

<sc_bundles>
// kernel: kernel.3.cloned.1.call-start
scs
__scs_entry_jumppad:
0x0: {  	(pc) =	sbr.rel $0x88, $3  }
0x1: {  	(tag) =	ssettag $0x0;
	lr =	simm.s32 $0x1  }
0x2: {  	[smem:$0x3F9F] =	sst lr;
	_ =	strace $0xD0000000  }
0x3: {  	_ = 	snop  }
0x4: {  	_ = 	snop  }
0x5: {  	_ = 	snop  }
0x6: {  	_ = 	snop  }
0x7: {  	_ = 	snop  }
__scs_overlays_trampoline_lowered:
0x8: {  	[smem:$0x3FAE] =	sst s0  }
0x9: {  	[smem:$0x3FAF] =	sst s1  }
0xa: {  	[smem:$0x3FB0] =	sst s2  }
0xb: {  	[smem:$0x3FB1] =	sst s3  }
0xc: {  	[smem:$0x3FB2] =	sst s4  }
0xd: {  	[smem:$0x3FB3] =	sst s5  }
0xe: {  	[smem:$0x3FB4] =	sst s6  }
0xf: {  	[smem:$0x3FB5] =	sst s7  }
0x10: {  	[smem:$0x3FB6] =	sst s8  }
0x11: {  	[smem:$0x3FB7] =	sst s9;
	s0 =	simm.s32 @!p0 $0x0  }
0x12: {  	s1 =	sld [smem:$0x3F9D];
	s0 =	simm.s32 @p0 $0x1  }
0x13: {  	[smem:$0x3FB8] =	sst s0;
	s0 =	simm.s32 @!p1 $0x0  }
0x14: {  	s2 =	sld [smem:$0x3F9C];
	s0 =	simm.s32 @p1 $0x1  }
0x15: {  	[smem:$0x3FB9] =	sst s0;
	s0 =	simm.s32 @!p2 $0x0  }
0x16: {  	s3 =	sld [smem:$0x3FDB];
	s0 =	simm.s32 @p2 $0x1  }
0x17: {  	s4 =	simm.s32 $0x1BF5;
	[smem:$0x3FBB] =	sst s0  }
0x18: {  	s0 =	sld [smem:$0x3F9E];
	_ =	swait.ge [sflag:s4], $0x0  }
0x19: {  	s7 =	sld [smem:$0x3F9F]  }
0x1a: {  	s8 =	sadd.s32 $0xFFFFE003, lr  }
0x1b: {  	s9 =	sadd.s32 $0xFFFFFEF7, lr;
	s5 =	simm.s32 $0xFFFFFFFF;
	p2 =	slt.u32 s8, $0xFFFFF086  }
0x1c: {  	p1 =	slt.u32 s9, $0xF7A;
	s5 =	simm.s32 @!p2 $0x0  }
0x1d: {  	s5 =	simm.s32 @p1 $0x1;
	p0 =	seq.s32 s7, s2  }
0x1e: {  	s7 =	smul.u32 @!p0 $0xF7A, s2;
	p2 =	seq.s32 @!p0 s5, $0x0  }
0x1f: {  	s9 =	smul.u32 $0xF7A, s1;
	s8 =	simm.s32 @!p0 $0x1BF5;
	p2 =	por !p2, p0  }
0x20: {  	[sflag:s8] =	ssyncset.s32 @!p0 $0xFFFFF086;
	s6 =	sadd.s32 @!p0 s3, s7;
	s7 =	simm.s32 @!p0 $0x108  }
0x21: {  	s3 =	sadd.s32 s3, s9;
	s6 =	sadd.s32 @!p0 $0x88, s6;
	s7 =	simm.s32 @p2 $0x1082  }
0x22: {  	[simem:s7], [sflag:s8] =	dma.local @!p0 [hbm:s6], $0xF7A  }
0x23: {  	s9 =	sor.u32 $0xD0000000, s2;
	s6 =	simm.s32 $0x108;
	_ =	swait.ge @!p0 [sflag:s8], $0x0  }
0x24: {  	s3 =	sadd.s32 $0x88, s3;
	s6 =	simm.s32 @!p1 $0x1082;
	[sflag:s4] =	ssyncset.s32 $0xFFFFF086  }
0x25: {  	[simem:s6], [sflag:s4] =	dma.local [hbm:s3], $0xF7A  }
0x26: {  	[smem:$0x3F9F] =	sst s1;
	(tag) =	ssettag s2;
	_ =	strace s9  }
0x27: {  	s1 =	sld [smem:$0x3FAF]  }
0x28: {  	s2 =	sld [smem:$0x3FB0]  }
0x29: {  	s4 =	sld [smem:$0x3FB2]  }
0x2a: {  	p0 =	seq.s32 s5, $0x0;
	s5 =	sld [smem:$0x3FB3]  }
0x2b: {  	s6 =	sld [smem:$0x3FB4]  }
0x2c: {  	s7 =	sld [smem:$0x3FB5]  }
0x2d: {  	s3 =	simm.s32 $0x108;
	s8 =	sld [smem:$0x3FB6]  }
0x2e: {  	s3 =	simm.s32 @!p0 $0x1082;
	s9 =	sld [smem:$0x3FB7]  }
0x2f: {  	lr =	sadd.s32 s0, s3;
	s0 =	sld [smem:$0x3FAE]  }
0x30: {  	s3 =	sld [smem:$0x3FB1]  }
0x31: {  	[smem:$0x3FBA] =	sst s10  }
0x32: {  	s10 =	sld [smem:$0x3FB8];
	_ =	sdelay $0x3  }
0x33: {  	p0 =	seq.s32 s10, $0x1;
	s10 =	sld [smem:$0x3FBA];
	_ =	sdelay $0x3  }
0x34: {  	[smem:$0x3FBA] =	sst s10  }
0x35: {  	s10 =	sld [smem:$0x3FB9];
	_ =	sdelay $0x3  }
0x36: {  	p1 =	seq.s32 s10, $0x1;
	s10 =	sld [smem:$0x3FBA];
	_ =	sdelay $0x3  }
0x37: {  	[smem:$0x3FBA] =	sst s10  }
0x38: {  	s10 =	sld [smem:$0x3FBB]  }
0x39: {  	_ = 	snop;
	(pc) =	sbr.ind lr, $3  }
0x3a: {  	_ = 	snop  }
0x3b: {  	_ = 	snop  }
0x3c: {  	p2 =	seq.s32 s10, $0x1;
	s10 =	sld [smem:$0x3FBA]  }
0x3d: {  	_ =	shalt  }
0x3e: {  	_ =	shalt  }
0x3f: {  	_ =	shalt  }
0x40: {  	_ =	shalt  }
0x41: {  	_ =	shalt  }
0x42: {  	_ =	shalt  }
0x43: {  	_ =	shalt  }
0x44: {  	_ =	shalt  }
0x45: {  	_ =	shalt  }
0x46: {  	_ =	shalt  }
0x47: {  	_ =	shalt  }
0x48: {  	_ =	shalt  }
0x49: {  	_ =	shalt  }
0x4a: {  	_ =	shalt  }
0x4b: {  	_ =	shalt  }
0x4c: {  	_ =	shalt  }
0x4d: {  	_ =	shalt  }
0x4e: {  	_ =	shalt  }
0x4f: {  	_ =	shalt  }
0x50: {  	_ =	shalt  }
0x51: {  	_ =	shalt  }
0x52: {  	_ =	shalt  }
0x53: {  	_ =	shalt  }
0x54: {  	_ =	shalt  }
0x55: {  	_ =	shalt  }
0x56: {  	_ =	shalt  }
0x57: {  	_ =	shalt  }
0x58: {  	_ =	shalt  }
0x59: {  	_ =	shalt  }
0x5a: {  	_ =	shalt  }
0x5b: {  	_ =	shalt  }
0x5c: {  	_ =	shalt  }
0x5d: {  	_ =	shalt  }
0x5e: {  	_ =	shalt  }
0x5f: {  	_ =	shalt  }
0x60: {  	_ =	shalt  }
0x61: {  	_ =	shalt  }
0x62: {  	_ =	shalt  }
0x63: {  	_ =	shalt  }
0x64: {  	_ =	shalt  }
0x65: {  	_ =	shalt  }
0x66: {  	_ =	shalt  }
0x67: {  	_ =	shalt  }
0x68: {  	_ =	shalt  }
0x69: {  	_ =	shalt  }
0x6a: {  	_ =	shalt  }
0x6b: {  	_ =	shalt  }
0x6c: {  	_ =	shalt  }
0x6d: {  	_ =	shalt  }
0x6e: {  	_ =	shalt  }
0x6f: {  	_ =	shalt  }
0x70: {  	_ =	shalt  }
0x71: {  	_ =	shalt  }
0x72: {  	_ =	shalt  }
0x73: {  	_ =	shalt  }
0x74: {  	_ =	shalt  }
0x75: {  	_ =	shalt  }
0x76: {  	_ =	shalt  }
0x77: {  	_ =	shalt  }
0x78: {  	_ =	shalt  }
0x79: {  	_ =	shalt  }
0x7a: {  	_ =	shalt  }
0x7b: {  	_ =	shalt  }
0x7c: {  	_ =	shalt  }
0x7d: {  	_ =	shalt  }
0x7e: {  	_ =	shalt  }
0x7f: {  	_ =	shalt  }
0x80: {  	_ =	shalt  }
0x81: {  	_ =	shalt  }
0x82: {  	_ =	shalt  }
0x83: {  	_ =	shalt  }
0x84: {  	_ =	shalt  }
0x85: {  	_ =	shalt  }
0x86: {  	_ =	shalt  }
0x87: {  	_ =	shalt  }
.Lfunc_end0:
.L_simem_size_0:
called_computation.1_lowered:
.L_overlay_start_0:
0x88: {  	s2 =	sld [smem:$0x3FD9]  }
0x89: {  	s3 =	sld [smem:$0x3FFE];
	_ =	sdelay $0x1  }
0x8a: {  	s1 =	srdreg.scid  }
0x8b: {  	s0 =	sand.u32 $0x1, s1  }
0x8c: {  	s16 =	sshll.u32 s0, $0xA;
	s2 =	sadd.s32 s3, s2  }
0x8d: {  	s2 =	sadd.s32 s2, s16  }
0x8e: {  	[smem:$0x3FC6] =	sst s2  }
0x8f: {  	_ = 	snop  }
0x90: {  	(tm) =	ssettm $0x1  }
0x91: {  	s17 =	sld [smem:$0x3FFB];
	_ =	sdelay $0x3  }
0x92: {  	_ =	strace s17  }
0x93: {  	s2 =	sld [smem:$0x3FFC];
	_ =	sdelay $0x3  }
0x94: {  	_ =	strace s2  }
0x95: {  	s2 =	sld [smem:$0x3FFD];
	_ =	sdelay $0x3  }
0x96: {  	_ =	strace s2  }
0x97: {  	_ =	strace $0x8FFFFFFF  }
0x98: {  	s18 =	sld [smem:$0x3FDB];
	_ =	sdelay $0x1  }
0x99: {  	s19 =	simm.s32 $_scs_section_size  }
0x9a: {  	s4 =	simm.s32 $_size__tile_overlayer_lowered;
	s5 =	simm.s32 $_tile_overlayer_lowered  }
0x9b: {  	s22 =	simm.s32 $0x1BFF;
	s21 =	sshll.u32 s5, $0x1;
	s2 =	sadd.s32 s19, s18  }
0x9c: {  	s6 =	simm.s32 $0x0;
	s20 =	sshll.u32 s4, $0x1;
	s4 =	sadd.s32 s21, s2  }
0x9d: {  	[timem:s6], [sflag:s22] =	dma.local [hbm:s4], s20  }
0x9e: {  	_ =	swait.ge [sflag:s22], s20  }
0x9f: {  	s3 =	ssub.s32 $0x0, s20;
	[sflag:s22] =	ssyncset.done $0x0  }
0xa0: {  	[sflag:s22] =	ssyncadd.s32 s3;
	_ =	sdelay $0x1  }
0xa1: {  	s23 =	simm.s32 $0x1B8B  }
0xa2: {  	_ =	swait.ge [sflag:s23], $0x1  }
0xa3: {  	[sflag:s23] =	ssyncset.done $0x0  }
0xa4: {  	s25 =	simm.s32 $0x1B8E;
	s24 =	sld [smem:$0x3FFE];
	[sflag:s23] =	ssyncadd.s32 $0xFFFFFFFF  }
0xa5: {  	s26 =	simm.s32 $execute0_lowered;
	[smem:$0x3FD2] =	sst s25  }
0xa6: {  	s4 =	sshll.u32 s26, $0x1;
	_ =	strace $0x80000046;
	[dreg:$0x1] =	wrdreg $0xFFFFFFFF  }
0xa7: {  	s28 =	simm.s32 $_size_execute0_lowered;
	s2 =	sadd.s32 s2, s4;
	[dreg:$0x0] =	wrdreg $0x0  }
0xa8: {  	s4 =	sshll.u32 s28, $0x1;
	[dreg:$0x2] =	wrdreg s2  }
0xa9: {  	[dreg:$0x3] =	wrdreg s4  }
0xaa: {  	[dreg:$0x4] =	wrdreg $0xC0  }
0xab: {  	_ =	task [dreg:s6], $0x5FFFF  }
0xac: {  	[dreg:$0x1] =	wrdreg $0xFFFFFFFF  }
0xad: {  	[dreg:$0x0] =	wrdreg $0x60  }
0xae: {  	[dreg:$0x2] =	wrdreg s24  }
0xaf: {  	[dreg:$0x3] =	wrdreg $0x9  }
0xb0: {  	_ =	task.clear_ibuf [dreg:s6], $0x4FFFF;
	_ =	strace $0x90000046  }
0xb1: {  	s29 =	simm.s32 $0x9;
	_ =	strace $0x80000048  }
0xb2: {  	_ =	swait.ge [sflag:s29], $0x1  }
0xb3: {  	[sflag:s29] =	ssyncadd.s32 $0xFFFFFFFF  }
0xb4: {  	_ =	strace $0x90000048  }
0xb5: {  	_ =	sfence  }
0xb6: {  	s30 =	sld [smem:$0x0];
	_ =	sdelay $0x2  }
0xb7: {  	s31 =	sshll.u32 s1, $0xD;
	s1 =	sshrl.u32 s1, $0x2  }
0xb8: {  	s3 =	sand.u32 $0x4000, s31;
	s1 =	sadd.s32 s1, s30  }
0xb9: {  	s0 =	sor.u32 s3, s0;
	s1 =	sshll.u32 s1, $0x11  }
0xba: {  	s0 =	sor.u32 s1, s0  }
0xbb: {  	s0 =	sadd.s32 $0x8F2B, s0  }
0xbc: {  	[sflag:s0] =	ssyncadd.remote.s32 $0x1  }
0xbd: {  	_ =	sfence.sel $0xFFFF  }
0xbe: {  	[dreg:$0x0] =	wrdreg $0xFFFFFFFF;
	(pc) =	sbr.abs _section_cstart, $3  }
0xbf: {  	[dreg:$0x1] =	wrdreg $0xFFFFFFFF  }
0xc0: {  	_ =	task.clear_ibuf [dreg:s6], $0x2FFFF;
	_ =	strace $0x9FFFFFFF  }
0xc1: {  	(tm) =	ssettm $0x7FFFFFFF  }
tec
execute0_lowered:
.L_overlay_start_1:
0x0: {  	(tag) =	ssettag $0x1  }
0x1: {  	s0 =	srdreg.scid  }
0x2: {  	s4 =	stileid.u32;
	s3 =	rddreg [dreg:$0x0]  }
0x3: {  	s19 =	simm.s32 $0x0;
	s23 =	simm.s32 $0x17A00;
	s24 =	simm.s32 $0x18800  }
0x4: {  	s25 =	simm.s32 $0x19600;
	s26 =	simm.s32 $0x1A400;
	s29 =	simm.s32 $0x1B200  }
0x5: {  	s30 =	simm.s32 $0x1C000;
	s31 =	simm.s32 $0x1CE00;
	s8 =	simm.s32 $0x16C00  }
0x6: {  	s12 =	simm.s32 $0x1;
	s15 =	simm.s32 $0x2;
	[smem:$0x7FF] =	sst s19  }
0x7: {  	s16 =	simm.s32 $0x3;
	_ =	strace $0x80000047;
	[dreg:$0x2] =	wrdreg s23  }
0x8: {  	s17 =	simm.s32 $0x4;
	s28 =	simm.s32 $0x80;
	[dreg:$0x3] =	wrdreg s24  }
0x9: {  	s0 =	sand.u32 $0x1, s0;
	s1 =	sshll.u32 s4, $0x8;
	[dreg:$0x4] =	wrdreg s25  }
0xa: {  	s20 =	smul.u32 $0x38000, s4;
	s2 =	sshll.u32 s0, $0x7;
	[dreg:$0x5] =	wrdreg s26  }
0xb: {  	s21 =	ssub.s32 $0x2, s0;
	s0 =	smul.u32 $0x1C000, s0;
	[dreg:$0x6] =	wrdreg s29  }
0xc: {  	[dreg:$0x7] =	wrdreg s30;
	s1 =	sor.u32 s2, s1;
	s5 =	sshrl.u32 s21, $0x1  }
0xd: {  	s2 =	sadd.s32 s20, s3;
	s1 =	smul.u32 $0x7, s1;
	s4 =	ssub.s32 s21, s5  }
0xe: {  	[dreg:$0x8] =	wrdreg s31;
	s0 =	sadd.s32 s0, s2;
	s22 =	smax.u32 s4, $0x1  }
0xf: {  	s0 =	sadd.s32 $0xCAE00, s0;
	s1 =	sadd.s32 s1, s3;
	[dreg:$0xc] =	wrdreg s22  }
0x10: {  	s24 =	simm.s32 $0x40;
	[dreg:$0xd] =	wrdreg s0;
	s1 =	sadd.s32 $0x800, s1  }
0x11: {  	s2 =	simm.s32 $0x0;
	s3 =	sadd.s32 $0x7800, s3;
	[dreg:$0xb] =	wrdreg s1  }
.LBB2_1:
0x12: {  	[dreg:$0xe] =	wrdreg s2  }
0x13: {  	s0 =	simm.s32 $0x0;
	s1 =	rddreg [dreg:$0xb];
	s23 =	simm.s32 $0x9  }
0x14: {  	[tilespmem:s0], [sflag:$0x9] =	stream.linear.gather [hbm4b:s1+s0], $0x1C00, $0x38;
	[tilespmem:$0x1DC00] =	vst v63  }
0x15: {  	_ =	swait.ge [sflag:s23], $0x1C00  }
0x16: {  	[sflag:s23] =	ssyncset.done $0x0  }
0x17: {  	s4 =	simm.s32 $0x1C00;
	s5 =	simm.s32 $0x32;
	[sflag:s23] =	ssyncadd.s32 $0xFFFFE400  }
0x18: {  	[tilespmem:s4], [sflag:$0x1] =	stream.indirect.gather [hbm4b:s3+s5], $0x40, s0, s5, $0xb8;
	[tilespmem:$0x1DC00] =	vst v63  }
0x19: {  	s25 =	simm.s32 $0x38;
	s26 =	simm.s32 $0x2A00  }
0x1a: {  	[tilespmem:s26], [sflag:$0x1] =	stream.indirect.gather [hbm4b:s3+s5], $0x40, s25, s5, $0xb8;
	[tilespmem:$0x1DC00] =	vst v63  }
0x1b: {  	s2 =	simm.s32 $0x3800;
	s1 =	simm.s32 $0x70  }
0x1c: {  	[tilespmem:s2], [sflag:$0x1] =	stream.indirect.gather [hbm4b:s3+s5], $0x40, s1, s5, $0xb8;
	[tilespmem:$0x1DC00] =	vst v63  }
0x1d: {  	s6 =	simm.s32 $0xA8;
	s7 =	simm.s32 $0x4600  }
0x1e: {  	[tilespmem:s7], [sflag:$0x1] =	stream.indirect.gather [hbm4b:s3+s5], $0x40, s6, s5, $0xb8;
	[tilespmem:$0x1DC00] =	vst v63  }
0x1f: {  	s9 =	simm.s32 $0xE0;
	s10 =	simm.s32 $0x5400  }
0x20: {  	[tilespmem:s10], [sflag:$0x1] =	stream.indirect.gather [hbm4b:s3+s5], $0x40, s9, s5, $0xb8;
	[tilespmem:$0x1DC00] =	vst v63  }
0x21: {  	s11 =	simm.s32 $0x118;
	s13 =	simm.s32 $0x6200  }
0x22: {  	[tilespmem:s13], [sflag:$0x1] =	stream.indirect.gather [hbm4b:s3+s5], $0x40, s11, s5, $0xb8;
	[tilespmem:$0x1DC00] =	vst v63  }
0x23: {  	s14 =	simm.s32 $0x150;
	s18 =	simm.s32 $0x7000  }
0x24: {  	[tilespmem:s18], [sflag:$0x1] =	stream.indirect.gather [hbm4b:s3+s5], $0x40, s14, s5, $0xb8;
	[tilespmem:$0x1DC00] =	vst v63  }
0x25: {  	s19 =	simm.s32 $0x188;
	s20 =	simm.s32 $0x7E00  }
0x26: {  	[tilespmem:s20], [sflag:$0x1] =	stream.indirect.gather [hbm4b:s3+s5], $0x40, s19, s5, $0xb8;
	[tilespmem:$0x1DC00] =	vst v63  }
0x27: {  	s21 =	simm.s32 $0x1C0;
	s6 =	simm.s32 $0x8C00  }
0x28: {  	[tilespmem:s6], [sflag:$0x2] =	stream.indirect.gather [hbm4b:s3+s5], $0x40, s21, s5, $0xb8;
	[tilespmem:$0x1DC00] =	vst v63  }
0x29: {  	s22 =	simm.s32 $0x1F8;
	s23 =	simm.s32 $0x9A00  }
0x2a: {  	[tilespmem:s23], [sflag:$0x2] =	stream.indirect.gather [hbm4b:s3+s5], $0x40, s22, s5, $0xb8;
	[tilespmem:$0x1DC00] =	vst v63  }
0x2b: {  	s25 =	simm.s32 $0x230;
	s26 =	simm.s32 $0xA800  }
0x2c: {  	[tilespmem:s26], [sflag:$0x2] =	stream.indirect.gather [hbm4b:s3+s5], $0x40, s25, s5, $0xb8;
	[tilespmem:$0x1DC00] =	vst v63  }
0x2d: {  	s2 =	simm.s32 $0x268;
	s7 =	simm.s32 $0xB600  }
0x2e: {  	[tilespmem:s7], [sflag:$0x2] =	stream.indirect.gather [hbm4b:s3+s5], $0x40, s2, s5, $0xb8;
	[tilespmem:$0x1DC00] =	vst v63  }
0x2f: {  	s9 =	simm.s32 $0x2A0;
	s10 =	simm.s32 $0xC400  }
0x30: {  	[tilespmem:s10], [sflag:$0x2] =	stream.indirect.gather [hbm4b:s3+s5], $0x40, s9, s5, $0xb8;
	[tilespmem:$0x1DC00] =	vst v63  }
0x31: {  	s11 =	simm.s32 $0x2D8;
	s13 =	simm.s32 $0xD200  }
0x32: {  	[tilespmem:s13], [sflag:$0x2] =	stream.indirect.gather [hbm4b:s3+s5], $0x40, s11, s5, $0xb8;
	[tilespmem:$0x1DC00] =	vst v63  }
0x33: {  	s14 =	simm.s32 $0x310;
	s18 =	simm.s32 $0xE000  }
0x34: {  	[tilespmem:s18], [sflag:$0x2] =	stream.indirect.gather [hbm4b:s3+s5], $0x40, s14, s5, $0xb8;
	[tilespmem:$0x1DC00] =	vst v63  }
0x35: {  	s19 =	simm.s32 $0x348;
	s20 =	simm.s32 $0xEE00  }
0x36: {  	[tilespmem:s20], [sflag:$0x2] =	stream.indirect.gather [hbm4b:s3+s5], $0x40, s19, s5, $0xb8;
	[tilespmem:$0x1DC00] =	vst v63  }
0x37: {  	s21 =	simm.s32 $0x380;
	s7 =	simm.s32 $0xFC00  }
0x38: {  	[tilespmem:s7], [sflag:$0x3] =	stream.indirect.gather [hbm4b:s3+s5], $0x40, s21, s5, $0xb8;
	[tilespmem:$0x1DC00] =	vst v63  }
0x39: {  	s22 =	simm.s32 $0x3B8;
	s23 =	simm.s32 $0x10A00  }
0x3a: {  	[tilespmem:s23], [sflag:$0x3] =	stream.indirect.gather [hbm4b:s3+s5], $0x40, s22, s5, $0xb8;
	[tilespmem:$0x1DC00] =	vst v63  }
0x3b: {  	s25 =	simm.s32 $0x3F0;
	s26 =	simm.s32 $0x11800  }
0x3c: {  	[tilespmem:s26], [sflag:$0x3] =	stream.indirect.gather [hbm4b:s3+s5], $0x40, s25, s5, $0xb8;
	[tilespmem:$0x1DC00] =	vst v63  }
0x3d: {  	s2 =	simm.s32 $0x428;
	s9 =	simm.s32 $0x12600  }
0x3e: {  	[tilespmem:s9], [sflag:$0x3] =	stream.indirect.gather [hbm4b:s3+s5], $0x40, s2, s5, $0xb8;
	[tilespmem:$0x1DC00] =	vst v63  }
0x3f: {  	s10 =	simm.s32 $0x460;
	s11 =	simm.s32 $0x13400  }
0x40: {  	[tilespmem:s11], [sflag:$0x3] =	stream.indirect.gather [hbm4b:s3+s5], $0x40, s10, s5, $0xb8;
	[tilespmem:$0x1DC00] =	vst v63  }
0x41: {  	s13 =	simm.s32 $0x498;
	s14 =	simm.s32 $0x14200  }
0x42: {  	[tilespmem:s14], [sflag:$0x3] =	stream.indirect.gather [hbm4b:s3+s5], $0x40, s13, s5, $0xb8;
	[tilespmem:$0x1DC00] =	vst v63  }
0x43: {  	p0 =	por $0x1, $0x1;
	s18 =	simm.s32 $0x4D0;
	s19 =	simm.s32 $0x15000  }
0x44: {  	[tilespmem:s19], [sflag:$0x3] =	stream.indirect.gather [hbm4b:s3+s5], $0x40, s18, s5, $0xb8;
	[tilespmem:$0x1DC00] =	vst v63  }
0x45: {  	s0 =	simm.s32 @!p0 $0x8;
	s20 =	simm.s32 $0x508;
	s21 =	simm.s32 $0x15E00  }
0x46: {  	[tilespmem:s21], [sflag:$0x3] =	stream.indirect.gather [hbm4b:s3+s5], $0x40, s20, s5, $0xb8;
	[tilespmem:$0x1DC00] =	vst v63  }
0x47: {  	_ =	swait.ge @!p0 [sflag:s0], $0x7000  }
0x48: {  	[sflag:s0] =	ssyncset.done @!p0 $0x0  }
0x49: {  	s22 =	simm.s32 $0x540;
	[sflag:s0] =	ssyncadd.s32 @!p0 $0xFFFF9000  }
0x4a: {  	[tilespmem:s8], [sflag:$0x4] =	stream.indirect.gather [hbm4b:s3+s5], $0x40, s22, s5, $0xb8;
	[tilespmem:$0x1DC00] =	vst v63  }
0x4b: {  	s25 =	simm.s32 $0x578;
	s23 =	rddreg [dreg:$0x2]  }
0x4c: {  	[tilespmem:s23], [sflag:$0x4] =	stream.indirect.gather [hbm4b:s3+s5], $0x40, s25, s5, $0xb8;
	[tilespmem:$0x1DC00] =	vst v63  }
0x4d: {  	s2 =	simm.s32 $0x5B0;
	s26 =	rddreg [dreg:$0x3]  }
0x4e: {  	[tilespmem:s26], [sflag:$0x4] =	stream.indirect.gather [hbm4b:s3+s5], $0x40, s2, s5, $0xb8;
	[tilespmem:$0x1DC00] =	vst v63  }
0x4f: {  	s9 =	simm.s32 $0x5E8;
	s8 =	rddreg [dreg:$0x4]  }
0x50: {  	[tilespmem:s8], [sflag:$0x4] =	stream.indirect.gather [hbm4b:s3+s5], $0x40, s9, s5, $0xb8;
	[tilespmem:$0x1DC00] =	vst v63  }
0x51: {  	s11 =	simm.s32 $0x620;
	s10 =	rddreg [dreg:$0x5]  }
0x52: {  	[tilespmem:s10], [sflag:$0x4] =	stream.indirect.gather [hbm4b:s3+s5], $0x40, s11, s5, $0xb8;
	[tilespmem:$0x1DC00] =	vst v63  }
0x53: {  	s14 =	simm.s32 $0x658;
	s13 =	rddreg [dreg:$0x6]  }
0x54: {  	[tilespmem:s13], [sflag:$0x4] =	stream.indirect.gather [hbm4b:s3+s5], $0x40, s14, s5, $0xb8;
	[tilespmem:$0x1DC00] =	vst v63  }
0x55: {  	s19 =	simm.s32 $0x690;
	s18 =	rddreg [dreg:$0x7]  }
0x56: {  	[tilespmem:s18], [sflag:$0x4] =	stream.indirect.gather [hbm4b:s3+s5], $0x40, s19, s5, $0xb8;
	[tilespmem:$0x1DC00] =	vst v63  }
0x57: {  	s21 =	simm.s32 $0x6C8;
	s20 =	rddreg [dreg:$0x8]  }
0x58: {  	[tilespmem:s20], [sflag:$0x4] =	stream.indirect.gather [hbm4b:s3+s5], $0x40, s21, s5, $0xb8;
	[tilespmem:$0x1DC00] =	vst v63  }
0x59: {  	_ =	swait.ge [sflag:s12], $0xC80  }
0x5a: {  	[sflag:s12] =	ssyncset.done $0x0  }
0x5b: {  	[sflag:s12] =	ssyncadd.s32 $0xFFFFF380  }
0x5c: {  	_ =	swait.ge [sflag:s12], $0xC80  }
0x5d: {  	[sflag:s12] =	ssyncset.done $0x0  }
0x5e: {  	[sflag:s12] =	ssyncadd.s32 $0xFFFFF380  }
0x5f: {  	_ =	swait.ge [sflag:s12], $0xC80  }
0x60: {  	[sflag:s12] =	ssyncset.done $0x0  }
0x61: {  	[sflag:s12] =	ssyncadd.s32 $0xFFFFF380  }
0x62: {  	_ =	swait.ge [sflag:s12], $0xC80  }
0x63: {  	[sflag:s12] =	ssyncset.done $0x0  }
0x64: {  	[sflag:s12] =	ssyncadd.s32 $0xFFFFF380  }
0x65: {  	_ =	swait.ge [sflag:s12], $0xC80  }
0x66: {  	[sflag:s12] =	ssyncset.done $0x0  }
0x67: {  	[sflag:s12] =	ssyncadd.s32 $0xFFFFF380  }
0x68: {  	_ =	swait.ge [sflag:s12], $0xC80  }
0x69: {  	[sflag:s12] =	ssyncset.done $0x0  }
0x6a: {  	[sflag:s12] =	ssyncadd.s32 $0xFFFFF380  }
0x6b: {  	_ =	swait.ge [sflag:s12], $0xC80  }
0x6c: {  	[sflag:s12] =	ssyncset.done $0x0  }
0x6d: {  	[sflag:s12] =	ssyncadd.s32 $0xFFFFF380  }
0x6e: {  	p0 =	por $0x0, $0x0;
	_ =	swait.ge [sflag:s12], $0xC80  }
0x6f: {  	s1 =	simm.s32 @!p0 $0x5;
	s23 =	simm.s32 $0x40;
	[sflag:s12] =	ssyncset.done $0x0  }
0x70: {  	s9 =	simm.s32 $0x80;
	s22 =	rddreg [dreg:$0xd];
	[sflag:s12] =	ssyncadd.s32 $0xFFFFF380  }
0x71: {  	[hbm4b:s22+s23] =	stream.strided.scatter [tilespmem:s4], [sflag:$0x5], $0x7000, s9, s23, $0x38;
	[tilespmem:$0x1DC00] =	vst v63  }
0x72: {  	_ =	swait.ge @!p0 [sflag:s1], $0x7000  }
0x73: {  	s0 =	simm.s32 @!p0 $0x32;
	[sflag:s1] =	ssyncset.done @!p0 $0x0  }
0x74: {  	s2 =	simm.s32 @!p0 $0x700;
	s4 =	simm.s32 @!p0 $0x1C00;
	[sflag:s1] =	ssyncadd.s32 @!p0 $0xFFFF9000  }
0x75: {  	[tilespmem:s4], [sflag:$0x1] =	stream.indirect.gather @!p0 [hbm4b:s3+s0], $0x40, s2, s0, $0xb8;
	[tilespmem:$0x1DC00] =	vst v63  }
0x76: {  	s1 =	simm.s32 @!p0 $0x738;
	s2 =	simm.s32 @!p0 $0x2A00  }
0x77: {  	[tilespmem:s2], [sflag:$0x1] =	stream.indirect.gather @!p0 [hbm4b:s3+s0], $0x40, s1, s0, $0xb8;
	[tilespmem:$0x1DC00] =	vst v63  }
0x78: {  	s1 =	simm.s32 @!p0 $0x770;
	s2 =	simm.s32 @!p0 $0x3800  }
0x79: {  	[tilespmem:s2], [sflag:$0x1] =	stream.indirect.gather @!p0 [hbm4b:s3+s0], $0x40, s1, s0, $0xb8;
	[tilespmem:$0x1DC00] =	vst v63  }
0x7a: {  	s1 =	simm.s32 @!p0 $0x7A8;
	s2 =	simm.s32 @!p0 $0x4600  }
0x7b: {  	[tilespmem:s2], [sflag:$0x1] =	stream.indirect.gather @!p0 [hbm4b:s3+s0], $0x40, s1, s0, $0xb8;
	[tilespmem:$0x1DC00] =	vst v63  }
0x7c: {  	s1 =	simm.s32 @!p0 $0x7E0;
	s2 =	simm.s32 @!p0 $0x5400  }
0x7d: {  	[tilespmem:s2], [sflag:$0x1] =	stream.indirect.gather @!p0 [hbm4b:s3+s0], $0x40, s1, s0, $0xb8;
	[tilespmem:$0x1DC00] =	vst v63  }
0x7e: {  	s1 =	simm.s32 @!p0 $0x818;
	s2 =	simm.s32 @!p0 $0x6200  }
0x7f: {  	[tilespmem:s2], [sflag:$0x1] =	stream.indirect.gather @!p0 [hbm4b:s3+s0], $0x40, s1, s0, $0xb8;
	[tilespmem:$0x1DC00] =	vst v63  }
0x80: {  	s1 =	simm.s32 @!p0 $0x850;
	s2 =	simm.s32 @!p0 $0x7000  }
0x81: {  	[tilespmem:s2], [sflag:$0x1] =	stream.indirect.gather @!p0 [hbm4b:s3+s0], $0x40, s1, s0, $0xb8;
	[tilespmem:$0x1DC00] =	vst v63  }
0x82: {  	s1 =	simm.s32 @!p0 $0x888;
	s2 =	simm.s32 @!p0 $0x7E00  }
0x83: {  	[tilespmem:s2], [sflag:$0x1] =	stream.indirect.gather @!p0 [hbm4b:s3+s0], $0x40, s1, s0, $0xb8;
	[tilespmem:$0x1DC00] =	vst v63  }
0x84: {  	_ =	swait.ge [sflag:s15], $0xC80  }
0x85: {  	[sflag:s15] =	ssyncset.done $0x0  }
0x86: {  	[sflag:s15] =	ssyncadd.s32 $0xFFFFF380  }
0x87: {  	_ =	swait.ge [sflag:s15], $0xC80  }
0x88: {  	[sflag:s15] =	ssyncset.done $0x0  }
0x89: {  	[sflag:s15] =	ssyncadd.s32 $0xFFFFF380  }
0x8a: {  	_ =	swait.ge [sflag:s15], $0xC80  }
0x8b: {  	[sflag:s15] =	ssyncset.done $0x0  }
0x8c: {  	[sflag:s15] =	ssyncadd.s32 $0xFFFFF380  }
0x8d: {  	_ =	swait.ge [sflag:s15], $0xC80  }
0x8e: {  	[sflag:s15] =	ssyncset.done $0x0  }
0x8f: {  	[sflag:s15] =	ssyncadd.s32 $0xFFFFF380  }
0x90: {  	_ =	swait.ge [sflag:s15], $0xC80  }
0x91: {  	[sflag:s15] =	ssyncset.done $0x0  }
0x92: {  	[sflag:s15] =	ssyncadd.s32 $0xFFFFF380  }
0x93: {  	_ =	swait.ge [sflag:s15], $0xC80  }
0x94: {  	[sflag:s15] =	ssyncset.done $0x0  }
0x95: {  	[sflag:s15] =	ssyncadd.s32 $0xFFFFF380  }
0x96: {  	_ =	swait.ge [sflag:s15], $0xC80  }
0x97: {  	[sflag:s15] =	ssyncset.done $0x0  }
0x98: {  	[sflag:s15] =	ssyncadd.s32 $0xFFFFF380  }
0x99: {  	_ =	swait.ge [sflag:s15], $0xC80  }
0x9a: {  	[sflag:s15] =	ssyncset.done $0x0  }
0x9b: {  	s25 =	sadd.s32 $0x1C00, s22;
	s2 =	simm.s32 @!p0 $0x6;
	[sflag:s15] =	ssyncadd.s32 $0xFFFFF380  }
0x9c: {  	[hbm4b:s25+s23] =	stream.strided.scatter [tilespmem:s6], [sflag:$0x6], $0x7000, s9, s23, $0x38;
	[tilespmem:$0x1DC00] =	vst v63  }
0x9d: {  	_ =	swait.ge @!p0 [sflag:s2], $0x7000  }
0x9e: {  	[sflag:s2] =	ssyncset.done @!p0 $0x0  }
0x9f: {  	s4 =	simm.s32 @!p0 $0x8C00;
	s1 =	simm.s32 @!p0 $0x8C0;
	[sflag:s2] =	ssyncadd.s32 @!p0 $0xFFFF9000  }
0xa0: {  	[tilespmem:s4], [sflag:$0x2] =	stream.indirect.gather @!p0 [hbm4b:s3+s0], $0x40, s1, s0, $0xb8;
	[tilespmem:$0x1DC00] =	vst v63  }
0xa1: {  	s2 =	simm.s32 @!p0 $0x9A00;
	s1 =	simm.s32 @!p0 $0x8F8  }
0xa2: {  	[tilespmem:s2], [sflag:$0x2] =	stream.indirect.gather @!p0 [hbm4b:s3+s0], $0x40, s1, s0, $0xb8;
	[tilespmem:$0x1DC00] =	vst v63  }
0xa3: {  	s1 =	simm.s32 @!p0 $0x930;
	s2 =	simm.s32 @!p0 $0xA800  }
0xa4: {  	[tilespmem:s2], [sflag:$0x2] =	stream.indirect.gather @!p0 [hbm4b:s3+s0], $0x40, s1, s0, $0xb8;
	[tilespmem:$0x1DC00] =	vst v63  }
0xa5: {  	s1 =	simm.s32 @!p0 $0x968;
	s2 =	simm.s32 @!p0 $0xB600  }
0xa6: {  	[tilespmem:s2], [sflag:$0x2] =	stream.indirect.gather @!p0 [hbm4b:s3+s0], $0x40, s1, s0, $0xb8;
	[tilespmem:$0x1DC00] =	vst v63  }
0xa7: {  	s1 =	simm.s32 @!p0 $0x9A0;
	s2 =	simm.s32 @!p0 $0xC400  }
0xa8: {  	[tilespmem:s2], [sflag:$0x2] =	stream.indirect.gather @!p0 [hbm4b:s3+s0], $0x40, s1, s0, $0xb8;
	[tilespmem:$0x1DC00] =	vst v63  }
0xa9: {  	s1 =	simm.s32 @!p0 $0x9D8;
	s2 =	simm.s32 @!p0 $0xD200  }
0xaa: {  	[tilespmem:s2], [sflag:$0x2] =	stream.indirect.gather @!p0 [hbm4b:s3+s0], $0x40, s1, s0, $0xb8;
	[tilespmem:$0x1DC00] =	vst v63  }
0xab: {  	s1 =	simm.s32 @!p0 $0xA10;
	s2 =	simm.s32 @!p0 $0xE000  }
0xac: {  	[tilespmem:s2], [sflag:$0x2] =	stream.indirect.gather @!p0 [hbm4b:s3+s0], $0x40, s1, s0, $0xb8;
	[tilespmem:$0x1DC00] =	vst v63  }
0xad: {  	s1 =	simm.s32 @!p0 $0xA48;
	s2 =	simm.s32 @!p0 $0xEE00  }
0xae: {  	[tilespmem:s2], [sflag:$0x2] =	stream.indirect.gather @!p0 [hbm4b:s3+s0], $0x40, s1, s0, $0xb8;
	[tilespmem:$0x1DC00] =	vst v63  }
0xaf: {  	_ =	swait.ge [sflag:s16], $0xC80  }
0xb0: {  	[sflag:s16] =	ssyncset.done $0x0  }
0xb1: {  	[sflag:s16] =	ssyncadd.s32 $0xFFFFF380  }
0xb2: {  	_ =	swait.ge [sflag:s16], $0xC80  }
0xb3: {  	[sflag:s16] =	ssyncset.done $0x0  }
0xb4: {  	[sflag:s16] =	ssyncadd.s32 $0xFFFFF380  }
0xb5: {  	_ =	swait.ge [sflag:s16], $0xC80  }
0xb6: {  	[sflag:s16] =	ssyncset.done $0x0  }
0xb7: {  	[sflag:s16] =	ssyncadd.s32 $0xFFFFF380  }
0xb8: {  	_ =	swait.ge [sflag:s16], $0xC80  }
0xb9: {  	[sflag:s16] =	ssyncset.done $0x0  }
0xba: {  	[sflag:s16] =	ssyncadd.s32 $0xFFFFF380  }
0xbb: {  	_ =	swait.ge [sflag:s16], $0xC80  }
0xbc: {  	[sflag:s16] =	ssyncset.done $0x0  }
0xbd: {  	[sflag:s16] =	ssyncadd.s32 $0xFFFFF380  }
0xbe: {  	_ =	swait.ge [sflag:s16], $0xC80  }
0xbf: {  	[sflag:s16] =	ssyncset.done $0x0  }
0xc0: {  	[sflag:s16] =	ssyncadd.s32 $0xFFFFF380  }
0xc1: {  	_ =	swait.ge [sflag:s16], $0xC80  }
0xc2: {  	[sflag:s16] =	ssyncset.done $0x0  }
0xc3: {  	[sflag:s16] =	ssyncadd.s32 $0xFFFFF380  }
0xc4: {  	_ =	swait.ge [sflag:s16], $0xC80  }
0xc5: {  	[sflag:s16] =	ssyncset.done $0x0  }
0xc6: {  	s26 =	sadd.s32 $0x3800, s22;
	s2 =	simm.s32 @!p0 $0x7;
	[sflag:s16] =	ssyncadd.s32 $0xFFFFF380  }
0xc7: {  	[hbm4b:s26+s23] =	stream.strided.scatter [tilespmem:s7], [sflag:$0x7], $0x7000, s9, s23, $0x38;
	[tilespmem:$0x1DC00] =	vst v63  }
0xc8: {  	_ =	swait.ge @!p0 [sflag:s2], $0x7000  }
0xc9: {  	[sflag:s2] =	ssyncset.done @!p0 $0x0  }
0xca: {  	s4 =	simm.s32 @!p0 $0xFC00;
	s1 =	simm.s32 @!p0 $0xA80;
	[sflag:s2] =	ssyncadd.s32 @!p0 $0xFFFF9000  }
0xcb: {  	[tilespmem:s4], [sflag:$0x3] =	stream.indirect.gather @!p0 [hbm4b:s3+s0], $0x40, s1, s0, $0xb8;
	[tilespmem:$0x1DC00] =	vst v63  }
0xcc: {  	s2 =	simm.s32 @!p0 $0x10A00;
	s1 =	simm.s32 @!p0 $0xAB8  }
0xcd: {  	[tilespmem:s2], [sflag:$0x3] =	stream.indirect.gather @!p0 [hbm4b:s3+s0], $0x40, s1, s0, $0xb8;
	[tilespmem:$0x1DC00] =	vst v63  }
0xce: {  	s1 =	simm.s32 @!p0 $0xAF0;
	s2 =	simm.s32 @!p0 $0x11800  }
0xcf: {  	[tilespmem:s2], [sflag:$0x3] =	stream.indirect.gather @!p0 [hbm4b:s3+s0], $0x40, s1, s0, $0xb8;
	[tilespmem:$0x1DC00] =	vst v63  }
0xd0: {  	s1 =	simm.s32 @!p0 $0xB28;
	s2 =	simm.s32 @!p0 $0x12600  }
0xd1: {  	[tilespmem:s2], [sflag:$0x3] =	stream.indirect.gather @!p0 [hbm4b:s3+s0], $0x40, s1, s0, $0xb8;
	[tilespmem:$0x1DC00] =	vst v63  }
0xd2: {  	s1 =	simm.s32 @!p0 $0xB60;
	s2 =	simm.s32 @!p0 $0x13400  }
0xd3: {  	[tilespmem:s2], [sflag:$0x3] =	stream.indirect.gather @!p0 [hbm4b:s3+s0], $0x40, s1, s0, $0xb8;
	[tilespmem:$0x1DC00] =	vst v63  }
0xd4: {  	s1 =	simm.s32 @!p0 $0xB98;
	s2 =	simm.s32 @!p0 $0x14200  }
0xd5: {  	[tilespmem:s2], [sflag:$0x3] =	stream.indirect.gather @!p0 [hbm4b:s3+s0], $0x40, s1, s0, $0xb8;
	[tilespmem:$0x1DC00] =	vst v63  }
0xd6: {  	s1 =	simm.s32 @!p0 $0xBD0;
	s2 =	simm.s32 @!p0 $0x15000  }
0xd7: {  	[tilespmem:s2], [sflag:$0x3] =	stream.indirect.gather @!p0 [hbm4b:s3+s0], $0x40, s1, s0, $0xb8;
	[tilespmem:$0x1DC00] =	vst v63  }
0xd8: {  	s1 =	simm.s32 @!p0 $0xC08;
	s2 =	simm.s32 @!p0 $0x15E00  }
0xd9: {  	[tilespmem:s2], [sflag:$0x3] =	stream.indirect.gather @!p0 [hbm4b:s3+s0], $0x40, s1, s0, $0xb8;
	[tilespmem:$0x1DC00] =	vst v63  }
0xda: {  	_ =	swait.ge [sflag:s17], $0xC80  }
0xdb: {  	[sflag:s17] =	ssyncset.done $0x0  }
0xdc: {  	[sflag:s17] =	ssyncadd.s32 $0xFFFFF380  }
0xdd: {  	_ =	swait.ge [sflag:s17], $0xC80  }
0xde: {  	[sflag:s17] =	ssyncset.done $0x0  }
0xdf: {  	[sflag:s17] =	ssyncadd.s32 $0xFFFFF380  }
0xe0: {  	_ =	swait.ge [sflag:s17], $0xC80  }
0xe1: {  	[sflag:s17] =	ssyncset.done $0x0  }
0xe2: {  	[sflag:s17] =	ssyncadd.s32 $0xFFFFF380  }
0xe3: {  	_ =	swait.ge [sflag:s17], $0xC80  }
0xe4: {  	[sflag:s17] =	ssyncset.done $0x0  }
0xe5: {  	[sflag:s17] =	ssyncadd.s32 $0xFFFFF380  }
0xe6: {  	_ =	swait.ge [sflag:s17], $0xC80  }
0xe7: {  	[sflag:s17] =	ssyncset.done $0x0  }
0xe8: {  	[sflag:s17] =	ssyncadd.s32 $0xFFFFF380  }
0xe9: {  	_ =	swait.ge [sflag:s17], $0xC80  }
0xea: {  	[sflag:s17] =	ssyncset.done $0x0  }
0xeb: {  	[sflag:s17] =	ssyncadd.s32 $0xFFFFF380  }
0xec: {  	s31 =	simm.s32 $0x1C00;
	_ =	swait.ge [sflag:s17], $0xC80  }
0xed: {  	s29 =	simm.s32 $0x3800;
	p1 =	por $0x0, $0x0;
	[sflag:s17] =	ssyncset.done $0x0  }
0xee: {  	s11 =	sadd.s32 $0x5400, s22;
	s26 =	sadd.s32 $0x7000, s22;
	[sflag:s17] =	ssyncadd.s32 $0xFFFFF380  }
0xef: {  	s10 =	sadd.s32 $0x5400, s26;
	s30 =	sadd.s32 $0x7000, s26;
	_ =	swait.ge [sflag:s17], $0xC80  }
.LBB2_2:
0xf0: {  	s1 =	simm.s32 @!p1 $0x8;
	[sflag:s17] =	ssyncset.done $0x0  }
0xf1: {  	s2 =	sadd.s32 $0x5400, s30;
	s8 =	simm.s32 $0x16C00;
	s5 =	simm.s32 $0x40  }
0xf2: {  	s4 =	simm.s32 $0x80;
	s18 =	smov.u32 s10;
	[sflag:s17] =	ssyncadd.s32 $0xFFFFF380  }
0xf3: {  	[hbm4b:s11+s5] =	stream.strided.scatter [tilespmem:s8], [sflag:$0x8], $0x7000, s4, s5, $0x38;
	[tilespmem:$0x1DC00] =	vst v63  }
0xf4: {  	s7 =	simm.s32 $0x32;
	s20 =	smov.u32 s2;
	_ =	swait.ge @!p1 [sflag:s1], $0x7000  }
0xf5: {  	s4 =	sshra.s32 s31, $0x2;
	[dreg:$0xa] =	wrdreg s18;
	[sflag:s1] =	ssyncset.done @!p1 $0x0  }
0xf6: {  	s19 =	sadd.s32 $0x540, s4;
	[dreg:$0x9] =	wrdreg s20;
	[sflag:s1] =	ssyncadd.s32 @!p1 $0xFFFF9000  }
0xf7: {  	[tilespmem:s8], [sflag:$0x4] =	stream.indirect.gather [hbm4b:s3+s7], $0x40, s19, s7, $0xb8;
	[tilespmem:$0x1DC00] =	vst v63  }
0xf8: {  	s21 =	sadd.s32 $0x578, s4;
	s6 =	rddreg [dreg:$0x2]  }
0xf9: {  	[tilespmem:s6], [sflag:$0x4] =	stream.indirect.gather [hbm4b:s3+s7], $0x40, s21, s7, $0xb8;
	[tilespmem:$0x1DC00] =	vst v63  }
0xfa: {  	s23 =	sadd.s32 $0x5B0, s4;
	s22 =	rddreg [dreg:$0x3]  }
0xfb: {  	[tilespmem:s22], [sflag:$0x4] =	stream.indirect.gather [hbm4b:s3+s7], $0x40, s23, s7, $0xb8;
	[tilespmem:$0x1DC00] =	vst v63  }
0xfc: {  	s25 =	rddreg [dreg:$0x4];
	s6 =	sadd.s32 $0x5E8, s4  }
0xfd: {  	[tilespmem:s25], [sflag:$0x4] =	stream.indirect.gather [hbm4b:s3+s7], $0x40, s6, s7, $0xb8;
	[tilespmem:$0x1DC00] =	vst v63  }
0xfe: {  	s10 =	sadd.s32 $0x620, s4;
	s8 =	rddreg [dreg:$0x5]  }
0xff: {  	[tilespmem:s8], [sflag:$0x4] =	stream.indirect.gather [hbm4b:s3+s7], $0x40, s10, s7, $0xb8;
	[tilespmem:$0x1DC00] =	vst v63  }
0x100: {  	s14 =	sadd.s32 $0x658, s4;
	s13 =	rddreg [dreg:$0x6]  }
0x101: {  	[tilespmem:s13], [sflag:$0x4] =	stream.indirect.gather [hbm4b:s3+s7], $0x40, s14, s7, $0xb8;
	[tilespmem:$0x1DC00] =	vst v63  }
0x102: {  	s18 =	rddreg [dreg:$0x7];
	s19 =	sadd.s32 $0x690, s4  }
0x103: {  	[tilespmem:s18], [sflag:$0x4] =	stream.indirect.gather [hbm4b:s3+s7], $0x40, s19, s7, $0xb8;
	[tilespmem:$0x1DC00] =	vst v63  }
0x104: {  	s20 =	rddreg [dreg:$0x8];
	s21 =	sadd.s32 $0x6C8, s4  }
0x105: {  	[tilespmem:s20], [sflag:$0x4] =	stream.indirect.gather [hbm4b:s3+s7], $0x40, s21, s7, $0xb8;
	[tilespmem:$0x1DC00] =	vst v63  }
0x106: {  	_ =	swait.ge [sflag:s12], $0xC80  }
0x107: {  	[sflag:s12] =	ssyncset.done $0x0  }
0x108: {  	[sflag:s12] =	ssyncadd.s32 $0xFFFFF380  }
0x109: {  	_ =	swait.ge [sflag:s12], $0xC80  }
0x10a: {  	[sflag:s12] =	ssyncset.done $0x0  }
0x10b: {  	[sflag:s12] =	ssyncadd.s32 $0xFFFFF380  }
0x10c: {  	_ =	swait.ge [sflag:s12], $0xC80  }
0x10d: {  	[sflag:s12] =	ssyncset.done $0x0  }
0x10e: {  	[sflag:s12] =	ssyncadd.s32 $0xFFFFF380  }
0x10f: {  	_ =	swait.ge [sflag:s12], $0xC80  }
0x110: {  	[sflag:s12] =	ssyncset.done $0x0  }
0x111: {  	[sflag:s12] =	ssyncadd.s32 $0xFFFFF380  }
0x112: {  	_ =	swait.ge [sflag:s12], $0xC80  }
0x113: {  	[sflag:s12] =	ssyncset.done $0x0  }
0x114: {  	[sflag:s12] =	ssyncadd.s32 $0xFFFFF380  }
0x115: {  	_ =	swait.ge [sflag:s12], $0xC80  }
0x116: {  	[sflag:s12] =	ssyncset.done $0x0  }
0x117: {  	[sflag:s12] =	ssyncadd.s32 $0xFFFFF380  }
0x118: {  	_ =	swait.ge [sflag:s12], $0xC80  }
0x119: {  	[sflag:s12] =	ssyncset.done $0x0  }
0x11a: {  	[sflag:s12] =	ssyncadd.s32 $0xFFFFF380  }
0x11b: {  	s9 =	simm.s32 $0x80;
	_ =	swait.ge [sflag:s12], $0xC80  }
0x11c: {  	s11 =	simm.s32 $0x40;
	p1 =	seq.s32 s31, $0x5400;
	[sflag:s12] =	ssyncset.done $0x0  }
0x11d: {  	s2 =	simm.s32 @!p1 $0x5;
	s22 =	simm.s32 $0x1C00;
	[sflag:s12] =	ssyncadd.s32 $0xFFFFF380  }
0x11e: {  	[hbm4b:s26+s11] =	stream.strided.scatter [tilespmem:s22], [sflag:$0x5], $0x7000, s9, s11, $0x38;
	[tilespmem:$0x1DC00] =	vst v63  }
0x11f: {  	_ =	swait.ge @!p1 [sflag:s2], $0x7000  }
0x120: {  	s1 =	simm.s32 @!p1 $0x32;
	s10 =	sshra.s32 @!p1 s31, $0x2;
	[sflag:s2] =	ssyncset.done @!p1 $0x0  }
0x121: {  	s6 =	simm.s32 @!p1 $0x1C00;
	s4 =	sadd.s32 @!p1 $0x700, s10;
	[sflag:s2] =	ssyncadd.s32 @!p1 $0xFFFF9000  }
0x122: {  	[tilespmem:s6], [sflag:$0x1] =	stream.indirect.gather @!p1 [hbm4b:s3+s1], $0x40, s4, s1, $0xb8;
	[tilespmem:$0x1DC00] =	vst v63  }
0x123: {  	s5 =	sadd.s32 @!p1 $0x738, s10;
	s2 =	simm.s32 @!p1 $0x2A00  }
0x124: {  	[tilespmem:s2], [sflag:$0x1] =	stream.indirect.gather @!p1 [hbm4b:s3+s1], $0x40, s5, s1, $0xb8;
	[tilespmem:$0x1DC00] =	vst v63  }
0x125: {  	s7 =	sadd.s32 @!p1 $0x770, s10;
	s4 =	simm.s32 @!p1 $0x3800  }
0x126: {  	[tilespmem:s4], [sflag:$0x1] =	stream.indirect.gather @!p1 [hbm4b:s3+s1], $0x40, s7, s1, $0xb8;
	[tilespmem:$0x1DC00] =	vst v63  }
0x127: {  	s6 =	sadd.s32 @!p1 $0x7A8, s10;
	s2 =	simm.s32 @!p1 $0x4600  }
0x128: {  	[tilespmem:s2], [sflag:$0x1] =	stream.indirect.gather @!p1 [hbm4b:s3+s1], $0x40, s6, s1, $0xb8;
	[tilespmem:$0x1DC00] =	vst v63  }
0x129: {  	s9 =	sadd.s32 @!p1 $0x7E0, s10;
	s4 =	simm.s32 @!p1 $0x5400  }
0x12a: {  	[tilespmem:s4], [sflag:$0x1] =	stream.indirect.gather @!p1 [hbm4b:s3+s1], $0x40, s9, s1, $0xb8;
	[tilespmem:$0x1DC00] =	vst v63  }
0x12b: {  	s5 =	sadd.s32 @!p1 $0x818, s10;
	s2 =	simm.s32 @!p1 $0x6200  }
0x12c: {  	[tilespmem:s2], [sflag:$0x1] =	stream.indirect.gather @!p1 [hbm4b:s3+s1], $0x40, s5, s1, $0xb8;
	[tilespmem:$0x1DC00] =	vst v63  }
0x12d: {  	s19 =	sadd.s32 @!p1 $0x850, s10;
	s4 =	simm.s32 @!p1 $0x7000  }
0x12e: {  	[tilespmem:s4], [sflag:$0x1] =	stream.indirect.gather @!p1 [hbm4b:s3+s1], $0x40, s19, s1, $0xb8;
	[tilespmem:$0x1DC00] =	vst v63  }
0x12f: {  	s7 =	sadd.s32 @!p1 $0x888, s10;
	s2 =	simm.s32 @!p1 $0x7E00  }
0x130: {  	[tilespmem:s2], [sflag:$0x1] =	stream.indirect.gather @!p1 [hbm4b:s3+s1], $0x40, s7, s1, $0xb8;
	[tilespmem:$0x1DC00] =	vst v63  }
0x131: {  	_ =	swait.ge [sflag:s15], $0xC80  }
0x132: {  	[sflag:s15] =	ssyncset.done $0x0  }
0x133: {  	[sflag:s15] =	ssyncadd.s32 $0xFFFFF380  }
0x134: {  	_ =	swait.ge [sflag:s15], $0xC80  }
0x135: {  	[sflag:s15] =	ssyncset.done $0x0  }
0x136: {  	[sflag:s15] =	ssyncadd.s32 $0xFFFFF380  }
0x137: {  	_ =	swait.ge [sflag:s15], $0xC80  }
0x138: {  	[sflag:s15] =	ssyncset.done $0x0  }
0x139: {  	[sflag:s15] =	ssyncadd.s32 $0xFFFFF380  }
0x13a: {  	_ =	swait.ge [sflag:s15], $0xC80  }
0x13b: {  	[sflag:s15] =	ssyncset.done $0x0  }
0x13c: {  	[sflag:s15] =	ssyncadd.s32 $0xFFFFF380  }
0x13d: {  	_ =	swait.ge [sflag:s15], $0xC80  }
0x13e: {  	[sflag:s15] =	ssyncset.done $0x0  }
0x13f: {  	[sflag:s15] =	ssyncadd.s32 $0xFFFFF380  }
0x140: {  	_ =	swait.ge [sflag:s15], $0xC80  }
0x141: {  	[sflag:s15] =	ssyncset.done $0x0  }
0x142: {  	[sflag:s15] =	ssyncadd.s32 $0xFFFFF380  }
0x143: {  	_ =	swait.ge [sflag:s15], $0xC80  }
0x144: {  	[sflag:s15] =	ssyncset.done $0x0  }
0x145: {  	[sflag:s15] =	ssyncadd.s32 $0xFFFFF380  }
0x146: {  	s0 =	smov.u32 s29;
	_ =	swait.ge [sflag:s15], $0xC80  }
0x147: {  	s31 =	smov.u32 s0;
	s0 =	sadd.s32 $0x1C00, s26;
	[sflag:s15] =	ssyncset.done $0x0  }
0x148: {  	s8 =	simm.s32 $0x8C00;
	s14 =	simm.s32 @!p1 $0x6;
	[sflag:s15] =	ssyncadd.s32 $0xFFFFF380  }
0x149: {  	[hbm4b:s0+s24] =	stream.strided.scatter [tilespmem:s8], [sflag:$0x6], $0x7000, s28, s24, $0x38;
	[tilespmem:$0x1DC00] =	vst v63  }
0x14a: {  	_ =	swait.ge @!p1 [sflag:s14], $0x7000  }
0x14b: {  	[sflag:s14] =	ssyncset.done @!p1 $0x0  }
0x14c: {  	s11 =	sadd.s32 @!p1 $0x8C0, s10;
	s0 =	simm.s32 @!p1 $0x8C00;
	[sflag:s14] =	ssyncadd.s32 @!p1 $0xFFFF9000  }
0x14d: {  	[tilespmem:s0], [sflag:$0x2] =	stream.indirect.gather @!p1 [hbm4b:s3+s1], $0x40, s11, s1, $0xb8;
	[tilespmem:$0x1DC00] =	vst v63  }
0x14e: {  	s13 =	sadd.s32 @!p1 $0x8F8, s10;
	s14 =	simm.s32 @!p1 $0x9A00  }
0x14f: {  	[tilespmem:s14], [sflag:$0x2] =	stream.indirect.gather @!p1 [hbm4b:s3+s1], $0x40, s13, s1, $0xb8;
	[tilespmem:$0x1DC00] =	vst v63  }
0x150: {  	s25 =	sadd.s32 @!p1 $0x930, s10;
	s0 =	simm.s32 @!p1 $0xA800  }
0x151: {  	[tilespmem:s0], [sflag:$0x2] =	stream.indirect.gather @!p1 [hbm4b:s3+s1], $0x40, s25, s1, $0xb8;
	[tilespmem:$0x1DC00] =	vst v63  }
0x152: {  	s18 =	sadd.s32 @!p1 $0x968, s10;
	s11 =	simm.s32 @!p1 $0xB600  }
0x153: {  	[tilespmem:s11], [sflag:$0x2] =	stream.indirect.gather @!p1 [hbm4b:s3+s1], $0x40, s18, s1, $0xb8;
	[tilespmem:$0x1DC00] =	vst v63  }
0x154: {  	s23 =	sadd.s32 @!p1 $0x9A0, s10;
	s0 =	simm.s32 @!p1 $0xC400  }
0x155: {  	[tilespmem:s0], [sflag:$0x2] =	stream.indirect.gather @!p1 [hbm4b:s3+s1], $0x40, s23, s1, $0xb8;
	[tilespmem:$0x1DC00] =	vst v63  }
0x156: {  	s9 =	sadd.s32 @!p1 $0x9D8, s10;
	s11 =	simm.s32 @!p1 $0xD200  }
0x157: {  	[tilespmem:s11], [sflag:$0x2] =	stream.indirect.gather @!p1 [hbm4b:s3+s1], $0x40, s9, s1, $0xb8;
	[tilespmem:$0x1DC00] =	vst v63  }
0x158: {  	s22 =	sadd.s32 @!p1 $0xA10, s10;
	s0 =	simm.s32 @!p1 $0xE000  }
0x159: {  	[tilespmem:s0], [sflag:$0x2] =	stream.indirect.gather @!p1 [hbm4b:s3+s1], $0x40, s22, s1, $0xb8;
	[tilespmem:$0x1DC00] =	vst v63  }
0x15a: {  	s6 =	sadd.s32 @!p1 $0xA48, s10;
	s9 =	simm.s32 @!p1 $0xEE00  }
0x15b: {  	[tilespmem:s9], [sflag:$0x2] =	stream.indirect.gather @!p1 [hbm4b:s3+s1], $0x40, s6, s1, $0xb8;
	[tilespmem:$0x1DC00] =	vst v63  }
0x15c: {  	s11 =	rddreg [dreg:$0xa];
	_ =	swait.ge [sflag:s16], $0xC80  }
0x15d: {  	[sflag:s16] =	ssyncset.done $0x0  }
0x15e: {  	[sflag:s16] =	ssyncadd.s32 $0xFFFFF380  }
0x15f: {  	_ =	swait.ge [sflag:s16], $0xC80  }
0x160: {  	[sflag:s16] =	ssyncset.done $0x0  }
0x161: {  	[sflag:s16] =	ssyncadd.s32 $0xFFFFF380  }
0x162: {  	_ =	swait.ge [sflag:s16], $0xC80  }
0x163: {  	[sflag:s16] =	ssyncset.done $0x0  }
0x164: {  	[sflag:s16] =	ssyncadd.s32 $0xFFFFF380  }
0x165: {  	_ =	swait.ge [sflag:s16], $0xC80  }
0x166: {  	[sflag:s16] =	ssyncset.done $0x0  }
0x167: {  	[sflag:s16] =	ssyncadd.s32 $0xFFFFF380  }
0x168: {  	_ =	swait.ge [sflag:s16], $0xC80  }
0x169: {  	[sflag:s16] =	ssyncset.done $0x0  }
0x16a: {  	[sflag:s16] =	ssyncadd.s32 $0xFFFFF380  }
0x16b: {  	_ =	swait.ge [sflag:s16], $0xC80  }
0x16c: {  	[sflag:s16] =	ssyncset.done $0x0  }
0x16d: {  	[sflag:s16] =	ssyncadd.s32 $0xFFFFF380  }
0x16e: {  	_ =	swait.ge [sflag:s16], $0xC80  }
0x16f: {  	[sflag:s16] =	ssyncset.done $0x0  }
0x170: {  	[sflag:s16] =	ssyncadd.s32 $0xFFFFF380  }
0x171: {  	_ =	swait.ge [sflag:s16], $0xC80  }
0x172: {  	s25 =	simm.s32 $0xFC00;
	[sflag:s16] =	ssyncset.done $0x0  }
0x173: {  	s23 =	sadd.s32 $0x3800, s26;
	s6 =	simm.s32 @!p1 $0x7;
	[sflag:s16] =	ssyncadd.s32 $0xFFFFF380  }
0x174: {  	[hbm4b:s23+s24] =	stream.strided.scatter [tilespmem:s25], [sflag:$0x7], $0x7000, s28, s24, $0x38;
	[tilespmem:$0x1DC00] =	vst v63  }
0x175: {  	_ =	swait.ge @!p1 [sflag:s6], $0x7000  }
0x176: {  	[sflag:s6] =	ssyncset.done @!p1 $0x0  }
0x177: {  	s21 =	sadd.s32 @!p1 $0xA80, s10;
	s0 =	simm.s32 @!p1 $0xFC00;
	[sflag:s6] =	ssyncadd.s32 @!p1 $0xFFFF9000  }
0x178: {  	[tilespmem:s0], [sflag:$0x3] =	stream.indirect.gather @!p1 [hbm4b:s3+s1], $0x40, s21, s1, $0xb8;
	[tilespmem:$0x1DC00] =	vst v63  }
0x179: {  	s19 =	sadd.s32 @!p1 $0xAB8, s10;
	s6 =	simm.s32 @!p1 $0x10A00  }
0x17a: {  	[tilespmem:s6], [sflag:$0x3] =	stream.indirect.gather @!p1 [hbm4b:s3+s1], $0x40, s19, s1, $0xb8;
	[tilespmem:$0x1DC00] =	vst v63  }
0x17b: {  	s20 =	sadd.s32 @!p1 $0xAF0, s10;
	s0 =	simm.s32 @!p1 $0x11800  }
0x17c: {  	[tilespmem:s0], [sflag:$0x3] =	stream.indirect.gather @!p1 [hbm4b:s3+s1], $0x40, s20, s1, $0xb8;
	[tilespmem:$0x1DC00] =	vst v63  }
0x17d: {  	s7 =	sadd.s32 @!p1 $0xB28, s10;
	s6 =	simm.s32 @!p1 $0x12600  }
0x17e: {  	[tilespmem:s6], [sflag:$0x3] =	stream.indirect.gather @!p1 [hbm4b:s3+s1], $0x40, s7, s1, $0xb8;
	[tilespmem:$0x1DC00] =	vst v63  }
0x17f: {  	s5 =	sadd.s32 @!p1 $0xB60, s10;
	s0 =	simm.s32 @!p1 $0x13400  }
0x180: {  	[tilespmem:s0], [sflag:$0x3] =	stream.indirect.gather @!p1 [hbm4b:s3+s1], $0x40, s5, s1, $0xb8;
	[tilespmem:$0x1DC00] =	vst v63  }
0x181: {  	s4 =	sadd.s32 @!p1 $0xB98, s10;
	s6 =	simm.s32 @!p1 $0x14200  }
0x182: {  	[tilespmem:s6], [sflag:$0x3] =	stream.indirect.gather @!p1 [hbm4b:s3+s1], $0x40, s4, s1, $0xb8;
	[tilespmem:$0x1DC00] =	vst v63  }
0x183: {  	s2 =	sadd.s32 @!p1 $0xBD0, s10;
	s0 =	simm.s32 @!p1 $0x15000  }
0x184: {  	[tilespmem:s0], [sflag:$0x3] =	stream.indirect.gather @!p1 [hbm4b:s3+s1], $0x40, s2, s1, $0xb8;
	[tilespmem:$0x1DC00] =	vst v63  }
0x185: {  	s10 =	sadd.s32 @!p1 $0xC08, s10;
	s4 =	simm.s32 @!p1 $0x15E00  }
0x186: {  	[tilespmem:s4], [sflag:$0x3] =	stream.indirect.gather @!p1 [hbm4b:s3+s1], $0x40, s10, s1, $0xb8;
	[tilespmem:$0x1DC00] =	vst v63  }
0x187: {  	s10 =	rddreg [dreg:$0x9];
	_ =	swait.ge [sflag:s17], $0xC80  }
0x188: {  	[sflag:s17] =	ssyncset.done $0x0  }
0x189: {  	[sflag:s17] =	ssyncadd.s32 $0xFFFFF380  }
0x18a: {  	_ =	swait.ge [sflag:s17], $0xC80  }
0x18b: {  	[sflag:s17] =	ssyncset.done $0x0  }
0x18c: {  	[sflag:s17] =	ssyncadd.s32 $0xFFFFF380  }
0x18d: {  	_ =	swait.ge [sflag:s17], $0xC80  }
0x18e: {  	[sflag:s17] =	ssyncset.done $0x0  }
0x18f: {  	[sflag:s17] =	ssyncadd.s32 $0xFFFFF380  }
0x190: {  	_ =	swait.ge [sflag:s17], $0xC80  }
0x191: {  	[sflag:s17] =	ssyncset.done $0x0  }
0x192: {  	[sflag:s17] =	ssyncadd.s32 $0xFFFFF380  }
0x193: {  	_ =	swait.ge [sflag:s17], $0xC80  }
0x194: {  	[sflag:s17] =	ssyncset.done $0x0  }
0x195: {  	[sflag:s17] =	ssyncadd.s32 $0xFFFFF380  }
0x196: {  	s29 =	sadd.s32 $0x1C00, s29;
	_ =	swait.ge [sflag:s17], $0xC80  }
0x197: {  	p0 =	sne.s32 s29, $0x7000;
	[sflag:s17] =	ssyncset.done $0x0  }
.Ltmp0:
0x198: {  	[sflag:s17] =	ssyncadd.s32 $0xFFFFF380;
	(pc) =	sbr.rel @p0 .LBB2_2-.Ltmp0, $4  }
0x199: {  	_ =	swait.ge [sflag:s17], $0xC80  }
0x19a: {  	[sflag:s17] =	ssyncset.done $0x0  }
0x19b: {  	s26 =	smov.u32 s30;
	[sflag:s17] =	ssyncadd.s32 $0xFFFFF380  }
0x19c: {  	s30 =	sadd.s32 $0x7000, s30;
	p1 =	seq.s32 s31, $0x0;
	_ =	swait.ge [sflag:s17], $0xC80  }
0x19d: {  	[sflag:s17] =	ssyncset.done $0x0;
	s0 =	simm.s32 @!p1 $0x8;
	s6 =	simm.s32 $0x16C00  }
0x19e: {  	s7 =	simm.s32 $0x40;
	s9 =	simm.s32 $0x80;
	[sflag:s17] =	ssyncadd.s32 $0xFFFFF380  }
0x19f: {  	[hbm4b:s11+s7] =	stream.strided.scatter [tilespmem:s6], [sflag:$0x8], $0x7000, s9, s7, $0x38;
	[tilespmem:$0x1DC00] =	vst v63  }
0x1a0: {  	_ =	swait.ge @!p1 [sflag:s0], $0x7000  }
0x1a1: {  	s1 =	sshra.s32 s31, $0x2;
	[sflag:s0] =	ssyncset.done @!p1 $0x0  }
0x1a2: {  	s5 =	simm.s32 $0x32;
	s2 =	sadd.s32 $0x540, s1;
	[sflag:s0] =	ssyncadd.s32 @!p1 $0xFFFF9000  }
0x1a3: {  	[tilespmem:s6], [sflag:$0x4] =	stream.indirect.gather [hbm4b:s3+s5], $0x40, s2, s5, $0xb8;
	[tilespmem:$0x1DC00] =	vst v63  }
0x1a4: {  	s19 =	sadd.s32 $0x578, s1;
	s4 =	rddreg [dreg:$0x2]  }
0x1a5: {  	[tilespmem:s4], [sflag:$0x4] =	stream.indirect.gather [hbm4b:s3+s5], $0x40, s19, s5, $0xb8;
	[tilespmem:$0x1DC00] =	vst v63  }
0x1a6: {  	s21 =	sadd.s32 $0x5B0, s1;
	s20 =	rddreg [dreg:$0x3]  }
0x1a7: {  	[tilespmem:s20], [sflag:$0x4] =	stream.indirect.gather [hbm4b:s3+s5], $0x40, s21, s5, $0xb8;
	[tilespmem:$0x1DC00] =	vst v63  }
0x1a8: {  	s23 =	sadd.s32 $0x5E8, s1;
	s22 =	rddreg [dreg:$0x4]  }
0x1a9: {  	[tilespmem:s22], [sflag:$0x4] =	stream.indirect.gather [hbm4b:s3+s5], $0x40, s23, s5, $0xb8;
	[tilespmem:$0x1DC00] =	vst v63  }
0x1aa: {  	s29 =	sadd.s32 $0x620, s1;
	s25 =	rddreg [dreg:$0x5]  }
0x1ab: {  	[tilespmem:s25], [sflag:$0x4] =	stream.indirect.gather [hbm4b:s3+s5], $0x40, s29, s5, $0xb8;
	[tilespmem:$0x1DC00] =	vst v63  }
0x1ac: {  	s30 =	rddreg [dreg:$0x6];
	s2 =	sadd.s32 $0x658, s1  }
0x1ad: {  	[tilespmem:s30], [sflag:$0x4] =	stream.indirect.gather [hbm4b:s3+s5], $0x40, s2, s5, $0xb8;
	[tilespmem:$0x1DC00] =	vst v63  }
0x1ae: {  	s11 =	sadd.s32 $0x690, s1;
	s8 =	rddreg [dreg:$0x7]  }
0x1af: {  	[tilespmem:s8], [sflag:$0x4] =	stream.indirect.gather [hbm4b:s3+s5], $0x40, s11, s5, $0xb8;
	[tilespmem:$0x1DC00] =	vst v63  }
0x1b0: {  	s14 =	sadd.s32 $0x6C8, s1;
	s13 =	rddreg [dreg:$0x8]  }
0x1b1: {  	[tilespmem:s13], [sflag:$0x4] =	stream.indirect.gather [hbm4b:s3+s5], $0x40, s14, s5, $0xb8;
	[tilespmem:$0x1DC00] =	vst v63  }
0x1b2: {  	_ =	swait.ge [sflag:s12], $0xC80  }
0x1b3: {  	[sflag:s12] =	ssyncset.done $0x0  }
0x1b4: {  	[sflag:s12] =	ssyncadd.s32 $0xFFFFF380  }
0x1b5: {  	_ =	swait.ge [sflag:s12], $0xC80  }
0x1b6: {  	[sflag:s12] =	ssyncset.done $0x0  }
0x1b7: {  	[sflag:s12] =	ssyncadd.s32 $0xFFFFF380  }
0x1b8: {  	_ =	swait.ge [sflag:s12], $0xC80  }
0x1b9: {  	[sflag:s12] =	ssyncset.done $0x0  }
0x1ba: {  	[sflag:s12] =	ssyncadd.s32 $0xFFFFF380  }
0x1bb: {  	_ =	swait.ge [sflag:s12], $0xC80  }
0x1bc: {  	[sflag:s12] =	ssyncset.done $0x0  }
0x1bd: {  	[sflag:s12] =	ssyncadd.s32 $0xFFFFF380  }
0x1be: {  	_ =	swait.ge [sflag:s12], $0xC80  }
0x1bf: {  	[sflag:s12] =	ssyncset.done $0x0  }
0x1c0: {  	[sflag:s12] =	ssyncadd.s32 $0xFFFFF380  }
0x1c1: {  	_ =	swait.ge [sflag:s12], $0xC80  }
0x1c2: {  	[sflag:s12] =	ssyncset.done $0x0  }
0x1c3: {  	[sflag:s12] =	ssyncadd.s32 $0xFFFFF380  }
0x1c4: {  	_ =	swait.ge [sflag:s12], $0xC80  }
0x1c5: {  	[sflag:s12] =	ssyncset.done $0x0  }
0x1c6: {  	[sflag:s12] =	ssyncadd.s32 $0xFFFFF380  }
0x1c7: {  	_ =	swait.ge [sflag:s12], $0xC80  }
0x1c8: {  	p0 =	seq.s32 s31, $0x5400;
	[sflag:s12] =	ssyncset.done $0x0  }
0x1c9: {  	s18 =	simm.s32 $0x1C00;
	s2 =	simm.s32 @!p0 $0x5;
	[sflag:s12] =	ssyncadd.s32 $0xFFFFF380  }
0x1ca: {  	[hbm4b:s26+s7] =	stream.strided.scatter [tilespmem:s18], [sflag:$0x5], $0x7000, s9, s7, $0x38;
	[tilespmem:$0x1DC00] =	vst v63  }
0x1cb: {  	_ =	swait.ge @!p0 [sflag:s2], $0x7000  }
0x1cc: {  	s0 =	sshra.s32 @!p0 s31, $0x2;
	s1 =	simm.s32 @!p0 $0x32;
	[sflag:s2] =	ssyncset.done @!p0 $0x0  }
0x1cd: {  	s4 =	sadd.s32 @!p0 $0x700, s0;
	[sflag:s2] =	ssyncadd.s32 @!p0 $0xFFFF9000;
	s2 =	simm.s32 @!p0 $0x1C00  }
0x1ce: {  	[tilespmem:s2], [sflag:$0x1] =	stream.indirect.gather @!p0 [hbm4b:s3+s1], $0x40, s4, s1, $0xb8;
	[tilespmem:$0x1DC00] =	vst v63  }
0x1cf: {  	s2 =	sadd.s32 @!p0 $0x738, s0;
	s4 =	simm.s32 @!p0 $0x2A00  }
0x1d0: {  	[tilespmem:s4], [sflag:$0x1] =	stream.indirect.gather @!p0 [hbm4b:s3+s1], $0x40, s2, s1, $0xb8;
	[tilespmem:$0x1DC00] =	vst v63  }
0x1d1: {  	s2 =	sadd.s32 @!p0 $0x770, s0;
	s4 =	simm.s32 @!p0 $0x3800  }
0x1d2: {  	[tilespmem:s4], [sflag:$0x1] =	stream.indirect.gather @!p0 [hbm4b:s3+s1], $0x40, s2, s1, $0xb8;
	[tilespmem:$0x1DC00] =	vst v63  }
0x1d3: {  	s2 =	sadd.s32 @!p0 $0x7A8, s0;
	s4 =	simm.s32 @!p0 $0x4600  }
0x1d4: {  	[tilespmem:s4], [sflag:$0x1] =	stream.indirect.gather @!p0 [hbm4b:s3+s1], $0x40, s2, s1, $0xb8;
	[tilespmem:$0x1DC00] =	vst v63  }
0x1d5: {  	s2 =	sadd.s32 @!p0 $0x7E0, s0;
	s4 =	simm.s32 @!p0 $0x5400  }
0x1d6: {  	[tilespmem:s4], [sflag:$0x1] =	stream.indirect.gather @!p0 [hbm4b:s3+s1], $0x40, s2, s1, $0xb8;
	[tilespmem:$0x1DC00] =	vst v63  }
0x1d7: {  	s2 =	sadd.s32 @!p0 $0x818, s0;
	s4 =	simm.s32 @!p0 $0x6200  }
0x1d8: {  	[tilespmem:s4], [sflag:$0x1] =	stream.indirect.gather @!p0 [hbm4b:s3+s1], $0x40, s2, s1, $0xb8;
	[tilespmem:$0x1DC00] =	vst v63  }
0x1d9: {  	s2 =	sadd.s32 @!p0 $0x850, s0;
	s4 =	simm.s32 @!p0 $0x7000  }
0x1da: {  	[tilespmem:s4], [sflag:$0x1] =	stream.indirect.gather @!p0 [hbm4b:s3+s1], $0x40, s2, s1, $0xb8;
	[tilespmem:$0x1DC00] =	vst v63  }
0x1db: {  	s2 =	sadd.s32 @!p0 $0x888, s0;
	s4 =	simm.s32 @!p0 $0x7E00  }
0x1dc: {  	[tilespmem:s4], [sflag:$0x1] =	stream.indirect.gather @!p0 [hbm4b:s3+s1], $0x40, s2, s1, $0xb8;
	[tilespmem:$0x1DC00] =	vst v63  }
0x1dd: {  	_ =	swait.ge [sflag:s15], $0xC80  }
0x1de: {  	[sflag:s15] =	ssyncset.done $0x0  }
0x1df: {  	[sflag:s15] =	ssyncadd.s32 $0xFFFFF380  }
0x1e0: {  	_ =	swait.ge [sflag:s15], $0xC80  }
0x1e1: {  	[sflag:s15] =	ssyncset.done $0x0  }
0x1e2: {  	[sflag:s15] =	ssyncadd.s32 $0xFFFFF380  }
0x1e3: {  	_ =	swait.ge [sflag:s15], $0xC80  }
0x1e4: {  	[sflag:s15] =	ssyncset.done $0x0  }
0x1e5: {  	[sflag:s15] =	ssyncadd.s32 $0xFFFFF380  }
0x1e6: {  	_ =	swait.ge [sflag:s15], $0xC80  }
0x1e7: {  	[sflag:s15] =	ssyncset.done $0x0  }
0x1e8: {  	[sflag:s15] =	ssyncadd.s32 $0xFFFFF380  }
0x1e9: {  	_ =	swait.ge [sflag:s15], $0xC80  }
0x1ea: {  	[sflag:s15] =	ssyncset.done $0x0  }
0x1eb: {  	[sflag:s15] =	ssyncadd.s32 $0xFFFFF380  }
0x1ec: {  	_ =	swait.ge [sflag:s15], $0xC80  }
0x1ed: {  	[sflag:s15] =	ssyncset.done $0x0  }
0x1ee: {  	[sflag:s15] =	ssyncadd.s32 $0xFFFFF380  }
0x1ef: {  	_ =	swait.ge [sflag:s15], $0xC80  }
0x1f0: {  	[sflag:s15] =	ssyncset.done $0x0  }
0x1f1: {  	[sflag:s15] =	ssyncadd.s32 $0xFFFFF380  }
0x1f2: {  	_ =	swait.ge [sflag:s15], $0xC80  }
0x1f3: {  	s19 =	sadd.s32 $0x1C00, s26;
	[sflag:s15] =	ssyncset.done $0x0  }
0x1f4: {  	s20 =	simm.s32 $0x8C00;
	s4 =	simm.s32 @!p0 $0x6;
	[sflag:s15] =	ssyncadd.s32 $0xFFFFF380  }
0x1f5: {  	[hbm4b:s19+s7] =	stream.strided.scatter [tilespmem:s20], [sflag:$0x6], $0x7000, s9, s7, $0x38;
	[tilespmem:$0x1DC00] =	vst v63  }
0x1f6: {  	_ =	swait.ge @!p0 [sflag:s4], $0x7000  }
0x1f7: {  	[sflag:s4] =	ssyncset.done @!p0 $0x0  }
0x1f8: {  	s2 =	sadd.s32 @!p0 $0x8C0, s0;
	[sflag:s4] =	ssyncadd.s32 @!p0 $0xFFFF9000;
	s4 =	simm.s32 @!p0 $0x8C00  }
0x1f9: {  	[tilespmem:s4], [sflag:$0x2] =	stream.indirect.gather @!p0 [hbm4b:s3+s1], $0x40, s2, s1, $0xb8;
	[tilespmem:$0x1DC00] =	vst v63  }
0x1fa: {  	s2 =	sadd.s32 @!p0 $0x8F8, s0;
	s4 =	simm.s32 @!p0 $0x9A00  }
0x1fb: {  	[tilespmem:s4], [sflag:$0x2] =	stream.indirect.gather @!p0 [hbm4b:s3+s1], $0x40, s2, s1, $0xb8;
	[tilespmem:$0x1DC00] =	vst v63  }
0x1fc: {  	s2 =	sadd.s32 @!p0 $0x930, s0;
	s4 =	simm.s32 @!p0 $0xA800  }
0x1fd: {  	[tilespmem:s4], [sflag:$0x2] =	stream.indirect.gather @!p0 [hbm4b:s3+s1], $0x40, s2, s1, $0xb8;
	[tilespmem:$0x1DC00] =	vst v63  }
0x1fe: {  	s2 =	sadd.s32 @!p0 $0x968, s0;
	s4 =	simm.s32 @!p0 $0xB600  }
0x1ff: {  	[tilespmem:s4], [sflag:$0x2] =	stream.indirect.gather @!p0 [hbm4b:s3+s1], $0x40, s2, s1, $0xb8;
	[tilespmem:$0x1DC00] =	vst v63  }
0x200: {  	s2 =	sadd.s32 @!p0 $0x9A0, s0;
	s4 =	simm.s32 @!p0 $0xC400  }
0x201: {  	[tilespmem:s4], [sflag:$0x2] =	stream.indirect.gather @!p0 [hbm4b:s3+s1], $0x40, s2, s1, $0xb8;
	[tilespmem:$0x1DC00] =	vst v63  }
0x202: {  	s2 =	sadd.s32 @!p0 $0x9D8, s0;
	s4 =	simm.s32 @!p0 $0xD200  }
0x203: {  	[tilespmem:s4], [sflag:$0x2] =	stream.indirect.gather @!p0 [hbm4b:s3+s1], $0x40, s2, s1, $0xb8;
	[tilespmem:$0x1DC00] =	vst v63  }
0x204: {  	s2 =	sadd.s32 @!p0 $0xA10, s0;
	s4 =	simm.s32 @!p0 $0xE000  }
0x205: {  	[tilespmem:s4], [sflag:$0x2] =	stream.indirect.gather @!p0 [hbm4b:s3+s1], $0x40, s2, s1, $0xb8;
	[tilespmem:$0x1DC00] =	vst v63  }
0x206: {  	s2 =	sadd.s32 @!p0 $0xA48, s0;
	s4 =	simm.s32 @!p0 $0xEE00  }
0x207: {  	[tilespmem:s4], [sflag:$0x2] =	stream.indirect.gather @!p0 [hbm4b:s3+s1], $0x40, s2, s1, $0xb8;
	[tilespmem:$0x1DC00] =	vst v63  }
0x208: {  	_ =	swait.ge [sflag:s16], $0xC80  }
0x209: {  	[sflag:s16] =	ssyncset.done $0x0  }
0x20a: {  	[sflag:s16] =	ssyncadd.s32 $0xFFFFF380  }
0x20b: {  	_ =	swait.ge [sflag:s16], $0xC80  }
0x20c: {  	[sflag:s16] =	ssyncset.done $0x0  }
0x20d: {  	[sflag:s16] =	ssyncadd.s32 $0xFFFFF380  }
0x20e: {  	_ =	swait.ge [sflag:s16], $0xC80  }
0x20f: {  	[sflag:s16] =	ssyncset.done $0x0  }
0x210: {  	[sflag:s16] =	ssyncadd.s32 $0xFFFFF380  }
0x211: {  	_ =	swait.ge [sflag:s16], $0xC80  }
0x212: {  	[sflag:s16] =	ssyncset.done $0x0  }
0x213: {  	[sflag:s16] =	ssyncadd.s32 $0xFFFFF380  }
0x214: {  	_ =	swait.ge [sflag:s16], $0xC80  }
0x215: {  	[sflag:s16] =	ssyncset.done $0x0  }
0x216: {  	[sflag:s16] =	ssyncadd.s32 $0xFFFFF380  }
0x217: {  	_ =	swait.ge [sflag:s16], $0xC80  }
0x218: {  	[sflag:s16] =	ssyncset.done $0x0  }
0x219: {  	[sflag:s16] =	ssyncadd.s32 $0xFFFFF380  }
0x21a: {  	_ =	swait.ge [sflag:s16], $0xC80  }
0x21b: {  	[sflag:s16] =	ssyncset.done $0x0  }
0x21c: {  	[sflag:s16] =	ssyncadd.s32 $0xFFFFF380  }
0x21d: {  	_ =	swait.ge [sflag:s16], $0xC80  }
0x21e: {  	s21 =	sadd.s32 $0x3800, s26;
	[sflag:s16] =	ssyncset.done $0x0  }
0x21f: {  	s22 =	simm.s32 $0xFC00;
	s4 =	simm.s32 @!p0 $0x7;
	[sflag:s16] =	ssyncadd.s32 $0xFFFFF380  }
0x220: {  	[hbm4b:s21+s7] =	stream.strided.scatter [tilespmem:s22], [sflag:$0x7], $0x7000, s9, s7, $0x38;
	[tilespmem:$0x1DC00] =	vst v63  }
0x221: {  	_ =	swait.ge @!p0 [sflag:s4], $0x7000  }
0x222: {  	[sflag:s4] =	ssyncset.done @!p0 $0x0  }
0x223: {  	s2 =	sadd.s32 @!p0 $0xA80, s0;
	[sflag:s4] =	ssyncadd.s32 @!p0 $0xFFFF9000;
	s4 =	simm.s32 @!p0 $0xFC00  }
0x224: {  	[tilespmem:s4], [sflag:$0x3] =	stream.indirect.gather @!p0 [hbm4b:s3+s1], $0x40, s2, s1, $0xb8;
	[tilespmem:$0x1DC00] =	vst v63  }
0x225: {  	s2 =	sadd.s32 @!p0 $0xAB8, s0;
	s4 =	simm.s32 @!p0 $0x10A00  }
0x226: {  	[tilespmem:s4], [sflag:$0x3] =	stream.indirect.gather @!p0 [hbm4b:s3+s1], $0x40, s2, s1, $0xb8;
	[tilespmem:$0x1DC00] =	vst v63  }
0x227: {  	s2 =	sadd.s32 @!p0 $0xAF0, s0;
	s4 =	simm.s32 @!p0 $0x11800  }
0x228: {  	[tilespmem:s4], [sflag:$0x3] =	stream.indirect.gather @!p0 [hbm4b:s3+s1], $0x40, s2, s1, $0xb8;
	[tilespmem:$0x1DC00] =	vst v63  }
0x229: {  	s2 =	sadd.s32 @!p0 $0xB28, s0;
	s4 =	simm.s32 @!p0 $0x12600  }
0x22a: {  	[tilespmem:s4], [sflag:$0x3] =	stream.indirect.gather @!p0 [hbm4b:s3+s1], $0x40, s2, s1, $0xb8;
	[tilespmem:$0x1DC00] =	vst v63  }
0x22b: {  	s2 =	sadd.s32 @!p0 $0xB60, s0;
	s4 =	simm.s32 @!p0 $0x13400  }
0x22c: {  	[tilespmem:s4], [sflag:$0x3] =	stream.indirect.gather @!p0 [hbm4b:s3+s1], $0x40, s2, s1, $0xb8;
	[tilespmem:$0x1DC00] =	vst v63  }
0x22d: {  	s2 =	sadd.s32 @!p0 $0xB98, s0;
	s4 =	simm.s32 @!p0 $0x14200  }
0x22e: {  	[tilespmem:s4], [sflag:$0x3] =	stream.indirect.gather @!p0 [hbm4b:s3+s1], $0x40, s2, s1, $0xb8;
	[tilespmem:$0x1DC00] =	vst v63  }
0x22f: {  	s2 =	sadd.s32 @!p0 $0xBD0, s0;
	s4 =	simm.s32 @!p0 $0x15000  }
0x230: {  	[tilespmem:s4], [sflag:$0x3] =	stream.indirect.gather @!p0 [hbm4b:s3+s1], $0x40, s2, s1, $0xb8;
	[tilespmem:$0x1DC00] =	vst v63  }
0x231: {  	s0 =	sadd.s32 @!p0 $0xC08, s0;
	s2 =	simm.s32 @!p0 $0x15E00  }
0x232: {  	[tilespmem:s2], [sflag:$0x3] =	stream.indirect.gather @!p0 [hbm4b:s3+s1], $0x40, s0, s1, $0xb8;
	[tilespmem:$0x1DC00] =	vst v63  }
0x233: {  	_ =	swait.ge [sflag:s17], $0xC80  }
0x234: {  	[sflag:s17] =	ssyncset.done $0x0  }
0x235: {  	[sflag:s17] =	ssyncadd.s32 $0xFFFFF380  }
0x236: {  	_ =	swait.ge [sflag:s17], $0xC80  }
0x237: {  	[sflag:s17] =	ssyncset.done $0x0  }
0x238: {  	[sflag:s17] =	ssyncadd.s32 $0xFFFFF380  }
0x239: {  	_ =	swait.ge [sflag:s17], $0xC80  }
0x23a: {  	[sflag:s17] =	ssyncset.done $0x0  }
0x23b: {  	[sflag:s17] =	ssyncadd.s32 $0xFFFFF380  }
0x23c: {  	_ =	swait.ge [sflag:s17], $0xC80  }
0x23d: {  	[sflag:s17] =	ssyncset.done $0x0  }
0x23e: {  	[sflag:s17] =	ssyncadd.s32 $0xFFFFF380  }
0x23f: {  	_ =	swait.ge [sflag:s17], $0xC80  }
0x240: {  	[sflag:s17] =	ssyncset.done $0x0  }
0x241: {  	[sflag:s17] =	ssyncadd.s32 $0xFFFFF380  }
0x242: {  	_ =	swait.ge [sflag:s17], $0xC80  }
0x243: {  	[sflag:s17] =	ssyncset.done $0x0  }
0x244: {  	[sflag:s17] =	ssyncadd.s32 $0xFFFFF380  }
0x245: {  	_ =	swait.ge [sflag:s17], $0xC80  }
0x246: {  	[sflag:s17] =	ssyncset.done $0x0  }
0x247: {  	[sflag:s17] =	ssyncadd.s32 $0xFFFFF380  }
0x248: {  	_ =	swait.ge [sflag:s17], $0xC80  }
0x249: {  	[sflag:s17] =	ssyncset.done $0x0  }
0x24a: {  	s23 =	simm.s32 $0x5;
	[sflag:s17] =	ssyncadd.s32 $0xFFFFF380  }
0x24b: {  	[hbm4b:s10+s7] =	stream.strided.scatter [tilespmem:s6], [sflag:$0x8], $0x7000, s9, s7, $0x38;
	[tilespmem:$0x1DC00] =	vst v63  }
0x24c: {  	_ =	swait.ge [sflag:s23], $0x7000  }
0x24d: {  	[sflag:s23] =	ssyncset.done $0x0  }
0x24e: {  	s25 =	simm.s32 $0x6;
	[sflag:s23] =	ssyncadd.s32 $0xFFFF9000  }
0x24f: {  	_ =	swait.ge [sflag:s25], $0x7000  }
0x250: {  	[sflag:s25] =	ssyncset.done $0x0  }
0x251: {  	s26 =	simm.s32 $0x7;
	[sflag:s25] =	ssyncadd.s32 $0xFFFF9000  }
0x252: {  	_ =	swait.ge [sflag:s26], $0x7000  }
0x253: {  	[sflag:s26] =	ssyncset.done $0x0  }
0x254: {  	s29 =	simm.s32 $0x8;
	[sflag:s26] =	ssyncadd.s32 $0xFFFF9000  }
0x255: {  	_ =	swait.ge [sflag:s29], $0x7000  }
0x256: {  	s30 =	rddreg [dreg:$0xe]  }
0x257: {  	s31 =	rddreg [dreg:$0xc];
	s2 =	sadd.s32 $0x1, s30  }
0x258: {  	p0 =	sne.s32 s2, s31  }
.Ltmp1:
0x259: {  	_ = 	snop;
	(pc) =	sbr.rel @p0 .LBB2_1-.Ltmp1, $3  }
0x25a: {  	_ =	sdelay $0x1  }
0x25b: {  	[sflag:s29] =	ssyncset.done $0x0  }
0x25c: {  	s8 =	simm.s32 $0x16C00;
	[sflag:s29] =	ssyncadd.s32 $0xFFFF9000  }
0x25d: {  	_ =	sfence.sel $0x180000  }
0x25e: {  	[bflag:$0x0] =	sbarrier.arrive $0xFFFF  }
0x25f: {  	_ =	strace $0x90000047  }
0x260: {  	s0 =	stileid.u32;
	[bflag:$0x2] =	sbarrier.arrive $0xFFFF  }
0x261: {  	p0 =	sne.s32 s0, $0x0;
	s0 =	rddreg [dreg:$0x1]  }
0x262: {  	s0 =	sadd.s32 @!p0 $0x100000, s0  }
0x263: {  	[sflag:s0] =	ssyncadd.tile.s32 @!p0 $0x1;
	_ =	shalt  }
.Lfunc_end2:
_tile_overlayer_lowered:
.L_overlay_start_2:
0x264: {  	(tag) =	ssettag $0x2  }
0x265: {  	s0 =	rddreg [dreg:$0x0];
	s2 =	stileid.u32  }
0x266: {  	s1 =	rddreg [dreg:$0x1];
	p0 =	sne.s32 s2, $0x0  }
0x267: {  	s3 =	rddreg [dreg:$0x2];
	[bflag:$0x3] =	sbarrier.arrive $0xFFFF;
	s2 =	simm.s32 @!p0 $0x1C09  }
0x268: {  	[timem:s3], [sflag:s2] =	dma.local @!p0 [hbm:s0], s1  }
0x269: {  	s0 =	simm.s32 @!p0 $0x9  }
0x26a: {  	_ =	swait.ge @!p0 [sflag:s0], s1  }
0x26b: {  	s1 =	ssub.s32 @!p0 $0x0, s1;
	[sflag:s0] =	ssyncset.done @!p0 $0x0  }
0x26c: {  	[sflag:s0] =	ssyncadd.s32 @!p0 s1  }
0x26d: {  	[bflag:$0x3] =	sbarrier.arrive $0xFFFF  }
0x26e: {  	_ =	shalt  }

// kernel: sparse-core-data-format-call.cloned.1.call-start
scs
called_computation_lowered:
.L_overlay_start_0:
0x0: {  	s2 =	sld [smem:$0x3FD9]  }
0x1: {  	s3 =	sld [smem:$0x3FFE];
	_ =	sdelay $0x1  }
0x2: {  	s1 =	srdreg.scid  }
0x3: {  	s0 =	sand.u32 $0x1, s1  }
0x4: {  	s18 =	sshll.u32 s0, $0xA;
	s2 =	sadd.s32 s3, s2  }
0x5: {  	s2 =	sadd.s32 s2, s18  }
0x6: {  	[smem:$0x3FC6] =	sst s2  }
0x7: {  	_ = 	snop  }
0x8: {  	s2 =	sld [smem:$0x3FD0];
	(tm) =	ssettm $0x1  }
0x9: {  	s19 =	sld [smem:$0x3FFB];
	_ =	sdelay $0x3  }
0xa: {  	_ =	strace s19  }
0xb: {  	s3 =	sld [smem:$0x3FFC];
	_ =	sdelay $0x3  }
0xc: {  	_ =	strace s3  }
0xd: {  	s3 =	sld [smem:$0x3FFD];
	_ =	sdelay $0x3  }
0xe: {  	_ =	strace s3  }
0xf: {  	_ =	strace $0x8FFFFFFF  }
0x10: {  	s20 =	sld [smem:$0x3FDB];
	_ =	sdelay $0x1  }
0x11: {  	s4 =	simm.s32 $_scs_section_size  }
0x12: {  	s5 =	simm.s32 $_size__tile_overlayer_lowered;
	s6 =	simm.s32 $_tile_overlayer_lowered  }
0x13: {  	s23 =	simm.s32 $0x1BFF;
	s22 =	sshll.u32 s6, $0x1;
	s3 =	sadd.s32 s4, s20  }
0x14: {  	s7 =	simm.s32 $0x0;
	s21 =	sshll.u32 s5, $0x1;
	s5 =	sadd.s32 s22, s3  }
0x15: {  	[timem:s7], [sflag:s23] =	dma.local [hbm:s5], s21  }
0x16: {  	_ =	swait.ge [sflag:s23], s21  }
0x17: {  	s4 =	ssub.s32 $0x0, s21;
	[sflag:s23] =	ssyncset.done $0x0  }
0x18: {  	[sflag:s23] =	ssyncadd.s32 s4;
	_ =	sdelay $0x1  }
0x19: {  	s24 =	simm.s32 $0x1B8B  }
0x1a: {  	_ =	swait.ge [sflag:s24], $0x1  }
0x1b: {  	[sflag:s24] =	ssyncset.done $0x0  }
0x1c: {  	s26 =	simm.s32 $0x1B8E;
	s25 =	sld [smem:$0x3FFE];
	[sflag:s24] =	ssyncadd.s32 $0xFFFFFFFF  }
0x1d: {  	s27 =	simm.s32 $execute0_lowered;
	[smem:$0x3FD2] =	sst s26  }
0x1e: {  	s5 =	sshll.u32 s27, $0x1;
	_ =	strace $0x80000049;
	[dreg:$0x1] =	wrdreg $0xFFFFFFFF  }
0x1f: {  	s28 =	simm.s32 $_size_execute0_lowered;
	s3 =	sadd.s32 s3, s5;
	[dreg:$0x0] =	wrdreg $0x0  }
0x20: {  	s5 =	sshll.u32 s28, $0x1;
	[dreg:$0x2] =	wrdreg s3  }
0x21: {  	[dreg:$0x3] =	wrdreg s5  }
0x22: {  	[dreg:$0x4] =	wrdreg $0xC0  }
0x23: {  	_ =	task [dreg:s7], $0x5FFFF  }
0x24: {  	[dreg:$0x1] =	wrdreg $0xFFFFFFFF  }
0x25: {  	[dreg:$0x0] =	wrdreg $0x60  }
0x26: {  	[dreg:$0x2] =	wrdreg s25  }
0x27: {  	[dreg:$0x3] =	wrdreg s2  }
0x28: {  	[dreg:$0x4] =	wrdreg $0x9  }
0x29: {  	_ =	task.clear_ibuf [dreg:s7], $0x5FFFF;
	_ =	strace $0x90000049  }
0x2a: {  	s29 =	simm.s32 $0x9;
	_ =	strace $0x8000004B  }
0x2b: {  	_ =	swait.ge [sflag:s29], $0x1  }
0x2c: {  	[sflag:s29] =	ssyncadd.s32 $0xFFFFFFFF  }
0x2d: {  	_ =	strace $0x9000004B  }
0x2e: {  	_ =	sfence  }
0x2f: {  	s30 =	sld [smem:$0x0];
	_ =	sdelay $0x2  }
0x30: {  	s31 =	sshll.u32 s1, $0xD;
	s1 =	sshrl.u32 s1, $0x2  }
0x31: {  	s3 =	sand.u32 $0x4000, s31;
	s1 =	sadd.s32 s1, s30  }
0x32: {  	s0 =	sor.u32 s3, s0;
	s1 =	sshll.u32 s1, $0x11  }
0x33: {  	s0 =	sor.u32 s1, s0  }
0x34: {  	s0 =	sadd.s32 $0x8F2B, s0  }
0x35: {  	[sflag:s0] =	ssyncadd.remote.s32 $0x1  }
0x36: {  	_ =	sfence.sel $0xFFFF  }
0x37: {  	[dreg:$0x0] =	wrdreg $0xFFFFFFFF;
	(pc) =	sbr.abs _section_cstart, $3  }
0x38: {  	[dreg:$0x1] =	wrdreg $0xFFFFFFFF  }
0x39: {  	_ =	task.clear_ibuf [dreg:s7], $0x2FFFF;
	_ =	strace $0x9FFFFFFF  }
0x3a: {  	(tm) =	ssettm $0x7FFFFFFF  }
0x3b: {  	_ =	shalt  }
tec
execute0_lowered:
.L_overlay_start_1:
0x0: {  	(tag) =	ssettag $0x1  }
0x1: {  	s0 =	srdreg.scid  }
0x2: {  	s1 =	sshll.u32 s0, $0x4  }
0x3: {  	s0 =	stileid.u32;
	s1 =	sand.u32 $0x10, s1  }
0x4: {  	s1 =	sor.u32 s0, s1  }
0x5: {  	s6 =	rddreg [dreg:$0x0];
	s4 =	simm.s32 $0x1;
	s2 =	sshll.u32 s1, $0x7  }
0x6: {  	s7 =	simm.s32 $0x2;
	s12 =	simm.s32 $0x0;
	s1 =	ssub.s32 $0x1000, s2  }
0x7: {  	s8 =	simm.s32 $0x8000;
	s13 =	simm.s32 $0x0;
	s3 =	sand.u32 $0xF80, s1  }
0x8: {  	s9 =	simm.s32 $0x0;
	s5 =	sshrl.u32 s1, $0xC;
	p0 =	sne.s32 s3, $0x0  }
.Ltmp0:
0x9: {  	s1 =	rddreg [dreg:$0x2];
	s4 =	simm.s32 @!p0 $0x0;
	(pc) =	sbr.rel .LBB1_1-.Ltmp0, $4  }
0xa: {  	s11 =	simm.s32 $0x0;
	s3 =	rddreg [dreg:$0x1];
	s5 =	sadd.s32 s4, s5  }
0xb: {  	_ =	strace $0x8000004A;
	s4 =	simm.s32 $0x1;
	s5 =	smul.u32 $0x32, s5  }
0xc: {  	s6 =	sadd.s32 $0xCAE00, s6;
	s10 =	smov.u32 s2;
	[sflag:s4] =	ssyncpa.u1 $0x0  }
0xd: {  	p0 =	por $0x0, $0x0;
	[sflag:s7] =	ssyncpa.u1 $0x0;
	s7 =	sor.u32 $0x1, s5  }
.LBB1_4:
0xe: {  	s16 =	sshll.u32 s13, $0x3;
	s17 =	sand.u32 $0x78, s13  }
0xf: {  	s30 =	sand.u32 $0x7E00, s13;
	s12 =	sshll.u32 s12, $0xF;
	s16 =	sand.u32 $0xC00, s16  }
0x10: {  	[tilespmem:s15+$0x810 ss:$0x81] =	vst.msk $0xffff, v2;
	s31 =	sand.u32 $0x7, s13;
	s16 =	sor.u32 s17, s16;
	s17 =	sadd.s32 s3, s30  }
0x11: {  	[tilespmem:s15+$0x1020 ss:$0x81] =	vst.msk $0xffff, v0;
	s13 =	sshll.u32 s31, $0x12;
	s12 =	sadd.s32 s12, s17;
	s16 =	sshrl.u32 s16, $0x3  }
0x12: {  	[tilespmem:s15+$0x0 ss:$0x81] =	vst.msk $0xffff, v1;
	s13 =	sor.u32 $0x400, s13;
	s12 =	sadd.s32 s16, s12  }
0x13: {  	[hbm4b:s12+s13] =	stream.strided.scatter [tilespmem:s14], [sflag:$0x2], $0x2000, s8, s13, $0x20;
	[tilespmem:$0x8080] =	vst v63  }
.LBB1_5:
0x14: {  	s14 =	sadd.s32 $0x1, s9  }
0x15: {  	s12 =	sadd.s32 $0x1000, s10;
	s16 =	smov.u32 s10;
	p2 =	sgt.s32 s14, $0x31  }
0x16: {  	s16 =	smov.u32 @p2 s12  }
0x17: {  	s14 =	simm.s32 @p2 $0x0;
	p2 =	sgt.s32 s16, $0xFFF  }
0x18: {  	s16 =	smov.u32 @p2 s2;
	p2 =	sne.s32 s11, s7  }
.Ltmp1:
0x19: {  	p1 =	slt.u32 s11, $0x2;
	(pc) =	sbr.rel @!p2 .LBB1_6-.Ltmp1, $4  }
0x1a: {  	s15 =	simm.s32 @!p1 $0x2  }
0x1b: {  	s13 =	smov.u32 s10;
	p0 =	por !p0, !p0;
	_ =	swait.ge @!p1 [sflag:s15], $0x2000  }
0x1c: {  	s12 =	smov.u32 s9;
	[sflag:s15] =	ssyncset.done @!p1 $0x0;
	s9 =	smov.u32 s14  }
0x1d: {  	s11 =	sadd.s32 $0x1, s11;
	[sflag:s15] =	ssyncadd.s32 @!p1 $0xFFFFE000;
	s10 =	smov.u32 s16  }
.LBB1_1:
0x1e: {  	p1 =	sge.u32 s11, s5  }
0x1f: {  	s14 =	sand.u32 @!p1 $0x1FFFFFF, s9  }
0x20: {  	s15 =	smulhi.u32 @!p1 $0x4924925, s14;
	_ =	sdelay $0x1  }
0x21: {  	s15 =	smul.u32 @!p1 $0x38, s15  }
0x22: {  	s16 =	sxor.u32 @!p1 $0xFFFFFFFF, s11;
	s17 =	smul.u32 @!p1 $0x380, s10  }
0x23: {  	s31 =	sadd.s32 $0xFFFFFFFF, s11;
	s16 =	sshll.u32 @!p1 s16, $0xD;
	s14 =	ssub.s32 @!p1 s14, s15  }
0x24: {  	s15 =	sand.u32 @!p1 $0x2000, s16;
	s16 =	sadd.s32 @!p1 s6, s17;
	s14 =	sshll.u32 @!p1 s14, $0x4  }
0x25: {  	s17 =	simm.s32 @!p1 $0x1C00;
	s14 =	sadd.s32 @!p1 s14, s16;
	s16 =	simm.s32 @!p1 $0x40  }
0x26: {  	[tilespmem:s15], [sflag:$0x1] =	stream.strided.gather @!p1 [hbm4b:s14+s16], $0x2000, s17, s16, $0x38;
	[tilespmem:$0x8080] =	vst v63  }
0x27: {  	p1 =	sge.u32 s31, s5  }
.Ltmp2:
0x28: {  	_ = 	snop;
	(pc) =	sbr.rel @p1 .LBB1_5-.Ltmp2, $1  }
0x29: {  	_ =	sdelay $0x3  }
0x2a: {  	s14 =	simm.s32 $0x1  }
0x2b: {  	_ =	swait.ge [sflag:s4], $0x2000;
	s14 =	simm.s32 @!p0 $0x0  }
0x2c: {  	[sflag:s4] =	ssyncset.done $0x0;
	s15 =	sshll.u32 s14, $0xD  }
0x2d: {  	[sflag:s4] =	ssyncadd.s32 $0xFFFFE000;
	s18 =	sor.u32 $0x20, s15  }
0x2e: {  	s14 =	smul.u32 $0x8100, s14;
	v3 =	vld [tilespmem:s18+$0x10]  }
0x2f: {  	s30 =	sand.u32 $0x1, s11;
	v2 =	vld [tilespmem:s18+$0xFFFFFFF0]  }
0x30: {  	s15 =	smul.u32 $0x8100, s30;
	s14 =	sshrl.u32 s14, $0x2;
	v0 =	vld [tilespmem:s18+$0x0]  }
0x31: {  	v1 =	vld [tilespmem:s18+$0xFFFFFFE0];
	s16 =	sor.u32 $0x4000, s14  }
0x32: {  	s31 =	sshrl.u32 s15, $0x2;
	s15 =	sadd.s32 $0x0, s16  }
0x33: {  	s17 =	simm.s32 $0x4;
	s18 =	sadd.s32 $0x40, s18;
	s14 =	sor.u32 $0x4000, s31;
	[tilespmem:s15+$0x1830 ss:$0x81] =	vst.msk $0xffff, v3  }
.LBB1_3:
0x34: {  	v3 =	vld [tilespmem:s18+$0x10];
	p1 =	sne.s32 s17, $0x1FC;
	[tilespmem:s15+$0x810 ss:$0x81] =	vst.msk $0xffff, v2;
	s19 =	smov.u32 s17;
	s17 =	sadd.s32 $0x4, s17  }
.Ltmp3:
0x35: {  	v2 =	vld [tilespmem:s18+$0xFFFFFFF0];
	[tilespmem:s15+$0x1020 ss:$0x81] =	vst.msk $0xffff, v0;
	(pc) =	sbr.rel @p1 .LBB1_3-.Ltmp3, $4  }
0x36: {  	v0 =	vld [tilespmem:s18+$0x0];
	[tilespmem:s15+$0x0 ss:$0x81] =	vst.msk $0xffff, v1  }
0x37: {  	s15 =	sshra.s32 s19, $0x2;
	v1 =	vld [tilespmem:s18+$0xFFFFFFE0]  }
0x38: {  	s15 =	sadd.s32 s15, s16  }
0x39: {  	s18 =	sadd.s32 $0x40, s18;
	[tilespmem:s15+$0x1830 ss:$0x81] =	vst.msk $0xffff, v3  }
.Ltmp4:
0x3a: {  	_ = 	snop;
	(pc) =	sbr.rel .LBB1_4-.Ltmp4, $1  }
0x3b: {  	_ =	sdelay $0x3  }
.LBB1_6:
0x3c: {  	_ =	sfence.sel $0x180000  }
0x3d: {  	s2 =	simm.s32 $0x1;
	[bflag:$0x0] =	sbarrier.arrive $0xFFFF  }
0x3e: {  	s31 =	simm.s32 $0x2;
	[sflag:s2] =	ssyncpa.u1 $0x1  }
0x3f: {  	[sflag:s31] =	ssyncpa.u1 $0x1  }
0x40: {  	p0 =	sne.s32 s0, $0x0;
	_ =	strace $0x9000004A  }
0x41: {  	s0 =	sadd.s32 @!p0 $0x100000, s1;
	[bflag:$0x2] =	sbarrier.arrive $0xFFFF  }
0x42: {  	[sflag:s0] =	ssyncadd.tile.s32 @!p0 $0x1;
	_ =	shalt  }
.Lfunc_end1:
_tile_overlayer_lowered:
.L_overlay_start_2:
0x43: {  	(tag) =	ssettag $0x2  }
0x44: {  	s0 =	rddreg [dreg:$0x0];
	s2 =	stileid.u32  }
0x45: {  	s1 =	rddreg [dreg:$0x1];
	p0 =	sne.s32 s2, $0x0  }
0x46: {  	s3 =	rddreg [dreg:$0x2];
	[bflag:$0x3] =	sbarrier.arrive $0xFFFF;
	s2 =	simm.s32 @!p0 $0x1C01  }
0x47: {  	[timem:s3], [sflag:s2] =	dma.local @!p0 [hbm:s0], s1  }
0x48: {  	s0 =	simm.s32 @!p0 $0x1  }
0x49: {  	_ =	swait.ge @!p0 [sflag:s0], s1  }
0x4a: {  	s1 =	ssub.s32 @!p0 $0x0, s1;
	[sflag:s0] =	ssyncset.done @!p0 $0x0  }
0x4b: {  	[sflag:s0] =	ssyncadd.s32 @!p0 s1  }
0x4c: {  	[bflag:$0x3] =	sbarrier.arrive $0xFFFF  }
0x4d: {  	_ =	shalt  }

</sc_bundles>
